<compile_context>
chip_gen: v7x
topology: tpu7x:2x2x1
jax: 0.10.2.dev20260603
libtpu: 0.0.44.dev20260713+nightly
codegen_flags: <defaults>
</compile_context>

<pallas_src>
import functools

import jax
import jax.numpy as jnp
from jax import lax
from jax.experimental import pallas as pl
from jax.experimental.pallas import tpu as pltpu
from jax.experimental.pallas import tpu_sc as plsc

_F = 16
_C = 3
_R = _F * _C
_DEPTH = 5
_OUT_HW = 256
_CELLS = 2 ** _DEPTH
_PIX = _OUT_HW // _CELLS

_f32 = jnp.float32
_bf16 = jnp.bfloat16


def _mm(a, b):
    return jnp.dot(a, b, precision=jax.lax.Precision.HIGHEST,
                   preferred_element_type=_f32)


def _mm1(a, b):
    return jnp.dot(a, b, preferred_element_type=_f32)


def _split(x):
    hi = x.astype(_bf16)
    lo = (x - hi.astype(_f32)).astype(_bf16)
    return hi, lo


def _mm_db(x, t):
    hi, lo = _split(x)
    return _mm1(hi, t) + _mm1(lo, t)


def _mm_bd(t, x):
    hi, lo = _split(x)
    return _mm1(t, hi) + _mm1(t, lo)


def _iota(shape, dim):
    return jax.lax.broadcasted_iota(jnp.int32, shape, dim)


def _shuf(x, idx):
    return x.at[idx].get(mode="promise_in_bounds")


def _splat_max(x, lane):
    y = x
    for sh in (1, 2, 4, 8):
        y = jnp.maximum(y, _shuf(y, lane ^ sh))
    return y


def _splat_sum(x, lane):
    y = x
    for sh in (1, 2, 4, 8):
        y = y + _shuf(y, lane ^ sh)
    return y


def _splat_min(x, lane):
    y = x
    for sh in (1, 2, 4, 8):
        y = jnp.minimum(y, _shuf(y, lane ^ sh))
    return y


def _sc_routing_body(sel_hbm, tvec_hbm, w_hbm, row_v, out_v):
    wid = lax.axis_index("c") * 16 + lax.axis_index("s")
    pltpu.sync_copy(tvec_hbm, out_v)
    t = out_v[...]
    pltpu.sync_copy(sel_hbm.at[wid // 2, wid % 2], row_v)
    x = row_v[...] / t
    lane = lax.broadcasted_iota(jnp.int32, (_F,), 0)
    e = jnp.exp(x - _splat_max(x, lane))
    p = e / _splat_sum(e, lane)
    thresh = p > 0.001
    keep = lane < 0
    work = p
    for k in (1, 2, 3):
        mx = _splat_max(work, lane)
        first = _splat_min(jnp.where(work == mx, lane, _F), lane)
        hit = lane == first
        keep = jnp.logical_or(keep, hit)
        work = jnp.where(hit, -1.0, work)
        out_v[...] = jnp.where(jnp.logical_and(keep, thresh), p, 0.0)
        pltpu.sync_copy(out_v, w_hbm.at[k - 1, wid])


_sc_routing = functools.partial(
    pl.kernel,
    mesh=plsc.VectorSubcoreMesh(core_axis_name="c", subcore_axis_name="s"),
    out_type=jax.ShapeDtypeStruct((3, 2 * _F, _F), _f32),
    scratch_types=[pltpu.VMEM((_F,), _f32), pltpu.VMEM((_F,), _f32)],
)(_sc_routing_body)


def _fractal_body(colors_ref, w_ref, out_ref):
    w = {k: w_ref[k - 1] for k in (1, 2, 3)}

    r48 = _iota((_R, 32), 0) // _C
    a_l = (_iota((_R, 32), 1) == 2 * r48).astype(_f32)
    a_r = (_iota((_R, 32), 1) == 2 * r48 + 1).astype(_f32)
    b = (_iota((_F, _R), 0) == _iota((_F, _R), 1) // _C).astype(_f32)
    m_ch = (_iota((_R, _R), 0) % _C == _iota((_R, _R), 1) % _C).astype(_f32)
    w_l = {k: _mm(_mm(a_l, w[k]), b) * m_ch for k in (1, 2, 3)}
    w_r = {k: _mm(_mm(a_r, w[k]), b) * m_ch for k in (1, 2, 3)}

    sig = jax.nn.sigmoid(colors_ref[...])
    a48 = (_iota((_R, _F), 1) == _iota((_R, _F), 0) // _C).astype(_f32)
    k_ch = (_iota((_R, _C), 1) == _iota((_R, _C), 0) % _C).astype(_f32)
    x = _mm(_mm(a48, sig) * k_ch, jnp.ones((_C, 1), _f32))

    rows = _iota((_R, 1), 0)
    is_even = ((rows // _C) % 2) == 0

    for depth in (4, 3, 2, 1):
        k = 3 if depth < 2 else (2 if depth < 4 else 1)
        rp = 2 ** (_DEPTH - depth)
        rc = rp // 2
        bl = _mm(w_l[k], x)
        br = _mm(w_r[k], x)
        i_id = _iota((rc * rc, rp * rp), 0)
        o_id = _iota((rc * rc, rp * rp), 1)
        oy, ox = o_id // rp, o_id % rp
        iy, ix = i_id // rc, i_id % rc
        t_et = ((oy < rc) & (iy == oy) & (ix == ox // 2)).astype(_bf16)
        t_eb = ((oy >= rc) & (iy == oy - rc) & (ix == ox // 2)).astype(_bf16)
        t_ol = ((ox < rc) & (ix == ox) & (iy == oy // 2)).astype(_bf16)
        t_or = ((ox >= rc) & (ix == ox - rc) & (iy == oy // 2)).astype(_bf16)
        bl_h, bl_l = _split(bl)
        br_h, br_l = _split(br)
        even = (_mm1(bl_h, t_et) + _mm1(bl_l, t_et)
                + _mm1(br_h, t_eb) + _mm1(br_l, t_eb))
        odd = (_mm1(bl_h, t_ol) + _mm1(bl_l, t_ol)
               + _mm1(br_h, t_or) + _mm1(br_l, t_or))
        x = jnp.where(is_even, even, odd)

    n1 = _CELLS // 2
    hh = _OUT_HW // 2
    bl0 = _mm(w_l[3][0:8], x)
    br0 = _mm(w_r[3][0:8], x)
    l16 = (_iota((n1, n1 * n1), 1) // n1
           == _iota((n1, n1 * n1), 0)).astype(_f32)
    c16 = (_iota((n1 * n1, n1), 0) % n1
           == _iota((n1 * n1, n1), 1)).astype(_bf16)
    u8r = (_iota((hh, n1), 1) == _iota((hh, n1), 0) // _PIX).astype(_bf16)
    u16t = (_iota((n1, _OUT_HW), 0)
            == _iota((n1, _OUT_HW), 1) // (2 * _PIX)).astype(_bf16)
    for c in range(_C):
        cell_t = _mm_db(l16 * bl0[c:c + 1, :], c16)
        cell_b = _mm_db(l16 * br0[c:c + 1, :], c16)
        out_ref[c, 0:hh, :] = _mm_bd(u8r, _mm_db(cell_t, u16t))
        out_ref[c, hh:_OUT_HW, :] = _mm_bd(u8r, _mm_db(cell_b, u16t))


def _run(colors, w3):
    return pl.pallas_call(
        _fractal_body,
        out_shape=jax.ShapeDtypeStruct((_C, _OUT_HW, _OUT_HW), _f32),
    )(colors, w3)


def kernel(frame_colors, frame_selection, split_ratios, temperature):
    del split_ratios
    tvec = jnp.full((_F,), temperature, _f32)
    w3 = _sc_routing(frame_selection.astype(_f32), tvec)
    return _run(frame_colors.astype(_f32), w3)

# --- scband reference (transcript-rebuilt; emitter-appended) ---
"""Pipeline reference for scband-fractal-frame-generator-65395172049479 (READ-ONLY COPY).

The authoritative reference and input builder live on the scoring server;
editing this copy changes nothing except your own understanding.
"""

import jax, jax.numpy as jnp
import numpy as np

NUM_FRAMES = 16
FRAME_H = 256
FRAME_W = 256
MAX_DEPTH = 5
SPLIT_DIRECTIONS = [i % 2 for i in range(NUM_FRAMES)]


def _np_softmax(x):
    e = np.exp(x - np.max(x))
    return e / e.sum()


def setup_inputs(seed: int = 0):
    key = jax.random.key(seed)
    k1, k2 = jax.random.split(key)
    frame_colors = jax.random.uniform(k1, (NUM_FRAMES, 3), dtype=jnp.float32)
    frame_selection = jax.random.uniform(k2, (NUM_FRAMES, 2, NUM_FRAMES), dtype=jnp.float32) * 5.0
    split_ratios = jnp.ones((NUM_FRAMES,), dtype=jnp.float32) * 0.5
    return {"frame_colors": frame_colors, "frame_selection": frame_selection, "split_ratios": split_ratios, "temperature": 1}


def reference(frame_colors, frame_selection, split_ratios, temperature):
    cache = {}

    def render(frame_idx, depth, h, w):
        memo_key = (frame_idx, depth, h, w)
        if memo_key in cache:
            return cache[memo_key]
        bg = jax.nn.sigmoid(frame_colors[frame_idx])
        if depth >= MAX_DEPTH or w < 2 or h < 2:
            out = jnp.broadcast_to(bg.reshape(3, 1, 1), (3, h, w))
            cache[memo_key] = out
            return out
        is_vertical = SPLIT_DIRECTIONS[frame_idx]
        output = jnp.zeros((3, h, w), dtype=jnp.float32) + 0.0 * split_ratios[frame_idx]
        if is_vertical:
            lw = max(1, int(w * 0.5))
            left_slice = (slice(None), slice(None), slice(0, lw))
            right_slice = (slice(None), slice(None), slice(lw, w))
            lh, lww = h, lw
            rh, rw = h, w - lw
        else:
            th = max(1, int(h * 0.5))
            left_slice = (slice(None), slice(0, th), slice(None))
            right_slice = (slice(None), slice(th, h), slice(None))
            lh, lww = th, w
            rh, rw = h - th, w
        left_probs = jax.nn.softmax(frame_selection[frame_idx, 0] / temperature)
        right_probs = jax.nn.softmax(frame_selection[frame_idx, 1] / temperature)
        k = 3 if depth < 2 else 2 if depth < 4 else 1
        k = min(k, NUM_FRAMES)
        l_children = jnp.stack([render(i, depth + 1, lh, lww) for i in range(NUM_FRAMES)])
        r_children = jnp.stack([render(i, depth + 1, rh, rw) for i in range(NUM_FRAMES)])
        l_idx = jnp.argsort(-left_probs)[:k]
        r_idx = jnp.argsort(-right_probs)[:k]
        l_sel = l_children[l_idx]
        r_sel = r_children[r_idx]
        l_p = left_probs[l_idx]
        r_p = right_probs[r_idx]
        for i in range(k):
            wgt = jnp.where(l_p[i] > 0.001, l_p[i], 0.0)
            output = output.at[left_slice].add(wgt * l_sel[i])
        for i in range(k):
            wgt = jnp.where(r_p[i] > 0.001, r_p[i], 0.0)
            output = output.at[right_slice].add(wgt * r_sel[i])
        cache[memo_key] = output
        return output

    return render(0, 0, FRAME_H, FRAME_W)

if __name__ == "__main__":
    import jax
    _d = setup_inputs()
    print(jax.jit(kernel)(*tuple(_d.values())))

</pallas_src>

<mosaic_0001>
#map = affine_map<(d0, d1) -> (0, 0, 0)>
#map1 = affine_map<(d0, d1) -> (0)>
module attributes {stable_mosaic.version = 14 : i64} {
  func.func @_sc_routing_body(%arg0: i32, %arg1: i32, %arg2: memref<16x2x16xf32, #tpu.memory_space<hbm>>, %arg3: memref<16xf32, #tpu.memory_space<hbm>>, %arg4: memref<3x32x16xf32, #tpu.memory_space<hbm>>, %arg5: memref<16xf32, #tpu.memory_space<vmem>>, %arg6: memref<16xf32, #tpu.memory_space<vmem>>) attributes {dimension_semantics = [#tpu.dimension_semantics<core_parallel>, #tpu.dimension_semantics<subcore_parallel>], iteration_bounds = array<i64: 2, 16>, scalar_prefetch = 0 : i64, scratch_operands = 2 : i64, tpu.core_type = #tpu.core_type<sc_vector_subcore>, window_params = [{transform_indices = #map}, {transform_indices = #map1}, {transform_indices = #map}]} {
    %mul3A = arith.constant 16 : i32
    %mul3A_0 = arith.muli %arg0, %mul3A : i32
    %add3A = arith.addi %mul3A_0, %arg1 : i32
    "tpu.region"() ({
      %run_scoped3A_538 = tpu.sem_alloc : memref<!tpu.dma_semaphore, #tpu.memory_space<semaphore_mem>>
      tpu.enqueue_dma source(%arg3 : memref<16xf32, #tpu.memory_space<hbm>>) target(%arg6 : memref<16xf32, #tpu.memory_space<vmem>>) target_semaphore(%run_scoped3A_538 : memref<!tpu.dma_semaphore, #tpu.memory_space<semaphore_mem>>)
      tpu.wait_dma2 semaphore(%run_scoped3A_538 : memref<!tpu.dma_semaphore, #tpu.memory_space<semaphore_mem>>) src(%arg3 : memref<16xf32, #tpu.memory_space<hbm>>) dst(%arg6 : memref<16xf32, #tpu.memory_space<vmem>>)
      tpu.yield
    }) : () -> ()
    %get3A = arith.constant 0 : index
    %get3A_1 = tpu.vector_load %arg6[%get3A] {strides = array<i32>} : memref<16xf32, #tpu.memory_space<vmem>>, vector<16xf32>,
    %get3A_2 = vector.shape_cast %get3A_1 : vector<16xf32> to vector<16xf32>
    %jit3A = arith.constant 2 : i32
    %div3A = arith.divsi %add3A, %jit3A : i32
    %sign3A = arith.constant 0 : i32
    %sign3A_3 = arith.cmpi sgt, %add3A, %sign3A : i32
    %sign3A_4 = arith.extui %sign3A_3 : i1 to i32
    %sign3A_5 = arith.constant 0 : i32
    %sign3A_6 = arith.cmpi slt, %add3A, %sign3A_5 : i32
    %sign3A_7 = arith.extui %sign3A_6 : i1 to i32
    %sign3A_8 = arith.subi %sign3A_4, %sign3A_7 : i32
    %sign3A_9 = arith.constant 0 : i32
    %sign3A_10 = arith.cmpi sgt, %jit3A, %sign3A_9 : i32
    %sign3A_11 = arith.extui %sign3A_10 : i1 to i32
    %sign3A_12 = arith.constant 0 : i32
    %sign3A_13 = arith.cmpi slt, %jit3A, %sign3A_12 : i32
    %sign3A_14 = arith.extui %sign3A_13 : i1 to i32
    %sign3A_15 = arith.subi %sign3A_11, %sign3A_14 : i32
    %ne3A = arith.cmpi ne, %sign3A_8, %sign3A_15 : i32
    %rem3A = arith.remsi %add3A, %jit3A : i32
    %ne3A_16 = arith.constant 0 : i32
    %ne3A_17 = arith.cmpi ne, %rem3A, %ne3A_16 : i32
    %and3A = arith.andi %ne3A, %ne3A_17 : i1
    %sub3A = arith.constant 1 : i32
    %sub3A_18 = arith.subi %div3A, %sub3A : i32
    %select_n3A = arith.select %and3A, %sub3A_18, %div3A : i32
    %jit3A_19 = arith.constant 2 : i32
    %eq3A = arith.constant 0 : i32
    %eq3A_20 = arith.cmpi eq, %jit3A_19, %eq3A : i32
    %jit3A_21 = arith.constant 1 : i32
    %select_n3A_22 = arith.select %eq3A_20, %jit3A_21, %jit3A_19 : i32
    %rem3A_23 = arith.remsi %add3A, %select_n3A_22 : i32
    %ne3A_24 = arith.constant 0 : i32
    %ne3A_25 = arith.cmpi ne, %rem3A_23, %ne3A_24 : i32
    %lt3A = arith.constant 0 : i32
    %lt3A_26 = arith.cmpi slt, %rem3A_23, %lt3A : i32
    %lt3A_27 = arith.constant 0 : i32
    %lt3A_28 = arith.cmpi slt, %select_n3A_22, %lt3A_27 : i32
    %ne3A_29 = arith.xori %lt3A_26, %lt3A_28 : i1
    %and3A_30 = arith.andi %ne3A_29, %ne3A_25 : i1
    %add3A_31 = arith.addi %rem3A_23, %select_n3A_22 : i32
    %select_n3A_32 = arith.select %and3A_30, %add3A_31, %rem3A_23 : i32
    "tpu.region"() ({
      %run_scoped3A_538 = tpu.sem_alloc : memref<!tpu.dma_semaphore, #tpu.memory_space<semaphore_mem>>
      %dma_start3A = arith.constant 0 : i32
      %dma_start3A_539 = tpu.memref_slice %arg2[%select_n3A, %select_n3A_32, %dma_start3A] : memref<16x2x16xf32, #tpu.memory_space<hbm>> -> memref<1x1x16xf32, #tpu.memory_space<hbm>>
      %dma_start3A_540 = tpu.memref_squeeze %dma_start3A_539 : memref<1x1x16xf32, #tpu.memory_space<hbm>> -> memref<16xf32, #tpu.memory_space<hbm>>
      %dma_start3A_541 = arith.constant 0 : i32
      %dma_start3A_542 = tpu.memref_slice %arg2[%select_n3A, %select_n3A_32, %dma_start3A_541] : memref<16x2x16xf32, #tpu.memory_space<hbm>> -> memref<1x1x16xf32, #tpu.memory_space<hbm>>
      %dma_start3A_543 = tpu.memref_squeeze %dma_start3A_542 : memref<1x1x16xf32, #tpu.memory_space<hbm>> -> memref<16xf32, #tpu.memory_space<hbm>>
      tpu.enqueue_dma source(%dma_start3A_543 : memref<16xf32, #tpu.memory_space<hbm>>) target(%arg5 : memref<16xf32, #tpu.memory_space<vmem>>) target_semaphore(%run_scoped3A_538 : memref<!tpu.dma_semaphore, #tpu.memory_space<semaphore_mem>>)
      %dma_wait3A = arith.constant 0 : i32
      %dma_wait3A_544 = tpu.memref_slice %arg2[%select_n3A, %select_n3A_32, %dma_wait3A] : memref<16x2x16xf32, #tpu.memory_space<hbm>> -> memref<1x1x16xf32, #tpu.memory_space<hbm>>
      %dma_wait3A_545 = tpu.memref_squeeze %dma_wait3A_544 : memref<1x1x16xf32, #tpu.memory_space<hbm>> -> memref<16xf32, #tpu.memory_space<hbm>>
      %dma_wait3A_546 = arith.constant 0 : i32
      %dma_wait3A_547 = tpu.memref_slice %arg2[%select_n3A, %select_n3A_32, %dma_wait3A_546] : memref<16x2x16xf32, #tpu.memory_space<hbm>> -> memref<1x1x16xf32, #tpu.memory_space<hbm>>
      %dma_wait3A_548 = tpu.memref_squeeze %dma_wait3A_547 : memref<1x1x16xf32, #tpu.memory_space<hbm>> -> memref<16xf32, #tpu.memory_space<hbm>>
      tpu.wait_dma2 semaphore(%run_scoped3A_538 : memref<!tpu.dma_semaphore, #tpu.memory_space<semaphore_mem>>) src(%dma_wait3A_548 : memref<16xf32, #tpu.memory_space<hbm>>) dst(%arg5 : memref<16xf32, #tpu.memory_space<vmem>>)
      tpu.yield
    }) : () -> ()
    %get3A_33 = arith.constant 0 : index
    %get3A_34 = tpu.vector_load %arg5[%get3A_33] {strides = array<i32>} : memref<16xf32, #tpu.memory_space<vmem>>, vector<16xf32>,
    %get3A_35 = vector.shape_cast %get3A_34 : vector<16xf32> to vector<16xf32>
    %div3A_36 = arith.divf %get3A_35, %get3A_2 : vector<16xf32>
    %iota3A = tpu.iota {dimensions = array<i32: 0>} : vector<16xi32>
    %xor3A = arith.constant 1 : i32
    %xor3A_37 = vector.broadcast %xor3A : i32 to vector<16xi32>
    %xor3A_38 = arith.xori %iota3A, %xor3A_37 : vector<16xi32>
    %lt3A_39 = arith.constant 0 : i32
    %lt3A_40 = vector.broadcast %lt3A_39 : i32 to vector<16xi32>
    %lt3A_41 = arith.cmpi slt, %xor3A_38, %lt3A_40 : vector<16xi32>
    %add3A_42 = arith.constant 16 : i32
    %add3A_43 = vector.broadcast %add3A_42 : i32 to vector<16xi32>
    %add3A_44 = arith.addi %xor3A_38, %add3A_43 : vector<16xi32>
    %select_n3A_45 = arith.select %lt3A_41, %add3A_44, %xor3A_38 : vector<16xi1>, vector<16xi32>
    %broadcast_in_dim3A = vector.shape_cast %select_n3A_45 : vector<16xi32> to vector<16x1xi32>
    %gather3A = vector.shape_cast %broadcast_in_dim3A : vector<16x1xi32> to vector<16xi32>
    %gather3A_46 = tpu.dynamic_gather %div3A_36[%gather3A] in [0] : vector<16xf32>, vector<16xi32> -> vector<16xf32>
    %max3A = arith.maximumf %div3A_36, %gather3A_46 : vector<16xf32>
    %xor3A_47 = arith.constant 2 : i32
    %xor3A_48 = vector.broadcast %xor3A_47 : i32 to vector<16xi32>
    %xor3A_49 = arith.xori %iota3A, %xor3A_48 : vector<16xi32>
    %lt3A_50 = arith.constant 0 : i32
    %lt3A_51 = vector.broadcast %lt3A_50 : i32 to vector<16xi32>
    %lt3A_52 = arith.cmpi slt, %xor3A_49, %lt3A_51 : vector<16xi32>
    %add3A_53 = arith.constant 16 : i32
    %add3A_54 = vector.broadcast %add3A_53 : i32 to vector<16xi32>
    %add3A_55 = arith.addi %xor3A_49, %add3A_54 : vector<16xi32>
    %select_n3A_56 = arith.select %lt3A_52, %add3A_55, %xor3A_49 : vector<16xi1>, vector<16xi32>
    %broadcast_in_dim3A_57 = vector.shape_cast %select_n3A_56 : vector<16xi32> to vector<16x1xi32>
    %gather3A_58 = vector.shape_cast %broadcast_in_dim3A_57 : vector<16x1xi32> to vector<16xi32>
    %gather3A_59 = tpu.dynamic_gather %max3A[%gather3A_58] in [0] : vector<16xf32>, vector<16xi32> -> vector<16xf32>
    %max3A_60 = arith.maximumf %max3A, %gather3A_59 : vector<16xf32>
    %xor3A_61 = arith.constant 4 : i32
    %xor3A_62 = vector.broadcast %xor3A_61 : i32 to vector<16xi32>
    %xor3A_63 = arith.xori %iota3A, %xor3A_62 : vector<16xi32>
    %lt3A_64 = arith.constant 0 : i32
    %lt3A_65 = vector.broadcast %lt3A_64 : i32 to vector<16xi32>
    %lt3A_66 = arith.cmpi slt, %xor3A_63, %lt3A_65 : vector<16xi32>
    %add3A_67 = arith.constant 16 : i32
    %add3A_68 = vector.broadcast %add3A_67 : i32 to vector<16xi32>
    %add3A_69 = arith.addi %xor3A_63, %add3A_68 : vector<16xi32>
    %select_n3A_70 = arith.select %lt3A_66, %add3A_69, %xor3A_63 : vector<16xi1>, vector<16xi32>
    %broadcast_in_dim3A_71 = vector.shape_cast %select_n3A_70 : vector<16xi32> to vector<16x1xi32>
    %gather3A_72 = vector.shape_cast %broadcast_in_dim3A_71 : vector<16x1xi32> to vector<16xi32>
    %gather3A_73 = tpu.dynamic_gather %max3A_60[%gather3A_72] in [0] : vector<16xf32>, vector<16xi32> -> vector<16xf32>
    %max3A_74 = arith.maximumf %max3A_60, %gather3A_73 : vector<16xf32>
    %xor3A_75 = arith.constant 8 : i32
    %xor3A_76 = vector.broadcast %xor3A_75 : i32 to vector<16xi32>
    %xor3A_77 = arith.xori %iota3A, %xor3A_76 : vector<16xi32>
    %lt3A_78 = arith.constant 0 : i32
    %lt3A_79 = vector.broadcast %lt3A_78 : i32 to vector<16xi32>
    %lt3A_80 = arith.cmpi slt, %xor3A_77, %lt3A_79 : vector<16xi32>
    %add3A_81 = arith.constant 16 : i32
    %add3A_82 = vector.broadcast %add3A_81 : i32 to vector<16xi32>
    %add3A_83 = arith.addi %xor3A_77, %add3A_82 : vector<16xi32>
    %select_n3A_84 = arith.select %lt3A_80, %add3A_83, %xor3A_77 : vector<16xi1>, vector<16xi32>
    %broadcast_in_dim3A_85 = vector.shape_cast %select_n3A_84 : vector<16xi32> to vector<16x1xi32>
    %gather3A_86 = vector.shape_cast %broadcast_in_dim3A_85 : vector<16x1xi32> to vector<16xi32>
    %gather3A_87 = tpu.dynamic_gather %max3A_74[%gather3A_86] in [0] : vector<16xf32>, vector<16xi32> -> vector<16xf32>
    %max3A_88 = arith.maximumf %max3A_74, %gather3A_87 : vector<16xf32>
    %sub3A_89 = arith.subf %div3A_36, %max3A_88 : vector<16xf32>
    %exp3A = math.exp %sub3A_89 : vector<16xf32>
    %xor3A_90 = arith.constant 1 : i32
    %xor3A_91 = vector.broadcast %xor3A_90 : i32 to vector<16xi32>
    %xor3A_92 = arith.xori %iota3A, %xor3A_91 : vector<16xi32>
    %lt3A_93 = arith.constant 0 : i32
    %lt3A_94 = vector.broadcast %lt3A_93 : i32 to vector<16xi32>
    %lt3A_95 = arith.cmpi slt, %xor3A_92, %lt3A_94 : vector<16xi32>
    %add3A_96 = arith.constant 16 : i32
    %add3A_97 = vector.broadcast %add3A_96 : i32 to vector<16xi32>
    %add3A_98 = arith.addi %xor3A_92, %add3A_97 : vector<16xi32>
    %select_n3A_99 = arith.select %lt3A_95, %add3A_98, %xor3A_92 : vector<16xi1>, vector<16xi32>
    %broadcast_in_dim3A_100 = vector.shape_cast %select_n3A_99 : vector<16xi32> to vector<16x1xi32>
    %gather3A_101 = vector.shape_cast %broadcast_in_dim3A_100 : vector<16x1xi32> to vector<16xi32>
    %gather3A_102 = tpu.dynamic_gather %exp3A[%gather3A_101] in [0] : vector<16xf32>, vector<16xi32> -> vector<16xf32>
    %add3A_103 = arith.addf %exp3A, %gather3A_102 : vector<16xf32>
    %xor3A_104 = arith.constant 2 : i32
    %xor3A_105 = vector.broadcast %xor3A_104 : i32 to vector<16xi32>
    %xor3A_106 = arith.xori %iota3A, %xor3A_105 : vector<16xi32>
    %lt3A_107 = arith.constant 0 : i32
    %lt3A_108 = vector.broadcast %lt3A_107 : i32 to vector<16xi32>
    %lt3A_109 = arith.cmpi slt, %xor3A_106, %lt3A_108 : vector<16xi32>
    %add3A_110 = arith.constant 16 : i32
    %add3A_111 = vector.broadcast %add3A_110 : i32 to vector<16xi32>
    %add3A_112 = arith.addi %xor3A_106, %add3A_111 : vector<16xi32>
    %select_n3A_113 = arith.select %lt3A_109, %add3A_112, %xor3A_106 : vector<16xi1>, vector<16xi32>
    %broadcast_in_dim3A_114 = vector.shape_cast %select_n3A_113 : vector<16xi32> to vector<16x1xi32>
    %gather3A_115 = vector.shape_cast %broadcast_in_dim3A_114 : vector<16x1xi32> to vector<16xi32>
    %gather3A_116 = tpu.dynamic_gather %add3A_103[%gather3A_115] in [0] : vector<16xf32>, vector<16xi32> -> vector<16xf32>
    %add3A_117 = arith.addf %add3A_103, %gather3A_116 : vector<16xf32>
    %xor3A_118 = arith.constant 4 : i32
    %xor3A_119 = vector.broadcast %xor3A_118 : i32 to vector<16xi32>
    %xor3A_120 = arith.xori %iota3A, %xor3A_119 : vector<16xi32>
    %lt3A_121 = arith.constant 0 : i32
    %lt3A_122 = vector.broadcast %lt3A_121 : i32 to vector<16xi32>
    %lt3A_123 = arith.cmpi slt, %xor3A_120, %lt3A_122 : vector<16xi32>
    %add3A_124 = arith.constant 16 : i32
    %add3A_125 = vector.broadcast %add3A_124 : i32 to vector<16xi32>
    %add3A_126 = arith.addi %xor3A_120, %add3A_125 : vector<16xi32>
    %select_n3A_127 = arith.select %lt3A_123, %add3A_126, %xor3A_120 : vector<16xi1>, vector<16xi32>
    %broadcast_in_dim3A_128 = vector.shape_cast %select_n3A_127 : vector<16xi32> to vector<16x1xi32>
    %gather3A_129 = vector.shape_cast %broadcast_in_dim3A_128 : vector<16x1xi32> to vector<16xi32>
    %gather3A_130 = tpu.dynamic_gather %add3A_117[%gather3A_129] in [0] : vector<16xf32>, vector<16xi32> -> vector<16xf32>
    %add3A_131 = arith.addf %add3A_117, %gather3A_130 : vector<16xf32>
    %xor3A_132 = arith.constant 8 : i32
    %xor3A_133 = vector.broadcast %xor3A_132 : i32 to vector<16xi32>
    %xor3A_134 = arith.xori %iota3A, %xor3A_133 : vector<16xi32>
    %lt3A_135 = arith.constant 0 : i32
    %lt3A_136 = vector.broadcast %lt3A_135 : i32 to vector<16xi32>
    %lt3A_137 = arith.cmpi slt, %xor3A_134, %lt3A_136 : vector<16xi32>
    %add3A_138 = arith.constant 16 : i32
    %add3A_139 = vector.broadcast %add3A_138 : i32 to vector<16xi32>
    %add3A_140 = arith.addi %xor3A_134, %add3A_139 : vector<16xi32>
    %select_n3A_141 = arith.select %lt3A_137, %add3A_140, %xor3A_134 : vector<16xi1>, vector<16xi32>
    %broadcast_in_dim3A_142 = vector.shape_cast %select_n3A_141 : vector<16xi32> to vector<16x1xi32>
    %gather3A_143 = vector.shape_cast %broadcast_in_dim3A_142 : vector<16x1xi32> to vector<16xi32>
    %gather3A_144 = tpu.dynamic_gather %add3A_131[%gather3A_143] in [0] : vector<16xf32>, vector<16xi32> -> vector<16xf32>
    %add3A_145 = arith.addf %add3A_131, %gather3A_144 : vector<16xf32>
    %div3A_146 = arith.divf %exp3A, %add3A_145 : vector<16xf32>
    %gt3A = arith.constant 1.000000e-03 : f32
    %gt3A_147 = vector.broadcast %gt3A : f32 to vector<16xf32>
    %gt3A_148 = arith.cmpf ogt, %div3A_146, %gt3A_147 : vector<16xf32>
    %lt3A_149 = arith.constant 0 : i32
    %lt3A_150 = vector.broadcast %lt3A_149 : i32 to vector<16xi32>
    %lt3A_151 = arith.cmpi slt, %iota3A, %lt3A_150 : vector<16xi32>
    %xor3A_152 = arith.constant 1 : i32
    %xor3A_153 = vector.broadcast %xor3A_152 : i32 to vector<16xi32>
    %xor3A_154 = arith.xori %iota3A, %xor3A_153 : vector<16xi32>
    %lt3A_155 = arith.constant 0 : i32
    %lt3A_156 = vector.broadcast %lt3A_155 : i32 to vector<16xi32>
    %lt3A_157 = arith.cmpi slt, %xor3A_154, %lt3A_156 : vector<16xi32>
    %add3A_158 = arith.constant 16 : i32
    %add3A_159 = vector.broadcast %add3A_158 : i32 to vector<16xi32>
    %add3A_160 = arith.addi %xor3A_154, %add3A_159 : vector<16xi32>
    %select_n3A_161 = arith.select %lt3A_157, %add3A_160, %xor3A_154 : vector<16xi1>, vector<16xi32>
    %broadcast_in_dim3A_162 = vector.shape_cast %select_n3A_161 : vector<16xi32> to vector<16x1xi32>
    %gather3A_163 = vector.shape_cast %broadcast_in_dim3A_162 : vector<16x1xi32> to vector<16xi32>
    %gather3A_164 = tpu.dynamic_gather %div3A_146[%gather3A_163] in [0] : vector<16xf32>, vector<16xi32> -> vector<16xf32>
    %max3A_165 = arith.maximumf %div3A_146, %gather3A_164 : vector<16xf32>
    %xor3A_166 = arith.constant 2 : i32
    %xor3A_167 = vector.broadcast %xor3A_166 : i32 to vector<16xi32>
    %xor3A_168 = arith.xori %iota3A, %xor3A_167 : vector<16xi32>
    %lt3A_169 = arith.constant 0 : i32
    %lt3A_170 = vector.broadcast %lt3A_169 : i32 to vector<16xi32>
    %lt3A_171 = arith.cmpi slt, %xor3A_168, %lt3A_170 : vector<16xi32>
    %add3A_172 = arith.constant 16 : i32
    %add3A_173 = vector.broadcast %add3A_172 : i32 to vector<16xi32>
    %add3A_174 = arith.addi %xor3A_168, %add3A_173 : vector<16xi32>
    %select_n3A_175 = arith.select %lt3A_171, %add3A_174, %xor3A_168 : vector<16xi1>, vector<16xi32>
    %broadcast_in_dim3A_176 = vector.shape_cast %select_n3A_175 : vector<16xi32> to vector<16x1xi32>
    %gather3A_177 = vector.shape_cast %broadcast_in_dim3A_176 : vector<16x1xi32> to vector<16xi32>
    %gather3A_178 = tpu.dynamic_gather %max3A_165[%gather3A_177] in [0] : vector<16xf32>, vector<16xi32> -> vector<16xf32>
    %max3A_179 = arith.maximumf %max3A_165, %gather3A_178 : vector<16xf32>
    %xor3A_180 = arith.constant 4 : i32
    %xor3A_181 = vector.broadcast %xor3A_180 : i32 to vector<16xi32>
    %xor3A_182 = arith.xori %iota3A, %xor3A_181 : vector<16xi32>
    %lt3A_183 = arith.constant 0 : i32
    %lt3A_184 = vector.broadcast %lt3A_183 : i32 to vector<16xi32>
    %lt3A_185 = arith.cmpi slt, %xor3A_182, %lt3A_184 : vector<16xi32>
    %add3A_186 = arith.constant 16 : i32
    %add3A_187 = vector.broadcast %add3A_186 : i32 to vector<16xi32>
    %add3A_188 = arith.addi %xor3A_182, %add3A_187 : vector<16xi32>
    %select_n3A_189 = arith.select %lt3A_185, %add3A_188, %xor3A_182 : vector<16xi1>, vector<16xi32>
    %broadcast_in_dim3A_190 = vector.shape_cast %select_n3A_189 : vector<16xi32> to vector<16x1xi32>
    %gather3A_191 = vector.shape_cast %broadcast_in_dim3A_190 : vector<16x1xi32> to vector<16xi32>
    %gather3A_192 = tpu.dynamic_gather %max3A_179[%gather3A_191] in [0] : vector<16xf32>, vector<16xi32> -> vector<16xf32>
    %max3A_193 = arith.maximumf %max3A_179, %gather3A_192 : vector<16xf32>
    %xor3A_194 = arith.constant 8 : i32
    %xor3A_195 = vector.broadcast %xor3A_194 : i32 to vector<16xi32>
    %xor3A_196 = arith.xori %iota3A, %xor3A_195 : vector<16xi32>
    %lt3A_197 = arith.constant 0 : i32
    %lt3A_198 = vector.broadcast %lt3A_197 : i32 to vector<16xi32>
    %lt3A_199 = arith.cmpi slt, %xor3A_196, %lt3A_198 : vector<16xi32>
    %add3A_200 = arith.constant 16 : i32
    %add3A_201 = vector.broadcast %add3A_200 : i32 to vector<16xi32>
    %add3A_202 = arith.addi %xor3A_196, %add3A_201 : vector<16xi32>
    %select_n3A_203 = arith.select %lt3A_199, %add3A_202, %xor3A_196 : vector<16xi1>, vector<16xi32>
    %broadcast_in_dim3A_204 = vector.shape_cast %select_n3A_203 : vector<16xi32> to vector<16x1xi32>
    %gather3A_205 = vector.shape_cast %broadcast_in_dim3A_204 : vector<16x1xi32> to vector<16xi32>
    %gather3A_206 = tpu.dynamic_gather %max3A_193[%gather3A_205] in [0] : vector<16xf32>, vector<16xi32> -> vector<16xf32>
    %max3A_207 = arith.maximumf %max3A_193, %gather3A_206 : vector<16xf32>
    %eq3A_208 = arith.cmpf oeq, %div3A_146, %max3A_207 : vector<16xf32>
    %jit3A_209 = arith.constant 16 : i32
    %broadcast_in_dim3A_210 = vector.broadcast %jit3A_209 : i32 to vector<16xi32>
    %select_n3A_211 = arith.select %eq3A_208, %iota3A, %broadcast_in_dim3A_210 : vector<16xi1>, vector<16xi32>
    %xor3A_212 = arith.constant 1 : i32
    %xor3A_213 = vector.broadcast %xor3A_212 : i32 to vector<16xi32>
    %xor3A_214 = arith.xori %iota3A, %xor3A_213 : vector<16xi32>
    %lt3A_215 = arith.constant 0 : i32
    %lt3A_216 = vector.broadcast %lt3A_215 : i32 to vector<16xi32>
    %lt3A_217 = arith.cmpi slt, %xor3A_214, %lt3A_216 : vector<16xi32>
    %add3A_218 = arith.constant 16 : i32
    %add3A_219 = vector.broadcast %add3A_218 : i32 to vector<16xi32>
    %add3A_220 = arith.addi %xor3A_214, %add3A_219 : vector<16xi32>
    %select_n3A_221 = arith.select %lt3A_217, %add3A_220, %xor3A_214 : vector<16xi1>, vector<16xi32>
    %broadcast_in_dim3A_222 = vector.shape_cast %select_n3A_221 : vector<16xi32> to vector<16x1xi32>
    %gather3A_223 = vector.shape_cast %broadcast_in_dim3A_222 : vector<16x1xi32> to vector<16xi32>
    %gather3A_224 = tpu.dynamic_gather %select_n3A_211[%gather3A_223] in [0] : vector<16xi32>, vector<16xi32> -> vector<16xi32>
    %min3A = arith.minsi %select_n3A_211, %gather3A_224 : vector<16xi32>
    %xor3A_225 = arith.constant 2 : i32
    %xor3A_226 = vector.broadcast %xor3A_225 : i32 to vector<16xi32>
    %xor3A_227 = arith.xori %iota3A, %xor3A_226 : vector<16xi32>
    %lt3A_228 = arith.constant 0 : i32
    %lt3A_229 = vector.broadcast %lt3A_228 : i32 to vector<16xi32>
    %lt3A_230 = arith.cmpi slt, %xor3A_227, %lt3A_229 : vector<16xi32>
    %add3A_231 = arith.constant 16 : i32
    %add3A_232 = vector.broadcast %add3A_231 : i32 to vector<16xi32>
    %add3A_233 = arith.addi %xor3A_227, %add3A_232 : vector<16xi32>
    %select_n3A_234 = arith.select %lt3A_230, %add3A_233, %xor3A_227 : vector<16xi1>, vector<16xi32>
    %broadcast_in_dim3A_235 = vector.shape_cast %select_n3A_234 : vector<16xi32> to vector<16x1xi32>
    %gather3A_236 = vector.shape_cast %broadcast_in_dim3A_235 : vector<16x1xi32> to vector<16xi32>
    %gather3A_237 = tpu.dynamic_gather %min3A[%gather3A_236] in [0] : vector<16xi32>, vector<16xi32> -> vector<16xi32>
    %min3A_238 = arith.minsi %min3A, %gather3A_237 : vector<16xi32>
    %xor3A_239 = arith.constant 4 : i32
    %xor3A_240 = vector.broadcast %xor3A_239 : i32 to vector<16xi32>
    %xor3A_241 = arith.xori %iota3A, %xor3A_240 : vector<16xi32>
    %lt3A_242 = arith.constant 0 : i32
    %lt3A_243 = vector.broadcast %lt3A_242 : i32 to vector<16xi32>
    %lt3A_244 = arith.cmpi slt, %xor3A_241, %lt3A_243 : vector<16xi32>
    %add3A_245 = arith.constant 16 : i32
    %add3A_246 = vector.broadcast %add3A_245 : i32 to vector<16xi32>
    %add3A_247 = arith.addi %xor3A_241, %add3A_246 : vector<16xi32>
    %select_n3A_248 = arith.select %lt3A_244, %add3A_247, %xor3A_241 : vector<16xi1>, vector<16xi32>
    %broadcast_in_dim3A_249 = vector.shape_cast %select_n3A_248 : vector<16xi32> to vector<16x1xi32>
    %gather3A_250 = vector.shape_cast %broadcast_in_dim3A_249 : vector<16x1xi32> to vector<16xi32>
    %gather3A_251 = tpu.dynamic_gather %min3A_238[%gather3A_250] in [0] : vector<16xi32>, vector<16xi32> -> vector<16xi32>
    %min3A_252 = arith.minsi %min3A_238, %gather3A_251 : vector<16xi32>
    %xor3A_253 = arith.constant 8 : i32
    %xor3A_254 = vector.broadcast %xor3A_253 : i32 to vector<16xi32>
    %xor3A_255 = arith.xori %iota3A, %xor3A_254 : vector<16xi32>
    %lt3A_256 = arith.constant 0 : i32
    %lt3A_257 = vector.broadcast %lt3A_256 : i32 to vector<16xi32>
    %lt3A_258 = arith.cmpi slt, %xor3A_255, %lt3A_257 : vector<16xi32>
    %add3A_259 = arith.constant 16 : i32
    %add3A_260 = vector.broadcast %add3A_259 : i32 to vector<16xi32>
    %add3A_261 = arith.addi %xor3A_255, %add3A_260 : vector<16xi32>
    %select_n3A_262 = arith.select %lt3A_258, %add3A_261, %xor3A_255 : vector<16xi1>, vector<16xi32>
    %broadcast_in_dim3A_263 = vector.shape_cast %select_n3A_262 : vector<16xi32> to vector<16x1xi32>
    %gather3A_264 = vector.shape_cast %broadcast_in_dim3A_263 : vector<16x1xi32> to vector<16xi32>
    %gather3A_265 = tpu.dynamic_gather %min3A_252[%gather3A_264] in [0] : vector<16xi32>, vector<16xi32> -> vector<16xi32>
    %min3A_266 = arith.minsi %min3A_252, %gather3A_265 : vector<16xi32>
    %eq3A_267 = arith.cmpi eq, %iota3A, %min3A_266 : vector<16xi32>
    %or3A = arith.ori %lt3A_151, %eq3A_267 : vector<16xi1>
    %jit3A_268 = arith.constant -1.000000e+00 : f32
    %broadcast_in_dim3A_269 = vector.broadcast %jit3A_268 : f32 to vector<16xf32>
    %select_n3A_270 = arith.select %eq3A_267, %broadcast_in_dim3A_269, %div3A_146 : vector<16xi1>, vector<16xf32>
    %and3A_271 = arith.andi %or3A, %gt3A_148 : vector<16xi1>
    %jit3A_272 = arith.constant 0.000000e+00 : f32
    %broadcast_in_dim3A_273 = vector.broadcast %jit3A_272 : f32 to vector<16xf32>
    %select_n3A_274 = arith.select %and3A_271, %div3A_146, %broadcast_in_dim3A_273 : vector<16xi1>, vector<16xf32>
    %swap3A = arith.constant 0 : index
    %swap3A_275 = tpu.vector_load %arg6[%swap3A] {strides = array<i32>} : memref<16xf32, #tpu.memory_space<vmem>>, vector<16xf32>,
    %swap3A_276 = vector.shape_cast %swap3A_275 : vector<16xf32> to vector<16xf32>
    %swap3A_277 = vector.shape_cast %select_n3A_274 : vector<16xf32> to vector<16xf32>
    tpu.vector_store %arg6[%swap3A], %swap3A_277 {strides = array<i32>} : memref<16xf32, #tpu.memory_space<vmem>>, vector<16xf32>,
    %run_scoped3A = arith.constant 0 : i32
    "tpu.region"() ({
      %run_scoped3A_538 = tpu.sem_alloc : memref<!tpu.dma_semaphore, #tpu.memory_space<semaphore_mem>>
      %dma_start3A = arith.constant 0 : i32
      %dma_start3A_539 = tpu.memref_slice %arg4[%run_scoped3A, %add3A, %dma_start3A] : memref<3x32x16xf32, #tpu.memory_space<hbm>> -> memref<1x1x16xf32, #tpu.memory_space<hbm>>
      %dma_start3A_540 = tpu.memref_squeeze %dma_start3A_539 : memref<1x1x16xf32, #tpu.memory_space<hbm>> -> memref<16xf32, #tpu.memory_space<hbm>>
      %dma_start3A_541 = arith.constant 0 : i32
      %dma_start3A_542 = tpu.memref_slice %arg4[%run_scoped3A, %add3A, %dma_start3A_541] : memref<3x32x16xf32, #tpu.memory_space<hbm>> -> memref<1x1x16xf32, #tpu.memory_space<hbm>>
      %dma_start3A_543 = tpu.memref_squeeze %dma_start3A_542 : memref<1x1x16xf32, #tpu.memory_space<hbm>> -> memref<16xf32, #tpu.memory_space<hbm>>
      tpu.enqueue_dma source(%arg6 : memref<16xf32, #tpu.memory_space<vmem>>) target(%dma_start3A_543 : memref<16xf32, #tpu.memory_space<hbm>>) target_semaphore(%run_scoped3A_538 : memref<!tpu.dma_semaphore, #tpu.memory_space<semaphore_mem>>)
      %dma_wait3A = arith.constant 0 : i32
      %dma_wait3A_544 = tpu.memref_slice %arg4[%run_scoped3A, %add3A, %dma_wait3A] : memref<3x32x16xf32, #tpu.memory_space<hbm>> -> memref<1x1x16xf32, #tpu.memory_space<hbm>>
      %dma_wait3A_545 = tpu.memref_squeeze %dma_wait3A_544 : memref<1x1x16xf32, #tpu.memory_space<hbm>> -> memref<16xf32, #tpu.memory_space<hbm>>
      %dma_wait3A_546 = arith.constant 0 : i32
      %dma_wait3A_547 = tpu.memref_slice %arg4[%run_scoped3A, %add3A, %dma_wait3A_546] : memref<3x32x16xf32, #tpu.memory_space<hbm>> -> memref<1x1x16xf32, #tpu.memory_space<hbm>>
      %dma_wait3A_548 = tpu.memref_squeeze %dma_wait3A_547 : memref<1x1x16xf32, #tpu.memory_space<hbm>> -> memref<16xf32, #tpu.memory_space<hbm>>
      tpu.wait_dma2 semaphore(%run_scoped3A_538 : memref<!tpu.dma_semaphore, #tpu.memory_space<semaphore_mem>>) src(%arg6 : memref<16xf32, #tpu.memory_space<vmem>>) dst(%dma_wait3A_548 : memref<16xf32, #tpu.memory_space<hbm>>)
      tpu.yield
    }) : () -> ()
    %xor3A_278 = arith.constant 1 : i32
    %xor3A_279 = vector.broadcast %xor3A_278 : i32 to vector<16xi32>
    %xor3A_280 = arith.xori %iota3A, %xor3A_279 : vector<16xi32>
    %lt3A_281 = arith.constant 0 : i32
    %lt3A_282 = vector.broadcast %lt3A_281 : i32 to vector<16xi32>
    %lt3A_283 = arith.cmpi slt, %xor3A_280, %lt3A_282 : vector<16xi32>
    %add3A_284 = arith.constant 16 : i32
    %add3A_285 = vector.broadcast %add3A_284 : i32 to vector<16xi32>
    %add3A_286 = arith.addi %xor3A_280, %add3A_285 : vector<16xi32>
    %select_n3A_287 = arith.select %lt3A_283, %add3A_286, %xor3A_280 : vector<16xi1>, vector<16xi32>
    %broadcast_in_dim3A_288 = vector.shape_cast %select_n3A_287 : vector<16xi32> to vector<16x1xi32>
    %gather3A_289 = vector.shape_cast %broadcast_in_dim3A_288 : vector<16x1xi32> to vector<16xi32>
    %gather3A_290 = tpu.dynamic_gather %select_n3A_270[%gather3A_289] in [0] : vector<16xf32>, vector<16xi32> -> vector<16xf32>
    %max3A_291 = arith.maximumf %select_n3A_270, %gather3A_290 : vector<16xf32>
    %xor3A_292 = arith.constant 2 : i32
    %xor3A_293 = vector.broadcast %xor3A_292 : i32 to vector<16xi32>
    %xor3A_294 = arith.xori %iota3A, %xor3A_293 : vector<16xi32>
    %lt3A_295 = arith.constant 0 : i32
    %lt3A_296 = vector.broadcast %lt3A_295 : i32 to vector<16xi32>
    %lt3A_297 = arith.cmpi slt, %xor3A_294, %lt3A_296 : vector<16xi32>
    %add3A_298 = arith.constant 16 : i32
    %add3A_299 = vector.broadcast %add3A_298 : i32 to vector<16xi32>
    %add3A_300 = arith.addi %xor3A_294, %add3A_299 : vector<16xi32>
    %select_n3A_301 = arith.select %lt3A_297, %add3A_300, %xor3A_294 : vector<16xi1>, vector<16xi32>
    %broadcast_in_dim3A_302 = vector.shape_cast %select_n3A_301 : vector<16xi32> to vector<16x1xi32>
    %gather3A_303 = vector.shape_cast %broadcast_in_dim3A_302 : vector<16x1xi32> to vector<16xi32>
    %gather3A_304 = tpu.dynamic_gather %max3A_291[%gather3A_303] in [0] : vector<16xf32>, vector<16xi32> -> vector<16xf32>
    %max3A_305 = arith.maximumf %max3A_291, %gather3A_304 : vector<16xf32>
    %xor3A_306 = arith.constant 4 : i32
    %xor3A_307 = vector.broadcast %xor3A_306 : i32 to vector<16xi32>
    %xor3A_308 = arith.xori %iota3A, %xor3A_307 : vector<16xi32>
    %lt3A_309 = arith.constant 0 : i32
    %lt3A_310 = vector.broadcast %lt3A_309 : i32 to vector<16xi32>
    %lt3A_311 = arith.cmpi slt, %xor3A_308, %lt3A_310 : vector<16xi32>
    %add3A_312 = arith.constant 16 : i32
    %add3A_313 = vector.broadcast %add3A_312 : i32 to vector<16xi32>
    %add3A_314 = arith.addi %xor3A_308, %add3A_313 : vector<16xi32>
    %select_n3A_315 = arith.select %lt3A_311, %add3A_314, %xor3A_308 : vector<16xi1>, vector<16xi32>
    %broadcast_in_dim3A_316 = vector.shape_cast %select_n3A_315 : vector<16xi32> to vector<16x1xi32>
    %gather3A_317 = vector.shape_cast %broadcast_in_dim3A_316 : vector<16x1xi32> to vector<16xi32>
    %gather3A_318 = tpu.dynamic_gather %max3A_305[%gather3A_317] in [0] : vector<16xf32>, vector<16xi32> -> vector<16xf32>
    %max3A_319 = arith.maximumf %max3A_305, %gather3A_318 : vector<16xf32>
    %xor3A_320 = arith.constant 8 : i32
    %xor3A_321 = vector.broadcast %xor3A_320 : i32 to vector<16xi32>
    %xor3A_322 = arith.xori %iota3A, %xor3A_321 : vector<16xi32>
    %lt3A_323 = arith.constant 0 : i32
    %lt3A_324 = vector.broadcast %lt3A_323 : i32 to vector<16xi32>
    %lt3A_325 = arith.cmpi slt, %xor3A_322, %lt3A_324 : vector<16xi32>
    %add3A_326 = arith.constant 16 : i32
    %add3A_327 = vector.broadcast %add3A_326 : i32 to vector<16xi32>
    %add3A_328 = arith.addi %xor3A_322, %add3A_327 : vector<16xi32>
    %select_n3A_329 = arith.select %lt3A_325, %add3A_328, %xor3A_322 : vector<16xi1>, vector<16xi32>
    %broadcast_in_dim3A_330 = vector.shape_cast %select_n3A_329 : vector<16xi32> to vector<16x1xi32>
    %gather3A_331 = vector.shape_cast %broadcast_in_dim3A_330 : vector<16x1xi32> to vector<16xi32>
    %gather3A_332 = tpu.dynamic_gather %max3A_319[%gather3A_331] in [0] : vector<16xf32>, vector<16xi32> -> vector<16xf32>
    %max3A_333 = arith.maximumf %max3A_319, %gather3A_332 : vector<16xf32>
    %eq3A_334 = arith.cmpf oeq, %select_n3A_270, %max3A_333 : vector<16xf32>
    %jit3A_335 = arith.constant 16 : i32
    %broadcast_in_dim3A_336 = vector.broadcast %jit3A_335 : i32 to vector<16xi32>
    %select_n3A_337 = arith.select %eq3A_334, %iota3A, %broadcast_in_dim3A_336 : vector<16xi1>, vector<16xi32>
    %xor3A_338 = arith.constant 1 : i32
    %xor3A_339 = vector.broadcast %xor3A_338 : i32 to vector<16xi32>
    %xor3A_340 = arith.xori %iota3A, %xor3A_339 : vector<16xi32>
    %lt3A_341 = arith.constant 0 : i32
    %lt3A_342 = vector.broadcast %lt3A_341 : i32 to vector<16xi32>
    %lt3A_343 = arith.cmpi slt, %xor3A_340, %lt3A_342 : vector<16xi32>
    %add3A_344 = arith.constant 16 : i32
    %add3A_345 = vector.broadcast %add3A_344 : i32 to vector<16xi32>
    %add3A_346 = arith.addi %xor3A_340, %add3A_345 : vector<16xi32>
    %select_n3A_347 = arith.select %lt3A_343, %add3A_346, %xor3A_340 : vector<16xi1>, vector<16xi32>
    %broadcast_in_dim3A_348 = vector.shape_cast %select_n3A_347 : vector<16xi32> to vector<16x1xi32>
    %gather3A_349 = vector.shape_cast %broadcast_in_dim3A_348 : vector<16x1xi32> to vector<16xi32>
    %gather3A_350 = tpu.dynamic_gather %select_n3A_337[%gather3A_349] in [0] : vector<16xi32>, vector<16xi32> -> vector<16xi32>
    %min3A_351 = arith.minsi %select_n3A_337, %gather3A_350 : vector<16xi32>
    %xor3A_352 = arith.constant 2 : i32
    %xor3A_353 = vector.broadcast %xor3A_352 : i32 to vector<16xi32>
    %xor3A_354 = arith.xori %iota3A, %xor3A_353 : vector<16xi32>
    %lt3A_355 = arith.constant 0 : i32
    %lt3A_356 = vector.broadcast %lt3A_355 : i32 to vector<16xi32>
    %lt3A_357 = arith.cmpi slt, %xor3A_354, %lt3A_356 : vector<16xi32>
    %add3A_358 = arith.constant 16 : i32
    %add3A_359 = vector.broadcast %add3A_358 : i32 to vector<16xi32>
    %add3A_360 = arith.addi %xor3A_354, %add3A_359 : vector<16xi32>
    %select_n3A_361 = arith.select %lt3A_357, %add3A_360, %xor3A_354 : vector<16xi1>, vector<16xi32>
    %broadcast_in_dim3A_362 = vector.shape_cast %select_n3A_361 : vector<16xi32> to vector<16x1xi32>
    %gather3A_363 = vector.shape_cast %broadcast_in_dim3A_362 : vector<16x1xi32> to vector<16xi32>
    %gather3A_364 = tpu.dynamic_gather %min3A_351[%gather3A_363] in [0] : vector<16xi32>, vector<16xi32> -> vector<16xi32>
    %min3A_365 = arith.minsi %min3A_351, %gather3A_364 : vector<16xi32>
    %xor3A_366 = arith.constant 4 : i32
    %xor3A_367 = vector.broadcast %xor3A_366 : i32 to vector<16xi32>
    %xor3A_368 = arith.xori %iota3A, %xor3A_367 : vector<16xi32>
    %lt3A_369 = arith.constant 0 : i32
    %lt3A_370 = vector.broadcast %lt3A_369 : i32 to vector<16xi32>
    %lt3A_371 = arith.cmpi slt, %xor3A_368, %lt3A_370 : vector<16xi32>
    %add3A_372 = arith.constant 16 : i32
    %add3A_373 = vector.broadcast %add3A_372 : i32 to vector<16xi32>
    %add3A_374 = arith.addi %xor3A_368, %add3A_373 : vector<16xi32>
    %select_n3A_375 = arith.select %lt3A_371, %add3A_374, %xor3A_368 : vector<16xi1>, vector<16xi32>
    %broadcast_in_dim3A_376 = vector.shape_cast %select_n3A_375 : vector<16xi32> to vector<16x1xi32>
    %gather3A_377 = vector.shape_cast %broadcast_in_dim3A_376 : vector<16x1xi32> to vector<16xi32>
    %gather3A_378 = tpu.dynamic_gather %min3A_365[%gather3A_377] in [0] : vector<16xi32>, vector<16xi32> -> vector<16xi32>
    %min3A_379 = arith.minsi %min3A_365, %gather3A_378 : vector<16xi32>
    %xor3A_380 = arith.constant 8 : i32
    %xor3A_381 = vector.broadcast %xor3A_380 : i32 to vector<16xi32>
    %xor3A_382 = arith.xori %iota3A, %xor3A_381 : vector<16xi32>
    %lt3A_383 = arith.constant 0 : i32
    %lt3A_384 = vector.broadcast %lt3A_383 : i32 to vector<16xi32>
    %lt3A_385 = arith.cmpi slt, %xor3A_382, %lt3A_384 : vector<16xi32>
    %add3A_386 = arith.constant 16 : i32
    %add3A_387 = vector.broadcast %add3A_386 : i32 to vector<16xi32>
    %add3A_388 = arith.addi %xor3A_382, %add3A_387 : vector<16xi32>
    %select_n3A_389 = arith.select %lt3A_385, %add3A_388, %xor3A_382 : vector<16xi1>, vector<16xi32>
    %broadcast_in_dim3A_390 = vector.shape_cast %select_n3A_389 : vector<16xi32> to vector<16x1xi32>
    %gather3A_391 = vector.shape_cast %broadcast_in_dim3A_390 : vector<16x1xi32> to vector<16xi32>
    %gather3A_392 = tpu.dynamic_gather %min3A_379[%gather3A_391] in [0] : vector<16xi32>, vector<16xi32> -> vector<16xi32>
    %min3A_393 = arith.minsi %min3A_379, %gather3A_392 : vector<16xi32>
    %eq3A_394 = arith.cmpi eq, %iota3A, %min3A_393 : vector<16xi32>
    %or3A_395 = arith.ori %or3A, %eq3A_394 : vector<16xi1>
    %jit3A_396 = arith.constant -1.000000e+00 : f32
    %broadcast_in_dim3A_397 = vector.broadcast %jit3A_396 : f32 to vector<16xf32>
    %select_n3A_398 = arith.select %eq3A_394, %broadcast_in_dim3A_397, %select_n3A_270 : vector<16xi1>, vector<16xf32>
    %and3A_399 = arith.andi %or3A_395, %gt3A_148 : vector<16xi1>
    %jit3A_400 = arith.constant 0.000000e+00 : f32
    %broadcast_in_dim3A_401 = vector.broadcast %jit3A_400 : f32 to vector<16xf32>
    %select_n3A_402 = arith.select %and3A_399, %div3A_146, %broadcast_in_dim3A_401 : vector<16xi1>, vector<16xf32>
    %swap3A_403 = arith.constant 0 : index
    %swap3A_404 = tpu.vector_load %arg6[%swap3A_403] {strides = array<i32>} : memref<16xf32, #tpu.memory_space<vmem>>, vector<16xf32>,
    %swap3A_405 = vector.shape_cast %swap3A_404 : vector<16xf32> to vector<16xf32>
    %swap3A_406 = vector.shape_cast %select_n3A_402 : vector<16xf32> to vector<16xf32>
    tpu.vector_store %arg6[%swap3A_403], %swap3A_406 {strides = array<i32>} : memref<16xf32, #tpu.memory_space<vmem>>, vector<16xf32>,
    %run_scoped3A_407 = arith.constant 1 : i32
    "tpu.region"() ({
      %run_scoped3A_538 = tpu.sem_alloc : memref<!tpu.dma_semaphore, #tpu.memory_space<semaphore_mem>>
      %dma_start3A = arith.constant 0 : i32
      %dma_start3A_539 = tpu.memref_slice %arg4[%run_scoped3A_407, %add3A, %dma_start3A] : memref<3x32x16xf32, #tpu.memory_space<hbm>> -> memref<1x1x16xf32, #tpu.memory_space<hbm>>
      %dma_start3A_540 = tpu.memref_squeeze %dma_start3A_539 : memref<1x1x16xf32, #tpu.memory_space<hbm>> -> memref<16xf32, #tpu.memory_space<hbm>>
      %dma_start3A_541 = arith.constant 0 : i32
      %dma_start3A_542 = tpu.memref_slice %arg4[%run_scoped3A_407, %add3A, %dma_start3A_541] : memref<3x32x16xf32, #tpu.memory_space<hbm>> -> memref<1x1x16xf32, #tpu.memory_space<hbm>>
      %dma_start3A_543 = tpu.memref_squeeze %dma_start3A_542 : memref<1x1x16xf32, #tpu.memory_space<hbm>> -> memref<16xf32, #tpu.memory_space<hbm>>
      tpu.enqueue_dma source(%arg6 : memref<16xf32, #tpu.memory_space<vmem>>) target(%dma_start3A_543 : memref<16xf32, #tpu.memory_space<hbm>>) target_semaphore(%run_scoped3A_538 : memref<!tpu.dma_semaphore, #tpu.memory_space<semaphore_mem>>)
      %dma_wait3A = arith.constant 0 : i32
      %dma_wait3A_544 = tpu.memref_slice %arg4[%run_scoped3A_407, %add3A, %dma_wait3A] : memref<3x32x16xf32, #tpu.memory_space<hbm>> -> memref<1x1x16xf32, #tpu.memory_space<hbm>>
      %dma_wait3A_545 = tpu.memref_squeeze %dma_wait3A_544 : memref<1x1x16xf32, #tpu.memory_space<hbm>> -> memref<16xf32, #tpu.memory_space<hbm>>
      %dma_wait3A_546 = arith.constant 0 : i32
      %dma_wait3A_547 = tpu.memref_slice %arg4[%run_scoped3A_407, %add3A, %dma_wait3A_546] : memref<3x32x16xf32, #tpu.memory_space<hbm>> -> memref<1x1x16xf32, #tpu.memory_space<hbm>>
      %dma_wait3A_548 = tpu.memref_squeeze %dma_wait3A_547 : memref<1x1x16xf32, #tpu.memory_space<hbm>> -> memref<16xf32, #tpu.memory_space<hbm>>
      tpu.wait_dma2 semaphore(%run_scoped3A_538 : memref<!tpu.dma_semaphore, #tpu.memory_space<semaphore_mem>>) src(%arg6 : memref<16xf32, #tpu.memory_space<vmem>>) dst(%dma_wait3A_548 : memref<16xf32, #tpu.memory_space<hbm>>)
      tpu.yield
    }) : () -> ()
    %xor3A_408 = arith.constant 1 : i32
    %xor3A_409 = vector.broadcast %xor3A_408 : i32 to vector<16xi32>
    %xor3A_410 = arith.xori %iota3A, %xor3A_409 : vector<16xi32>
    %lt3A_411 = arith.constant 0 : i32
    %lt3A_412 = vector.broadcast %lt3A_411 : i32 to vector<16xi32>
    %lt3A_413 = arith.cmpi slt, %xor3A_410, %lt3A_412 : vector<16xi32>
    %add3A_414 = arith.constant 16 : i32
    %add3A_415 = vector.broadcast %add3A_414 : i32 to vector<16xi32>
    %add3A_416 = arith.addi %xor3A_410, %add3A_415 : vector<16xi32>
    %select_n3A_417 = arith.select %lt3A_413, %add3A_416, %xor3A_410 : vector<16xi1>, vector<16xi32>
    %broadcast_in_dim3A_418 = vector.shape_cast %select_n3A_417 : vector<16xi32> to vector<16x1xi32>
    %gather3A_419 = vector.shape_cast %broadcast_in_dim3A_418 : vector<16x1xi32> to vector<16xi32>
    %gather3A_420 = tpu.dynamic_gather %select_n3A_398[%gather3A_419] in [0] : vector<16xf32>, vector<16xi32> -> vector<16xf32>
    %max3A_421 = arith.maximumf %select_n3A_398, %gather3A_420 : vector<16xf32>
    %xor3A_422 = arith.constant 2 : i32
    %xor3A_423 = vector.broadcast %xor3A_422 : i32 to vector<16xi32>
    %xor3A_424 = arith.xori %iota3A, %xor3A_423 : vector<16xi32>
    %lt3A_425 = arith.constant 0 : i32
    %lt3A_426 = vector.broadcast %lt3A_425 : i32 to vector<16xi32>
    %lt3A_427 = arith.cmpi slt, %xor3A_424, %lt3A_426 : vector<16xi32>
    %add3A_428 = arith.constant 16 : i32
    %add3A_429 = vector.broadcast %add3A_428 : i32 to vector<16xi32>
    %add3A_430 = arith.addi %xor3A_424, %add3A_429 : vector<16xi32>
    %select_n3A_431 = arith.select %lt3A_427, %add3A_430, %xor3A_424 : vector<16xi1>, vector<16xi32>
    %broadcast_in_dim3A_432 = vector.shape_cast %select_n3A_431 : vector<16xi32> to vector<16x1xi32>
    %gather3A_433 = vector.shape_cast %broadcast_in_dim3A_432 : vector<16x1xi32> to vector<16xi32>
    %gather3A_434 = tpu.dynamic_gather %max3A_421[%gather3A_433] in [0] : vector<16xf32>, vector<16xi32> -> vector<16xf32>
    %max3A_435 = arith.maximumf %max3A_421, %gather3A_434 : vector<16xf32>
    %xor3A_436 = arith.constant 4 : i32
    %xor3A_437 = vector.broadcast %xor3A_436 : i32 to vector<16xi32>
    %xor3A_438 = arith.xori %iota3A, %xor3A_437 : vector<16xi32>
    %lt3A_439 = arith.constant 0 : i32
    %lt3A_440 = vector.broadcast %lt3A_439 : i32 to vector<16xi32>
    %lt3A_441 = arith.cmpi slt, %xor3A_438, %lt3A_440 : vector<16xi32>
    %add3A_442 = arith.constant 16 : i32
    %add3A_443 = vector.broadcast %add3A_442 : i32 to vector<16xi32>
    %add3A_444 = arith.addi %xor3A_438, %add3A_443 : vector<16xi32>
    %select_n3A_445 = arith.select %lt3A_441, %add3A_444, %xor3A_438 : vector<16xi1>, vector<16xi32>
    %broadcast_in_dim3A_446 = vector.shape_cast %select_n3A_445 : vector<16xi32> to vector<16x1xi32>
    %gather3A_447 = vector.shape_cast %broadcast_in_dim3A_446 : vector<16x1xi32> to vector<16xi32>
    %gather3A_448 = tpu.dynamic_gather %max3A_435[%gather3A_447] in [0] : vector<16xf32>, vector<16xi32> -> vector<16xf32>
    %max3A_449 = arith.maximumf %max3A_435, %gather3A_448 : vector<16xf32>
    %xor3A_450 = arith.constant 8 : i32
    %xor3A_451 = vector.broadcast %xor3A_450 : i32 to vector<16xi32>
    %xor3A_452 = arith.xori %iota3A, %xor3A_451 : vector<16xi32>
    %lt3A_453 = arith.constant 0 : i32
    %lt3A_454 = vector.broadcast %lt3A_453 : i32 to vector<16xi32>
    %lt3A_455 = arith.cmpi slt, %xor3A_452, %lt3A_454 : vector<16xi32>
    %add3A_456 = arith.constant 16 : i32
    %add3A_457 = vector.broadcast %add3A_456 : i32 to vector<16xi32>
    %add3A_458 = arith.addi %xor3A_452, %add3A_457 : vector<16xi32>
    %select_n3A_459 = arith.select %lt3A_455, %add3A_458, %xor3A_452 : vector<16xi1>, vector<16xi32>
    %broadcast_in_dim3A_460 = vector.shape_cast %select_n3A_459 : vector<16xi32> to vector<16x1xi32>
    %gather3A_461 = vector.shape_cast %broadcast_in_dim3A_460 : vector<16x1xi32> to vector<16xi32>
    %gather3A_462 = tpu.dynamic_gather %max3A_449[%gather3A_461] in [0] : vector<16xf32>, vector<16xi32> -> vector<16xf32>
    %max3A_463 = arith.maximumf %max3A_449, %gather3A_462 : vector<16xf32>
    %eq3A_464 = arith.cmpf oeq, %select_n3A_398, %max3A_463 : vector<16xf32>
    %jit3A_465 = arith.constant 16 : i32
    %broadcast_in_dim3A_466 = vector.broadcast %jit3A_465 : i32 to vector<16xi32>
    %select_n3A_467 = arith.select %eq3A_464, %iota3A, %broadcast_in_dim3A_466 : vector<16xi1>, vector<16xi32>
    %xor3A_468 = arith.constant 1 : i32
    %xor3A_469 = vector.broadcast %xor3A_468 : i32 to vector<16xi32>
    %xor3A_470 = arith.xori %iota3A, %xor3A_469 : vector<16xi32>
    %lt3A_471 = arith.constant 0 : i32
    %lt3A_472 = vector.broadcast %lt3A_471 : i32 to vector<16xi32>
    %lt3A_473 = arith.cmpi slt, %xor3A_470, %lt3A_472 : vector<16xi32>
    %add3A_474 = arith.constant 16 : i32
    %add3A_475 = vector.broadcast %add3A_474 : i32 to vector<16xi32>
    %add3A_476 = arith.addi %xor3A_470, %add3A_475 : vector<16xi32>
    %select_n3A_477 = arith.select %lt3A_473, %add3A_476, %xor3A_470 : vector<16xi1>, vector<16xi32>
    %broadcast_in_dim3A_478 = vector.shape_cast %select_n3A_477 : vector<16xi32> to vector<16x1xi32>
    %gather3A_479 = vector.shape_cast %broadcast_in_dim3A_478 : vector<16x1xi32> to vector<16xi32>
    %gather3A_480 = tpu.dynamic_gather %select_n3A_467[%gather3A_479] in [0] : vector<16xi32>, vector<16xi32> -> vector<16xi32>
    %min3A_481 = arith.minsi %select_n3A_467, %gather3A_480 : vector<16xi32>
    %xor3A_482 = arith.constant 2 : i32
    %xor3A_483 = vector.broadcast %xor3A_482 : i32 to vector<16xi32>
    %xor3A_484 = arith.xori %iota3A, %xor3A_483 : vector<16xi32>
    %lt3A_485 = arith.constant 0 : i32
    %lt3A_486 = vector.broadcast %lt3A_485 : i32 to vector<16xi32>
    %lt3A_487 = arith.cmpi slt, %xor3A_484, %lt3A_486 : vector<16xi32>
    %add3A_488 = arith.constant 16 : i32
    %add3A_489 = vector.broadcast %add3A_488 : i32 to vector<16xi32>
    %add3A_490 = arith.addi %xor3A_484, %add3A_489 : vector<16xi32>
    %select_n3A_491 = arith.select %lt3A_487, %add3A_490, %xor3A_484 : vector<16xi1>, vector<16xi32>
    %broadcast_in_dim3A_492 = vector.shape_cast %select_n3A_491 : vector<16xi32> to vector<16x1xi32>
    %gather3A_493 = vector.shape_cast %broadcast_in_dim3A_492 : vector<16x1xi32> to vector<16xi32>
    %gather3A_494 = tpu.dynamic_gather %min3A_481[%gather3A_493] in [0] : vector<16xi32>, vector<16xi32> -> vector<16xi32>
    %min3A_495 = arith.minsi %min3A_481, %gather3A_494 : vector<16xi32>
    %xor3A_496 = arith.constant 4 : i32
    %xor3A_497 = vector.broadcast %xor3A_496 : i32 to vector<16xi32>
    %xor3A_498 = arith.xori %iota3A, %xor3A_497 : vector<16xi32>
    %lt3A_499 = arith.constant 0 : i32
    %lt3A_500 = vector.broadcast %lt3A_499 : i32 to vector<16xi32>
    %lt3A_501 = arith.cmpi slt, %xor3A_498, %lt3A_500 : vector<16xi32>
    %add3A_502 = arith.constant 16 : i32
    %add3A_503 = vector.broadcast %add3A_502 : i32 to vector<16xi32>
    %add3A_504 = arith.addi %xor3A_498, %add3A_503 : vector<16xi32>
    %select_n3A_505 = arith.select %lt3A_501, %add3A_504, %xor3A_498 : vector<16xi1>, vector<16xi32>
    %broadcast_in_dim3A_506 = vector.shape_cast %select_n3A_505 : vector<16xi32> to vector<16x1xi32>
    %gather3A_507 = vector.shape_cast %broadcast_in_dim3A_506 : vector<16x1xi32> to vector<16xi32>
    %gather3A_508 = tpu.dynamic_gather %min3A_495[%gather3A_507] in [0] : vector<16xi32>, vector<16xi32> -> vector<16xi32>
    %min3A_509 = arith.minsi %min3A_495, %gather3A_508 : vector<16xi32>
    %xor3A_510 = arith.constant 8 : i32
    %xor3A_511 = vector.broadcast %xor3A_510 : i32 to vector<16xi32>
    %xor3A_512 = arith.xori %iota3A, %xor3A_511 : vector<16xi32>
    %lt3A_513 = arith.constant 0 : i32
    %lt3A_514 = vector.broadcast %lt3A_513 : i32 to vector<16xi32>
    %lt3A_515 = arith.cmpi slt, %xor3A_512, %lt3A_514 : vector<16xi32>
    %add3A_516 = arith.constant 16 : i32
    %add3A_517 = vector.broadcast %add3A_516 : i32 to vector<16xi32>
    %add3A_518 = arith.addi %xor3A_512, %add3A_517 : vector<16xi32>
    %select_n3A_519 = arith.select %lt3A_515, %add3A_518, %xor3A_512 : vector<16xi1>, vector<16xi32>
    %broadcast_in_dim3A_520 = vector.shape_cast %select_n3A_519 : vector<16xi32> to vector<16x1xi32>
    %gather3A_521 = vector.shape_cast %broadcast_in_dim3A_520 : vector<16x1xi32> to vector<16xi32>
    %gather3A_522 = tpu.dynamic_gather %min3A_509[%gather3A_521] in [0] : vector<16xi32>, vector<16xi32> -> vector<16xi32>
    %min3A_523 = arith.minsi %min3A_509, %gather3A_522 : vector<16xi32>
    %eq3A_524 = arith.cmpi eq, %iota3A, %min3A_523 : vector<16xi32>
    %or3A_525 = arith.ori %or3A_395, %eq3A_524 : vector<16xi1>
    %jit3A_526 = arith.constant -1.000000e+00 : f32
    %broadcast_in_dim3A_527 = vector.broadcast %jit3A_526 : f32 to vector<16xf32>
    %select_n3A_528 = arith.select %eq3A_524, %broadcast_in_dim3A_527, %select_n3A_398 : vector<16xi1>, vector<16xf32>
    %and3A_529 = arith.andi %or3A_525, %gt3A_148 : vector<16xi1>
    %jit3A_530 = arith.constant 0.000000e+00 : f32
    %broadcast_in_dim3A_531 = vector.broadcast %jit3A_530 : f32 to vector<16xf32>
    %select_n3A_532 = arith.select %and3A_529, %div3A_146, %broadcast_in_dim3A_531 : vector<16xi1>, vector<16xf32>
    %swap3A_533 = arith.constant 0 : index
    %swap3A_534 = tpu.vector_load %arg6[%swap3A_533] {strides = array<i32>} : memref<16xf32, #tpu.memory_space<vmem>>, vector<16xf32>,
    %swap3A_535 = vector.shape_cast %swap3A_534 : vector<16xf32> to vector<16xf32>
    %swap3A_536 = vector.shape_cast %select_n3A_532 : vector<16xf32> to vector<16xf32>
    tpu.vector_store %arg6[%swap3A_533], %swap3A_536 {strides = array<i32>} : memref<16xf32, #tpu.memory_space<vmem>>, vector<16xf32>,
    %run_scoped3A_537 = arith.constant 2 : i32
    "tpu.region"() ({
      %run_scoped3A_538 = tpu.sem_alloc : memref<!tpu.dma_semaphore, #tpu.memory_space<semaphore_mem>>
      %dma_start3A = arith.constant 0 : i32
      %dma_start3A_539 = tpu.memref_slice %arg4[%run_scoped3A_537, %add3A, %dma_start3A] : memref<3x32x16xf32, #tpu.memory_space<hbm>> -> memref<1x1x16xf32, #tpu.memory_space<hbm>>
      %dma_start3A_540 = tpu.memref_squeeze %dma_start3A_539 : memref<1x1x16xf32, #tpu.memory_space<hbm>> -> memref<16xf32, #tpu.memory_space<hbm>>
      %dma_start3A_541 = arith.constant 0 : i32
      %dma_start3A_542 = tpu.memref_slice %arg4[%run_scoped3A_537, %add3A, %dma_start3A_541] : memref<3x32x16xf32, #tpu.memory_space<hbm>> -> memref<1x1x16xf32, #tpu.memory_space<hbm>>
      %dma_start3A_543 = tpu.memref_squeeze %dma_start3A_542 : memref<1x1x16xf32, #tpu.memory_space<hbm>> -> memref<16xf32, #tpu.memory_space<hbm>>
      tpu.enqueue_dma source(%arg6 : memref<16xf32, #tpu.memory_space<vmem>>) target(%dma_start3A_543 : memref<16xf32, #tpu.memory_space<hbm>>) target_semaphore(%run_scoped3A_538 : memref<!tpu.dma_semaphore, #tpu.memory_space<semaphore_mem>>)
      %dma_wait3A = arith.constant 0 : i32
      %dma_wait3A_544 = tpu.memref_slice %arg4[%run_scoped3A_537, %add3A, %dma_wait3A] : memref<3x32x16xf32, #tpu.memory_space<hbm>> -> memref<1x1x16xf32, #tpu.memory_space<hbm>>
      %dma_wait3A_545 = tpu.memref_squeeze %dma_wait3A_544 : memref<1x1x16xf32, #tpu.memory_space<hbm>> -> memref<16xf32, #tpu.memory_space<hbm>>
      %dma_wait3A_546 = arith.constant 0 : i32
      %dma_wait3A_547 = tpu.memref_slice %arg4[%run_scoped3A_537, %add3A, %dma_wait3A_546] : memref<3x32x16xf32, #tpu.memory_space<hbm>> -> memref<1x1x16xf32, #tpu.memory_space<hbm>>
      %dma_wait3A_548 = tpu.memref_squeeze %dma_wait3A_547 : memref<1x1x16xf32, #tpu.memory_space<hbm>> -> memref<16xf32, #tpu.memory_space<hbm>>
      tpu.wait_dma2 semaphore(%run_scoped3A_538 : memref<!tpu.dma_semaphore, #tpu.memory_space<semaphore_mem>>) src(%arg6 : memref<16xf32, #tpu.memory_space<vmem>>) dst(%dma_wait3A_548 : memref<16xf32, #tpu.memory_space<hbm>>)
      tpu.yield
    }) : () -> ()
    return
  }
}

module attributes {stable_mosaic.version = 14 : i64} {
  func.func @_fractal_body(%arg0: memref<16x3xf32, #tpu.memory_space<vmem>>, %arg1: memref<3x32x16xf32, #tpu.memory_space<vmem>>, %arg2: memref<3x256x256xf32, #tpu.memory_space<vmem>>) attributes {dimension_semantics = [], scalar_prefetch = 0 : i64, scratch_operands = 0 : i64, tpu.core_type = #tpu.core_type<tc>} {
    %get3A = arith.constant 0 : index
    %get3A_0 = arith.constant 0 : index
    %get3A_1 = arith.constant 0 : index
    %get3A_2 = vector.load %arg1[%get3A, %get3A_0, %get3A_1] : memref<3x32x16xf32, #tpu.memory_space<vmem>>, vector<1x32x16xf32>
    %get3A_3 = vector.shape_cast %get3A_2 : vector<1x32x16xf32> to vector<32x16xf32>
    %get3A_4 = arith.constant 1 : index
    %get3A_5 = arith.constant 0 : index
    %get3A_6 = arith.constant 0 : index
    %get3A_7 = vector.load %arg1[%get3A_4, %get3A_5, %get3A_6] : memref<3x32x16xf32, #tpu.memory_space<vmem>>, vector<1x32x16xf32>
    %get3A_8 = vector.shape_cast %get3A_7 : vector<1x32x16xf32> to vector<32x16xf32>
    %get3A_9 = arith.constant 2 : index
    %get3A_10 = arith.constant 0 : index
    %get3A_11 = arith.constant 0 : index
    %get3A_12 = vector.load %arg1[%get3A_9, %get3A_10, %get3A_11] : memref<3x32x16xf32, #tpu.memory_space<vmem>>, vector<1x32x16xf32>
    %get3A_13 = vector.shape_cast %get3A_12 : vector<1x32x16xf32> to vector<32x16xf32>
    %iota3A = tpu.iota {dimensions = array<i32: 0>} : vector<48x32xi32>
    %jit3A = arith.constant 3 : i32
    %div3A = vector.broadcast %jit3A : i32 to vector<48x32xi32>
    %div3A_14 = arith.divsi %iota3A, %div3A : vector<48x32xi32>
    %sign3A = arith.constant 0 : i32
    %sign3A_15 = vector.broadcast %sign3A : i32 to vector<48x32xi32>
    %sign3A_16 = arith.cmpi sgt, %iota3A, %sign3A_15 : vector<48x32xi32>
    %sign3A_17 = arith.extui %sign3A_16 : vector<48x32xi1> to vector<48x32xi32>
    %sign3A_18 = arith.constant 0 : i32
    %sign3A_19 = vector.broadcast %sign3A_18 : i32 to vector<48x32xi32>
    %sign3A_20 = arith.cmpi slt, %iota3A, %sign3A_19 : vector<48x32xi32>
    %sign3A_21 = arith.extui %sign3A_20 : vector<48x32xi1> to vector<48x32xi32>
    %sign3A_22 = arith.subi %sign3A_17, %sign3A_21 : vector<48x32xi32>
    %sign3A_23 = arith.constant 0 : i32
    %sign3A_24 = arith.cmpi sgt, %jit3A, %sign3A_23 : i32
    %sign3A_25 = arith.extui %sign3A_24 : i1 to i32
    %sign3A_26 = arith.constant 0 : i32
    %sign3A_27 = arith.cmpi slt, %jit3A, %sign3A_26 : i32
    %sign3A_28 = arith.extui %sign3A_27 : i1 to i32
    %sign3A_29 = arith.subi %sign3A_25, %sign3A_28 : i32
    %ne3A = vector.broadcast %sign3A_29 : i32 to vector<48x32xi32>
    %ne3A_30 = arith.cmpi ne, %sign3A_22, %ne3A : vector<48x32xi32>
    %rem3A = vector.broadcast %jit3A : i32 to vector<48x32xi32>
    %rem3A_31 = arith.remsi %iota3A, %rem3A : vector<48x32xi32>
    %ne3A_32 = arith.constant 0 : i32
    %ne3A_33 = vector.broadcast %ne3A_32 : i32 to vector<48x32xi32>
    %ne3A_34 = arith.cmpi ne, %rem3A_31, %ne3A_33 : vector<48x32xi32>
    %and3A = arith.andi %ne3A_30, %ne3A_34 : vector<48x32xi1>
    %sub3A = arith.constant 1 : i32
    %sub3A_35 = vector.broadcast %sub3A : i32 to vector<48x32xi32>
    %sub3A_36 = arith.subi %div3A_14, %sub3A_35 : vector<48x32xi32>
    %select_n3A = arith.select %and3A, %sub3A_36, %div3A_14 : vector<48x32xi1>, vector<48x32xi32>
    %iota3A_37 = tpu.iota {dimensions = array<i32: 1>} : vector<48x32xi32>
    %mul3A = arith.constant 2 : i32
    %mul3A_38 = vector.broadcast %mul3A : i32 to vector<48x32xi32>
    %mul3A_39 = arith.muli %mul3A_38, %select_n3A : vector<48x32xi32>
    %eq3A = arith.cmpi eq, %iota3A_37, %mul3A_39 : vector<48x32xi32>
    %convert_element_type3A = arith.extui %eq3A : vector<48x32xi1> to vector<48x32xi32>
    %convert_element_type3A_40 = arith.sitofp %convert_element_type3A : vector<48x32xi32> to vector<48x32xf32>
    %iota3A_41 = tpu.iota {dimensions = array<i32: 1>} : vector<48x32xi32>
    %mul3A_42 = arith.constant 2 : i32
    %mul3A_43 = vector.broadcast %mul3A_42 : i32 to vector<48x32xi32>
    %mul3A_44 = arith.muli %mul3A_43, %select_n3A : vector<48x32xi32>
    %add3A = arith.constant 1 : i32
    %add3A_45 = vector.broadcast %add3A : i32 to vector<48x32xi32>
    %add3A_46 = arith.addi %mul3A_44, %add3A_45 : vector<48x32xi32>
    %eq3A_47 = arith.cmpi eq, %iota3A_41, %add3A_46 : vector<48x32xi32>
    %convert_element_type3A_48 = arith.extui %eq3A_47 : vector<48x32xi1> to vector<48x32xi32>
    %convert_element_type3A_49 = arith.sitofp %convert_element_type3A_48 : vector<48x32xi32> to vector<48x32xf32>
    %iota3A_50 = tpu.iota {dimensions = array<i32: 0>} : vector<16x48xi32>
    %iota3A_51 = tpu.iota {dimensions = array<i32: 1>} : vector<16x48xi32>
    %jit3A_52 = arith.constant 3 : i32
    %div3A_53 = vector.broadcast %jit3A_52 : i32 to vector<16x48xi32>
    %div3A_54 = arith.divsi %iota3A_51, %div3A_53 : vector<16x48xi32>
    %sign3A_55 = arith.constant 0 : i32
    %sign3A_56 = vector.broadcast %sign3A_55 : i32 to vector<16x48xi32>
    %sign3A_57 = arith.cmpi sgt, %iota3A_51, %sign3A_56 : vector<16x48xi32>
    %sign3A_58 = arith.extui %sign3A_57 : vector<16x48xi1> to vector<16x48xi32>
    %sign3A_59 = arith.constant 0 : i32
    %sign3A_60 = vector.broadcast %sign3A_59 : i32 to vector<16x48xi32>
    %sign3A_61 = arith.cmpi slt, %iota3A_51, %sign3A_60 : vector<16x48xi32>
    %sign3A_62 = arith.extui %sign3A_61 : vector<16x48xi1> to vector<16x48xi32>
    %sign3A_63 = arith.subi %sign3A_58, %sign3A_62 : vector<16x48xi32>
    %sign3A_64 = arith.constant 0 : i32
    %sign3A_65 = arith.cmpi sgt, %jit3A_52, %sign3A_64 : i32
    %sign3A_66 = arith.extui %sign3A_65 : i1 to i32
    %sign3A_67 = arith.constant 0 : i32
    %sign3A_68 = arith.cmpi slt, %jit3A_52, %sign3A_67 : i32
    %sign3A_69 = arith.extui %sign3A_68 : i1 to i32
    %sign3A_70 = arith.subi %sign3A_66, %sign3A_69 : i32
    %ne3A_71 = vector.broadcast %sign3A_70 : i32 to vector<16x48xi32>
    %ne3A_72 = arith.cmpi ne, %sign3A_63, %ne3A_71 : vector<16x48xi32>
    %rem3A_73 = vector.broadcast %jit3A_52 : i32 to vector<16x48xi32>
    %rem3A_74 = arith.remsi %iota3A_51, %rem3A_73 : vector<16x48xi32>
    %ne3A_75 = arith.constant 0 : i32
    %ne3A_76 = vector.broadcast %ne3A_75 : i32 to vector<16x48xi32>
    %ne3A_77 = arith.cmpi ne, %rem3A_74, %ne3A_76 : vector<16x48xi32>
    %and3A_78 = arith.andi %ne3A_72, %ne3A_77 : vector<16x48xi1>
    %sub3A_79 = arith.constant 1 : i32
    %sub3A_80 = vector.broadcast %sub3A_79 : i32 to vector<16x48xi32>
    %sub3A_81 = arith.subi %div3A_54, %sub3A_80 : vector<16x48xi32>
    %select_n3A_82 = arith.select %and3A_78, %sub3A_81, %div3A_54 : vector<16x48xi1>, vector<16x48xi32>
    %eq3A_83 = arith.cmpi eq, %iota3A_50, %select_n3A_82 : vector<16x48xi32>
    %convert_element_type3A_84 = arith.extui %eq3A_83 : vector<16x48xi1> to vector<16x48xi32>
    %convert_element_type3A_85 = arith.sitofp %convert_element_type3A_84 : vector<16x48xi32> to vector<16x48xf32>
    %iota3A_86 = tpu.iota {dimensions = array<i32: 0>} : vector<48x48xi32>
    %jit3A_87 = arith.constant 3 : i32
    %eq3A_88 = arith.constant 0 : i32
    %eq3A_89 = arith.cmpi eq, %jit3A_87, %eq3A_88 : i32
    %jit3A_90 = arith.constant 1 : i32
    %select_n3A_91 = arith.select %eq3A_89, %jit3A_90, %jit3A_87 : i32
    %rem3A_92 = vector.broadcast %select_n3A_91 : i32 to vector<48x48xi32>
    %rem3A_93 = arith.remsi %iota3A_86, %rem3A_92 : vector<48x48xi32>
    %ne3A_94 = arith.constant 0 : i32
    %ne3A_95 = vector.broadcast %ne3A_94 : i32 to vector<48x48xi32>
    %ne3A_96 = arith.cmpi ne, %rem3A_93, %ne3A_95 : vector<48x48xi32>
    %lt3A = arith.constant 0 : i32
    %lt3A_97 = vector.broadcast %lt3A : i32 to vector<48x48xi32>
    %lt3A_98 = arith.cmpi slt, %rem3A_93, %lt3A_97 : vector<48x48xi32>
    %lt3A_99 = arith.constant 0 : i32
    %lt3A_100 = arith.cmpi slt, %select_n3A_91, %lt3A_99 : i32
    %ne3A_101 = vector.broadcast %lt3A_100 : i1 to vector<48x48xi1>
    %ne3A_102 = vector.broadcast %ne3A_101 : vector<48x48xi1> to vector<48x48xi1>
    %ne3A_103 = arith.xori %lt3A_98, %ne3A_102 : vector<48x48xi1>
    %and3A_104 = arith.andi %ne3A_103, %ne3A_96 : vector<48x48xi1>
    %add3A_105 = vector.broadcast %select_n3A_91 : i32 to vector<48x48xi32>
    %add3A_106 = arith.addi %rem3A_93, %add3A_105 : vector<48x48xi32>
    %select_n3A_107 = arith.select %and3A_104, %add3A_106, %rem3A_93 : vector<48x48xi1>, vector<48x48xi32>
    %iota3A_108 = tpu.iota {dimensions = array<i32: 1>} : vector<48x48xi32>
    %jit3A_109 = arith.constant 3 : i32
    %eq3A_110 = arith.constant 0 : i32
    %eq3A_111 = arith.cmpi eq, %jit3A_109, %eq3A_110 : i32
    %jit3A_112 = arith.constant 1 : i32
    %select_n3A_113 = arith.select %eq3A_111, %jit3A_112, %jit3A_109 : i32
    %rem3A_114 = vector.broadcast %select_n3A_113 : i32 to vector<48x48xi32>
    %rem3A_115 = arith.remsi %iota3A_108, %rem3A_114 : vector<48x48xi32>
    %ne3A_116 = arith.constant 0 : i32
    %ne3A_117 = vector.broadcast %ne3A_116 : i32 to vector<48x48xi32>
    %ne3A_118 = arith.cmpi ne, %rem3A_115, %ne3A_117 : vector<48x48xi32>
    %lt3A_119 = arith.constant 0 : i32
    %lt3A_120 = vector.broadcast %lt3A_119 : i32 to vector<48x48xi32>
    %lt3A_121 = arith.cmpi slt, %rem3A_115, %lt3A_120 : vector<48x48xi32>
    %lt3A_122 = arith.constant 0 : i32
    %lt3A_123 = arith.cmpi slt, %select_n3A_113, %lt3A_122 : i32
    %ne3A_124 = vector.broadcast %lt3A_123 : i1 to vector<48x48xi1>
    %ne3A_125 = vector.broadcast %ne3A_124 : vector<48x48xi1> to vector<48x48xi1>
    %ne3A_126 = arith.xori %lt3A_121, %ne3A_125 : vector<48x48xi1>
    %and3A_127 = arith.andi %ne3A_126, %ne3A_118 : vector<48x48xi1>
    %add3A_128 = vector.broadcast %select_n3A_113 : i32 to vector<48x48xi32>
    %add3A_129 = arith.addi %rem3A_115, %add3A_128 : vector<48x48xi32>
    %select_n3A_130 = arith.select %and3A_127, %add3A_129, %rem3A_115 : vector<48x48xi1>, vector<48x48xi32>
    %eq3A_131 = arith.cmpi eq, %select_n3A_107, %select_n3A_130 : vector<48x48xi32>
    %convert_element_type3A_132 = arith.extui %eq3A_131 : vector<48x48xi1> to vector<48x48xi32>
    %convert_element_type3A_133 = arith.sitofp %convert_element_type3A_132 : vector<48x48xi32> to vector<48x48xf32>
    %dot_general3A = arith.constant dense<0.000000e+00> : vector<48x16xf32>
    %dot_general3A_134 = tpu.matmul %convert_element_type3A_40, %get3A_3, %dot_general3A {dimension_numbers = #tpu.dot_dimension_numbers<[1], [0], [0], [1], [0, 0, 1, 1], [], []>, precision = #tpu.contract_precision<fp32>, transpose_lhs_hint = false} : vector<48x32xf32>, vector<32x16xf32>, vector<48x16xf32> -> vector<48x16xf32>
    %dot_general3A_135 = arith.constant dense<0.000000e+00> : vector<48x48xf32>
    %dot_general3A_136 = tpu.matmul %dot_general3A_134, %convert_element_type3A_85, %dot_general3A_135 {dimension_numbers = #tpu.dot_dimension_numbers<[1], [0], [0], [1], [0, 0, 1, 1], [], []>, precision = #tpu.contract_precision<fp32>, transpose_lhs_hint = false} : vector<48x16xf32>, vector<16x48xf32>, vector<48x48xf32> -> vector<48x48xf32>
    %mul3A_137 = arith.mulf %dot_general3A_136, %convert_element_type3A_133 : vector<48x48xf32>
    %dot_general3A_138 = arith.constant dense<0.000000e+00> : vector<48x16xf32>
    %dot_general3A_139 = tpu.matmul %convert_element_type3A_40, %get3A_8, %dot_general3A_138 {dimension_numbers = #tpu.dot_dimension_numbers<[1], [0], [0], [1], [0, 0, 1, 1], [], []>, precision = #tpu.contract_precision<fp32>, transpose_lhs_hint = false} : vector<48x32xf32>, vector<32x16xf32>, vector<48x16xf32> -> vector<48x16xf32>
    %dot_general3A_140 = arith.constant dense<0.000000e+00> : vector<48x48xf32>
    %dot_general3A_141 = tpu.matmul %dot_general3A_139, %convert_element_type3A_85, %dot_general3A_140 {dimension_numbers = #tpu.dot_dimension_numbers<[1], [0], [0], [1], [0, 0, 1, 1], [], []>, precision = #tpu.contract_precision<fp32>, transpose_lhs_hint = false} : vector<48x16xf32>, vector<16x48xf32>, vector<48x48xf32> -> vector<48x48xf32>
    %mul3A_142 = arith.mulf %dot_general3A_141, %convert_element_type3A_133 : vector<48x48xf32>
    %dot_general3A_143 = arith.constant dense<0.000000e+00> : vector<48x16xf32>
    %dot_general3A_144 = tpu.matmul %convert_element_type3A_40, %get3A_13, %dot_general3A_143 {dimension_numbers = #tpu.dot_dimension_numbers<[1], [0], [0], [1], [0, 0, 1, 1], [], []>, precision = #tpu.contract_precision<fp32>, transpose_lhs_hint = false} : vector<48x32xf32>, vector<32x16xf32>, vector<48x16xf32> -> vector<48x16xf32>
    %dot_general3A_145 = arith.constant dense<0.000000e+00> : vector<48x48xf32>
    %dot_general3A_146 = tpu.matmul %dot_general3A_144, %convert_element_type3A_85, %dot_general3A_145 {dimension_numbers = #tpu.dot_dimension_numbers<[1], [0], [0], [1], [0, 0, 1, 1], [], []>, precision = #tpu.contract_precision<fp32>, transpose_lhs_hint = false} : vector<48x16xf32>, vector<16x48xf32>, vector<48x48xf32> -> vector<48x48xf32>
    %mul3A_147 = arith.mulf %dot_general3A_146, %convert_element_type3A_133 : vector<48x48xf32>
    %dot_general3A_148 = arith.constant dense<0.000000e+00> : vector<48x16xf32>
    %dot_general3A_149 = tpu.matmul %convert_element_type3A_49, %get3A_3, %dot_general3A_148 {dimension_numbers = #tpu.dot_dimension_numbers<[1], [0], [0], [1], [0, 0, 1, 1], [], []>, precision = #tpu.contract_precision<fp32>, transpose_lhs_hint = false} : vector<48x32xf32>, vector<32x16xf32>, vector<48x16xf32> -> vector<48x16xf32>
    %dot_general3A_150 = arith.constant dense<0.000000e+00> : vector<48x48xf32>
    %dot_general3A_151 = tpu.matmul %dot_general3A_149, %convert_element_type3A_85, %dot_general3A_150 {dimension_numbers = #tpu.dot_dimension_numbers<[1], [0], [0], [1], [0, 0, 1, 1], [], []>, precision = #tpu.contract_precision<fp32>, transpose_lhs_hint = false} : vector<48x16xf32>, vector<16x48xf32>, vector<48x48xf32> -> vector<48x48xf32>
    %mul3A_152 = arith.mulf %dot_general3A_151, %convert_element_type3A_133 : vector<48x48xf32>
    %dot_general3A_153 = arith.constant dense<0.000000e+00> : vector<48x16xf32>
    %dot_general3A_154 = tpu.matmul %convert_element_type3A_49, %get3A_8, %dot_general3A_153 {dimension_numbers = #tpu.dot_dimension_numbers<[1], [0], [0], [1], [0, 0, 1, 1], [], []>, precision = #tpu.contract_precision<fp32>, transpose_lhs_hint = false} : vector<48x32xf32>, vector<32x16xf32>, vector<48x16xf32> -> vector<48x16xf32>
    %dot_general3A_155 = arith.constant dense<0.000000e+00> : vector<48x48xf32>
    %dot_general3A_156 = tpu.matmul %dot_general3A_154, %convert_element_type3A_85, %dot_general3A_155 {dimension_numbers = #tpu.dot_dimension_numbers<[1], [0], [0], [1], [0, 0, 1, 1], [], []>, precision = #tpu.contract_precision<fp32>, transpose_lhs_hint = false} : vector<48x16xf32>, vector<16x48xf32>, vector<48x48xf32> -> vector<48x48xf32>
    %mul3A_157 = arith.mulf %dot_general3A_156, %convert_element_type3A_133 : vector<48x48xf32>
    %dot_general3A_158 = arith.constant dense<0.000000e+00> : vector<48x16xf32>
    %dot_general3A_159 = tpu.matmul %convert_element_type3A_49, %get3A_13, %dot_general3A_158 {dimension_numbers = #tpu.dot_dimension_numbers<[1], [0], [0], [1], [0, 0, 1, 1], [], []>, precision = #tpu.contract_precision<fp32>, transpose_lhs_hint = false} : vector<48x32xf32>, vector<32x16xf32>, vector<48x16xf32> -> vector<48x16xf32>
    %dot_general3A_160 = arith.constant dense<0.000000e+00> : vector<48x48xf32>
    %dot_general3A_161 = tpu.matmul %dot_general3A_159, %convert_element_type3A_85, %dot_general3A_160 {dimension_numbers = #tpu.dot_dimension_numbers<[1], [0], [0], [1], [0, 0, 1, 1], [], []>, precision = #tpu.contract_precision<fp32>, transpose_lhs_hint = false} : vector<48x16xf32>, vector<16x48xf32>, vector<48x48xf32> -> vector<48x48xf32>
    %mul3A_162 = arith.mulf %dot_general3A_161, %convert_element_type3A_133 : vector<48x48xf32>
    %get3A_163 = arith.constant 0 : index
    %get3A_164 = arith.constant 0 : index
    %get3A_165 = vector.load %arg0[%get3A_163, %get3A_164] : memref<16x3xf32, #tpu.memory_space<vmem>>, vector<16x3xf32>
    %logistic3A = arith.negf %get3A_165 : vector<16x3xf32>
    %logistic3A_166 = math.exp %logistic3A : vector<16x3xf32>
    %logistic3A_167 = arith.constant 1.000000e+00 : f32
    %logistic3A_168 = vector.broadcast %logistic3A_167 : f32 to vector<16x3xf32>
    %logistic3A_169 = arith.addf %logistic3A_168, %logistic3A_166 : vector<16x3xf32>
    %logistic3A_170 = arith.divf %logistic3A_168, %logistic3A_169 : vector<16x3xf32>
    %iota3A_171 = tpu.iota {dimensions = array<i32: 1>} : vector<48x16xi32>
    %iota3A_172 = tpu.iota {dimensions = array<i32: 0>} : vector<48x16xi32>
    %jit3A_173 = arith.constant 3 : i32
    %div3A_174 = vector.broadcast %jit3A_173 : i32 to vector<48x16xi32>
    %div3A_175 = arith.divsi %iota3A_172, %div3A_174 : vector<48x16xi32>
    %sign3A_176 = arith.constant 0 : i32
    %sign3A_177 = vector.broadcast %sign3A_176 : i32 to vector<48x16xi32>
    %sign3A_178 = arith.cmpi sgt, %iota3A_172, %sign3A_177 : vector<48x16xi32>
    %sign3A_179 = arith.extui %sign3A_178 : vector<48x16xi1> to vector<48x16xi32>
    %sign3A_180 = arith.constant 0 : i32
    %sign3A_181 = vector.broadcast %sign3A_180 : i32 to vector<48x16xi32>
    %sign3A_182 = arith.cmpi slt, %iota3A_172, %sign3A_181 : vector<48x16xi32>
    %sign3A_183 = arith.extui %sign3A_182 : vector<48x16xi1> to vector<48x16xi32>
    %sign3A_184 = arith.subi %sign3A_179, %sign3A_183 : vector<48x16xi32>
    %sign3A_185 = arith.constant 0 : i32
    %sign3A_186 = arith.cmpi sgt, %jit3A_173, %sign3A_185 : i32
    %sign3A_187 = arith.extui %sign3A_186 : i1 to i32
    %sign3A_188 = arith.constant 0 : i32
    %sign3A_189 = arith.cmpi slt, %jit3A_173, %sign3A_188 : i32
    %sign3A_190 = arith.extui %sign3A_189 : i1 to i32
    %sign3A_191 = arith.subi %sign3A_187, %sign3A_190 : i32
    %ne3A_192 = vector.broadcast %sign3A_191 : i32 to vector<48x16xi32>
    %ne3A_193 = arith.cmpi ne, %sign3A_184, %ne3A_192 : vector<48x16xi32>
    %rem3A_194 = vector.broadcast %jit3A_173 : i32 to vector<48x16xi32>
    %rem3A_195 = arith.remsi %iota3A_172, %rem3A_194 : vector<48x16xi32>
    %ne3A_196 = arith.constant 0 : i32
    %ne3A_197 = vector.broadcast %ne3A_196 : i32 to vector<48x16xi32>
    %ne3A_198 = arith.cmpi ne, %rem3A_195, %ne3A_197 : vector<48x16xi32>
    %and3A_199 = arith.andi %ne3A_193, %ne3A_198 : vector<48x16xi1>
    %sub3A_200 = arith.constant 1 : i32
    %sub3A_201 = vector.broadcast %sub3A_200 : i32 to vector<48x16xi32>
    %sub3A_202 = arith.subi %div3A_175, %sub3A_201 : vector<48x16xi32>
    %select_n3A_203 = arith.select %and3A_199, %sub3A_202, %div3A_175 : vector<48x16xi1>, vector<48x16xi32>
    %eq3A_204 = arith.cmpi eq, %iota3A_171, %select_n3A_203 : vector<48x16xi32>
    %convert_element_type3A_205 = arith.extui %eq3A_204 : vector<48x16xi1> to vector<48x16xi32>
    %convert_element_type3A_206 = arith.sitofp %convert_element_type3A_205 : vector<48x16xi32> to vector<48x16xf32>
    %iota3A_207 = tpu.iota {dimensions = array<i32: 1>} : vector<48x3xi32>
    %iota3A_208 = tpu.iota {dimensions = array<i32: 0>} : vector<48x3xi32>
    %jit3A_209 = arith.constant 3 : i32
    %eq3A_210 = arith.constant 0 : i32
    %eq3A_211 = arith.cmpi eq, %jit3A_209, %eq3A_210 : i32
    %jit3A_212 = arith.constant 1 : i32
    %select_n3A_213 = arith.select %eq3A_211, %jit3A_212, %jit3A_209 : i32
    %rem3A_214 = vector.broadcast %select_n3A_213 : i32 to vector<48x3xi32>
    %rem3A_215 = arith.remsi %iota3A_208, %rem3A_214 : vector<48x3xi32>
    %ne3A_216 = arith.constant 0 : i32
    %ne3A_217 = vector.broadcast %ne3A_216 : i32 to vector<48x3xi32>
    %ne3A_218 = arith.cmpi ne, %rem3A_215, %ne3A_217 : vector<48x3xi32>
    %lt3A_219 = arith.constant 0 : i32
    %lt3A_220 = vector.broadcast %lt3A_219 : i32 to vector<48x3xi32>
    %lt3A_221 = arith.cmpi slt, %rem3A_215, %lt3A_220 : vector<48x3xi32>
    %lt3A_222 = arith.constant 0 : i32
    %lt3A_223 = arith.cmpi slt, %select_n3A_213, %lt3A_222 : i32
    %ne3A_224 = vector.broadcast %lt3A_223 : i1 to vector<48x3xi1>
    %ne3A_225 = vector.broadcast %ne3A_224 : vector<48x3xi1> to vector<48x3xi1>
    %ne3A_226 = arith.xori %lt3A_221, %ne3A_225 : vector<48x3xi1>
    %and3A_227 = arith.andi %ne3A_226, %ne3A_218 : vector<48x3xi1>
    %add3A_228 = vector.broadcast %select_n3A_213 : i32 to vector<48x3xi32>
    %add3A_229 = arith.addi %rem3A_215, %add3A_228 : vector<48x3xi32>
    %select_n3A_230 = arith.select %and3A_227, %add3A_229, %rem3A_215 : vector<48x3xi1>, vector<48x3xi32>
    %eq3A_231 = arith.cmpi eq, %iota3A_207, %select_n3A_230 : vector<48x3xi32>
    %convert_element_type3A_232 = arith.extui %eq3A_231 : vector<48x3xi1> to vector<48x3xi32>
    %convert_element_type3A_233 = arith.sitofp %convert_element_type3A_232 : vector<48x3xi32> to vector<48x3xf32>
    %dot_general3A_234 = arith.constant dense<0.000000e+00> : vector<48x3xf32>
    %dot_general3A_235 = tpu.matmul %convert_element_type3A_206, %logistic3A_170, %dot_general3A_234 {dimension_numbers = #tpu.dot_dimension_numbers<[1], [0], [0], [1], [0, 0, 1, 1], [], []>, precision = #tpu.contract_precision<fp32>, transpose_lhs_hint = false} : vector<48x16xf32>, vector<16x3xf32>, vector<48x3xf32> -> vector<48x3xf32>
    %mul3A_236 = arith.mulf %dot_general3A_235, %convert_element_type3A_233 : vector<48x3xf32>
    %broadcast_in_dim3A = arith.constant 1.000000e+00 : f32
    %broadcast_in_dim3A_237 = vector.broadcast %broadcast_in_dim3A : f32 to vector<3x1xf32>
    %dot_general3A_238 = arith.constant dense<0.000000e+00> : vector<48x1xf32>
    %dot_general3A_239 = tpu.matmul %mul3A_236, %broadcast_in_dim3A_237, %dot_general3A_238 {dimension_numbers = #tpu.dot_dimension_numbers<[1], [0], [0], [1], [0, 0, 1, 1], [], []>, precision = #tpu.contract_precision<fp32>, transpose_lhs_hint = false} : vector<48x3xf32>, vector<3x1xf32>, vector<48x1xf32> -> vector<48x1xf32>
    %iota3A_240 = tpu.iota {dimensions = array<i32: 0>} : vector<48x1xi32>
    %jit3A_241 = arith.constant 3 : i32
    %div3A_242 = vector.broadcast %jit3A_241 : i32 to vector<48x1xi32>
    %div3A_243 = arith.divsi %iota3A_240, %div3A_242 : vector<48x1xi32>
    %sign3A_244 = arith.constant 0 : i32
    %sign3A_245 = vector.broadcast %sign3A_244 : i32 to vector<48x1xi32>
    %sign3A_246 = arith.cmpi sgt, %iota3A_240, %sign3A_245 : vector<48x1xi32>
    %sign3A_247 = arith.extui %sign3A_246 : vector<48x1xi1> to vector<48x1xi32>
    %sign3A_248 = arith.constant 0 : i32
    %sign3A_249 = vector.broadcast %sign3A_248 : i32 to vector<48x1xi32>
    %sign3A_250 = arith.cmpi slt, %iota3A_240, %sign3A_249 : vector<48x1xi32>
    %sign3A_251 = arith.extui %sign3A_250 : vector<48x1xi1> to vector<48x1xi32>
    %sign3A_252 = arith.subi %sign3A_247, %sign3A_251 : vector<48x1xi32>
    %sign3A_253 = arith.constant 0 : i32
    %sign3A_254 = arith.cmpi sgt, %jit3A_241, %sign3A_253 : i32
    %sign3A_255 = arith.extui %sign3A_254 : i1 to i32
    %sign3A_256 = arith.constant 0 : i32
    %sign3A_257 = arith.cmpi slt, %jit3A_241, %sign3A_256 : i32
    %sign3A_258 = arith.extui %sign3A_257 : i1 to i32
    %sign3A_259 = arith.subi %sign3A_255, %sign3A_258 : i32
    %ne3A_260 = vector.broadcast %sign3A_259 : i32 to vector<48x1xi32>
    %ne3A_261 = arith.cmpi ne, %sign3A_252, %ne3A_260 : vector<48x1xi32>
    %rem3A_262 = vector.broadcast %jit3A_241 : i32 to vector<48x1xi32>
    %rem3A_263 = arith.remsi %iota3A_240, %rem3A_262 : vector<48x1xi32>
    %ne3A_264 = arith.constant 0 : i32
    %ne3A_265 = vector.broadcast %ne3A_264 : i32 to vector<48x1xi32>
    %ne3A_266 = arith.cmpi ne, %rem3A_263, %ne3A_265 : vector<48x1xi32>
    %and3A_267 = arith.andi %ne3A_261, %ne3A_266 : vector<48x1xi1>
    %sub3A_268 = arith.constant 1 : i32
    %sub3A_269 = vector.broadcast %sub3A_268 : i32 to vector<48x1xi32>
    %sub3A_270 = arith.subi %div3A_243, %sub3A_269 : vector<48x1xi32>
    %select_n3A_271 = arith.select %and3A_267, %sub3A_270, %div3A_243 : vector<48x1xi1>, vector<48x1xi32>
    %jit3A_272 = arith.constant 2 : i32
    %eq3A_273 = arith.constant 0 : i32
    %eq3A_274 = arith.cmpi eq, %jit3A_272, %eq3A_273 : i32
    %jit3A_275 = arith.constant 1 : i32
    %select_n3A_276 = arith.select %eq3A_274, %jit3A_275, %jit3A_272 : i32
    %rem3A_277 = vector.broadcast %select_n3A_276 : i32 to vector<48x1xi32>
    %rem3A_278 = arith.remsi %select_n3A_271, %rem3A_277 : vector<48x1xi32>
    %ne3A_279 = arith.constant 0 : i32
    %ne3A_280 = vector.broadcast %ne3A_279 : i32 to vector<48x1xi32>
    %ne3A_281 = arith.cmpi ne, %rem3A_278, %ne3A_280 : vector<48x1xi32>
    %lt3A_282 = arith.constant 0 : i32
    %lt3A_283 = vector.broadcast %lt3A_282 : i32 to vector<48x1xi32>
    %lt3A_284 = arith.cmpi slt, %rem3A_278, %lt3A_283 : vector<48x1xi32>
    %lt3A_285 = arith.constant 0 : i32
    %lt3A_286 = arith.cmpi slt, %select_n3A_276, %lt3A_285 : i32
    %ne3A_287 = vector.broadcast %lt3A_286 : i1 to vector<48x1xi1>
    %ne3A_288 = vector.broadcast %ne3A_287 : vector<48x1xi1> to vector<48x1xi1>
    %ne3A_289 = arith.xori %lt3A_284, %ne3A_288 : vector<48x1xi1>
    %and3A_290 = arith.andi %ne3A_289, %ne3A_281 : vector<48x1xi1>
    %add3A_291 = vector.broadcast %select_n3A_276 : i32 to vector<48x1xi32>
    %add3A_292 = arith.addi %rem3A_278, %add3A_291 : vector<48x1xi32>
    %select_n3A_293 = arith.select %and3A_290, %add3A_292, %rem3A_278 : vector<48x1xi1>, vector<48x1xi32>
    %eq3A_294 = arith.constant 0 : i32
    %eq3A_295 = vector.broadcast %eq3A_294 : i32 to vector<48x1xi32>
    %eq3A_296 = arith.cmpi eq, %select_n3A_293, %eq3A_295 : vector<48x1xi32>
    %dot_general3A_297 = arith.constant dense<0.000000e+00> : vector<48x1xf32>
    %dot_general3A_298 = tpu.matmul %mul3A_137, %dot_general3A_239, %dot_general3A_297 {dimension_numbers = #tpu.dot_dimension_numbers<[1], [0], [0], [1], [0, 0, 1, 1], [], []>, precision = #tpu.contract_precision<fp32>, transpose_lhs_hint = false} : vector<48x48xf32>, vector<48x1xf32>, vector<48x1xf32> -> vector<48x1xf32>
    %dot_general3A_299 = arith.constant dense<0.000000e+00> : vector<48x1xf32>
    %dot_general3A_300 = tpu.matmul %mul3A_152, %dot_general3A_239, %dot_general3A_299 {dimension_numbers = #tpu.dot_dimension_numbers<[1], [0], [0], [1], [0, 0, 1, 1], [], []>, precision = #tpu.contract_precision<fp32>, transpose_lhs_hint = false} : vector<48x48xf32>, vector<48x1xf32>, vector<48x1xf32> -> vector<48x1xf32>
    %iota3A_301 = tpu.iota {dimensions = array<i32: 0>} : vector<1x4xi32>
    %iota3A_302 = tpu.iota {dimensions = array<i32: 1>} : vector<1x4xi32>
    %jit3A_303 = arith.constant 2 : i32
    %div3A_304 = vector.broadcast %jit3A_303 : i32 to vector<1x4xi32>
    %div3A_305 = arith.divsi %iota3A_302, %div3A_304 : vector<1x4xi32>
    %sign3A_306 = arith.constant 0 : i32
    %sign3A_307 = vector.broadcast %sign3A_306 : i32 to vector<1x4xi32>
    %sign3A_308 = arith.cmpi sgt, %iota3A_302, %sign3A_307 : vector<1x4xi32>
    %sign3A_309 = arith.extui %sign3A_308 : vector<1x4xi1> to vector<1x4xi32>
    %sign3A_310 = arith.constant 0 : i32
    %sign3A_311 = vector.broadcast %sign3A_310 : i32 to vector<1x4xi32>
    %sign3A_312 = arith.cmpi slt, %iota3A_302, %sign3A_311 : vector<1x4xi32>
    %sign3A_313 = arith.extui %sign3A_312 : vector<1x4xi1> to vector<1x4xi32>
    %sign3A_314 = arith.subi %sign3A_309, %sign3A_313 : vector<1x4xi32>
    %sign3A_315 = arith.constant 0 : i32
    %sign3A_316 = arith.cmpi sgt, %jit3A_303, %sign3A_315 : i32
    %sign3A_317 = arith.extui %sign3A_316 : i1 to i32
    %sign3A_318 = arith.constant 0 : i32
    %sign3A_319 = arith.cmpi slt, %jit3A_303, %sign3A_318 : i32
    %sign3A_320 = arith.extui %sign3A_319 : i1 to i32
    %sign3A_321 = arith.subi %sign3A_317, %sign3A_320 : i32
    %ne3A_322 = vector.broadcast %sign3A_321 : i32 to vector<1x4xi32>
    %ne3A_323 = arith.cmpi ne, %sign3A_314, %ne3A_322 : vector<1x4xi32>
    %rem3A_324 = vector.broadcast %jit3A_303 : i32 to vector<1x4xi32>
    %rem3A_325 = arith.remsi %iota3A_302, %rem3A_324 : vector<1x4xi32>
    %ne3A_326 = arith.constant 0 : i32
    %ne3A_327 = vector.broadcast %ne3A_326 : i32 to vector<1x4xi32>
    %ne3A_328 = arith.cmpi ne, %rem3A_325, %ne3A_327 : vector<1x4xi32>
    %and3A_329 = arith.andi %ne3A_323, %ne3A_328 : vector<1x4xi1>
    %sub3A_330 = arith.constant 1 : i32
    %sub3A_331 = vector.broadcast %sub3A_330 : i32 to vector<1x4xi32>
    %sub3A_332 = arith.subi %div3A_305, %sub3A_331 : vector<1x4xi32>
    %select_n3A_333 = arith.select %and3A_329, %sub3A_332, %div3A_305 : vector<1x4xi1>, vector<1x4xi32>
    %jit3A_334 = arith.constant 2 : i32
    %eq3A_335 = arith.constant 0 : i32
    %eq3A_336 = arith.cmpi eq, %jit3A_334, %eq3A_335 : i32
    %jit3A_337 = arith.constant 1 : i32
    %select_n3A_338 = arith.select %eq3A_336, %jit3A_337, %jit3A_334 : i32
    %rem3A_339 = vector.broadcast %select_n3A_338 : i32 to vector<1x4xi32>
    %rem3A_340 = arith.remsi %iota3A_302, %rem3A_339 : vector<1x4xi32>
    %ne3A_341 = arith.constant 0 : i32
    %ne3A_342 = vector.broadcast %ne3A_341 : i32 to vector<1x4xi32>
    %ne3A_343 = arith.cmpi ne, %rem3A_340, %ne3A_342 : vector<1x4xi32>
    %lt3A_344 = arith.constant 0 : i32
    %lt3A_345 = vector.broadcast %lt3A_344 : i32 to vector<1x4xi32>
    %lt3A_346 = arith.cmpi slt, %rem3A_340, %lt3A_345 : vector<1x4xi32>
    %lt3A_347 = arith.constant 0 : i32
    %lt3A_348 = arith.cmpi slt, %select_n3A_338, %lt3A_347 : i32
    %ne3A_349 = vector.broadcast %lt3A_348 : i1 to vector<1x4xi1>
    %ne3A_350 = vector.broadcast %ne3A_349 : vector<1x4xi1> to vector<1x4xi1>
    %ne3A_351 = arith.xori %lt3A_346, %ne3A_350 : vector<1x4xi1>
    %and3A_352 = arith.andi %ne3A_351, %ne3A_343 : vector<1x4xi1>
    %add3A_353 = vector.broadcast %select_n3A_338 : i32 to vector<1x4xi32>
    %add3A_354 = arith.addi %rem3A_340, %add3A_353 : vector<1x4xi32>
    %select_n3A_355 = arith.select %and3A_352, %add3A_354, %rem3A_340 : vector<1x4xi1>, vector<1x4xi32>
    %jit3A_356 = arith.constant 1 : i32
    %div3A_357 = vector.broadcast %jit3A_356 : i32 to vector<1x4xi32>
    %div3A_358 = arith.divsi %iota3A_301, %div3A_357 : vector<1x4xi32>
    %sign3A_359 = arith.constant 0 : i32
    %sign3A_360 = vector.broadcast %sign3A_359 : i32 to vector<1x4xi32>
    %sign3A_361 = arith.cmpi sgt, %iota3A_301, %sign3A_360 : vector<1x4xi32>
    %sign3A_362 = arith.extui %sign3A_361 : vector<1x4xi1> to vector<1x4xi32>
    %sign3A_363 = arith.constant 0 : i32
    %sign3A_364 = vector.broadcast %sign3A_363 : i32 to vector<1x4xi32>
    %sign3A_365 = arith.cmpi slt, %iota3A_301, %sign3A_364 : vector<1x4xi32>
    %sign3A_366 = arith.extui %sign3A_365 : vector<1x4xi1> to vector<1x4xi32>
    %sign3A_367 = arith.subi %sign3A_362, %sign3A_366 : vector<1x4xi32>
    %sign3A_368 = arith.constant 0 : i32
    %sign3A_369 = arith.cmpi sgt, %jit3A_356, %sign3A_368 : i32
    %sign3A_370 = arith.extui %sign3A_369 : i1 to i32
    %sign3A_371 = arith.constant 0 : i32
    %sign3A_372 = arith.cmpi slt, %jit3A_356, %sign3A_371 : i32
    %sign3A_373 = arith.extui %sign3A_372 : i1 to i32
    %sign3A_374 = arith.subi %sign3A_370, %sign3A_373 : i32
    %ne3A_375 = vector.broadcast %sign3A_374 : i32 to vector<1x4xi32>
    %ne3A_376 = arith.cmpi ne, %sign3A_367, %ne3A_375 : vector<1x4xi32>
    %rem3A_377 = vector.broadcast %jit3A_356 : i32 to vector<1x4xi32>
    %rem3A_378 = arith.remsi %iota3A_301, %rem3A_377 : vector<1x4xi32>
    %ne3A_379 = arith.constant 0 : i32
    %ne3A_380 = vector.broadcast %ne3A_379 : i32 to vector<1x4xi32>
    %ne3A_381 = arith.cmpi ne, %rem3A_378, %ne3A_380 : vector<1x4xi32>
    %and3A_382 = arith.andi %ne3A_376, %ne3A_381 : vector<1x4xi1>
    %sub3A_383 = arith.constant 1 : i32
    %sub3A_384 = vector.broadcast %sub3A_383 : i32 to vector<1x4xi32>
    %sub3A_385 = arith.subi %div3A_358, %sub3A_384 : vector<1x4xi32>
    %select_n3A_386 = arith.select %and3A_382, %sub3A_385, %div3A_358 : vector<1x4xi1>, vector<1x4xi32>
    %jit3A_387 = arith.constant 1 : i32
    %eq3A_388 = arith.constant 0 : i32
    %eq3A_389 = arith.cmpi eq, %jit3A_387, %eq3A_388 : i32
    %jit3A_390 = arith.constant 1 : i32
    %select_n3A_391 = arith.select %eq3A_389, %jit3A_390, %jit3A_387 : i32
    %rem3A_392 = vector.broadcast %select_n3A_391 : i32 to vector<1x4xi32>
    %rem3A_393 = arith.remsi %iota3A_301, %rem3A_392 : vector<1x4xi32>
    %ne3A_394 = arith.constant 0 : i32
    %ne3A_395 = vector.broadcast %ne3A_394 : i32 to vector<1x4xi32>
    %ne3A_396 = arith.cmpi ne, %rem3A_393, %ne3A_395 : vector<1x4xi32>
    %lt3A_397 = arith.constant 0 : i32
    %lt3A_398 = vector.broadcast %lt3A_397 : i32 to vector<1x4xi32>
    %lt3A_399 = arith.cmpi slt, %rem3A_393, %lt3A_398 : vector<1x4xi32>
    %lt3A_400 = arith.constant 0 : i32
    %lt3A_401 = arith.cmpi slt, %select_n3A_391, %lt3A_400 : i32
    %ne3A_402 = vector.broadcast %lt3A_401 : i1 to vector<1x4xi1>
    %ne3A_403 = vector.broadcast %ne3A_402 : vector<1x4xi1> to vector<1x4xi1>
    %ne3A_404 = arith.xori %lt3A_399, %ne3A_403 : vector<1x4xi1>
    %and3A_405 = arith.andi %ne3A_404, %ne3A_396 : vector<1x4xi1>
    %add3A_406 = vector.broadcast %select_n3A_391 : i32 to vector<1x4xi32>
    %add3A_407 = arith.addi %rem3A_393, %add3A_406 : vector<1x4xi32>
    %select_n3A_408 = arith.select %and3A_405, %add3A_407, %rem3A_393 : vector<1x4xi1>, vector<1x4xi32>
    %lt3A_409 = arith.constant 1 : i32
    %lt3A_410 = vector.broadcast %lt3A_409 : i32 to vector<1x4xi32>
    %lt3A_411 = arith.cmpi slt, %select_n3A_333, %lt3A_410 : vector<1x4xi32>
    %eq3A_412 = arith.cmpi eq, %select_n3A_386, %select_n3A_333 : vector<1x4xi32>
    %and3A_413 = arith.andi %lt3A_411, %eq3A_412 : vector<1x4xi1>
    %jit3A_414 = arith.constant 2 : i32
    %div3A_415 = vector.broadcast %jit3A_414 : i32 to vector<1x4xi32>
    %div3A_416 = arith.divsi %select_n3A_355, %div3A_415 : vector<1x4xi32>
    %sign3A_417 = arith.constant 0 : i32
    %sign3A_418 = vector.broadcast %sign3A_417 : i32 to vector<1x4xi32>
    %sign3A_419 = arith.cmpi sgt, %select_n3A_355, %sign3A_418 : vector<1x4xi32>
    %sign3A_420 = arith.extui %sign3A_419 : vector<1x4xi1> to vector<1x4xi32>
    %sign3A_421 = arith.constant 0 : i32
    %sign3A_422 = vector.broadcast %sign3A_421 : i32 to vector<1x4xi32>
    %sign3A_423 = arith.cmpi slt, %select_n3A_355, %sign3A_422 : vector<1x4xi32>
    %sign3A_424 = arith.extui %sign3A_423 : vector<1x4xi1> to vector<1x4xi32>
    %sign3A_425 = arith.subi %sign3A_420, %sign3A_424 : vector<1x4xi32>
    %sign3A_426 = arith.constant 0 : i32
    %sign3A_427 = arith.cmpi sgt, %jit3A_414, %sign3A_426 : i32
    %sign3A_428 = arith.extui %sign3A_427 : i1 to i32
    %sign3A_429 = arith.constant 0 : i32
    %sign3A_430 = arith.cmpi slt, %jit3A_414, %sign3A_429 : i32
    %sign3A_431 = arith.extui %sign3A_430 : i1 to i32
    %sign3A_432 = arith.subi %sign3A_428, %sign3A_431 : i32
    %ne3A_433 = vector.broadcast %sign3A_432 : i32 to vector<1x4xi32>
    %ne3A_434 = arith.cmpi ne, %sign3A_425, %ne3A_433 : vector<1x4xi32>
    %rem3A_435 = vector.broadcast %jit3A_414 : i32 to vector<1x4xi32>
    %rem3A_436 = arith.remsi %select_n3A_355, %rem3A_435 : vector<1x4xi32>
    %ne3A_437 = arith.constant 0 : i32
    %ne3A_438 = vector.broadcast %ne3A_437 : i32 to vector<1x4xi32>
    %ne3A_439 = arith.cmpi ne, %rem3A_436, %ne3A_438 : vector<1x4xi32>
    %and3A_440 = arith.andi %ne3A_434, %ne3A_439 : vector<1x4xi1>
    %sub3A_441 = arith.constant 1 : i32
    %sub3A_442 = vector.broadcast %sub3A_441 : i32 to vector<1x4xi32>
    %sub3A_443 = arith.subi %div3A_416, %sub3A_442 : vector<1x4xi32>
    %select_n3A_444 = arith.select %and3A_440, %sub3A_443, %div3A_416 : vector<1x4xi1>, vector<1x4xi32>
    %eq3A_445 = arith.cmpi eq, %select_n3A_408, %select_n3A_444 : vector<1x4xi32>
    %and3A_446 = arith.andi %and3A_413, %eq3A_445 : vector<1x4xi1>
    %convert_element_type3A_447 = arith.extui %and3A_446 : vector<1x4xi1> to vector<1x4xi32>
    %convert_element_type3A_448 = arith.sitofp %convert_element_type3A_447 : vector<1x4xi32> to vector<1x4xf32>
    %convert_element_type3A_449 = arith.truncf %convert_element_type3A_448 : vector<1x4xf32> to vector<1x4xbf16>
    %ge3A = arith.constant 1 : i32
    %ge3A_450 = vector.broadcast %ge3A : i32 to vector<1x4xi32>
    %ge3A_451 = arith.cmpi sge, %select_n3A_333, %ge3A_450 : vector<1x4xi32>
    %sub3A_452 = arith.constant 1 : i32
    %sub3A_453 = vector.broadcast %sub3A_452 : i32 to vector<1x4xi32>
    %sub3A_454 = arith.subi %select_n3A_333, %sub3A_453 : vector<1x4xi32>
    %eq3A_455 = arith.cmpi eq, %select_n3A_386, %sub3A_454 : vector<1x4xi32>
    %and3A_456 = arith.andi %ge3A_451, %eq3A_455 : vector<1x4xi1>
    %jit3A_457 = arith.constant 2 : i32
    %div3A_458 = vector.broadcast %jit3A_457 : i32 to vector<1x4xi32>
    %div3A_459 = arith.divsi %select_n3A_355, %div3A_458 : vector<1x4xi32>
    %sign3A_460 = arith.constant 0 : i32
    %sign3A_461 = vector.broadcast %sign3A_460 : i32 to vector<1x4xi32>
    %sign3A_462 = arith.cmpi sgt, %select_n3A_355, %sign3A_461 : vector<1x4xi32>
    %sign3A_463 = arith.extui %sign3A_462 : vector<1x4xi1> to vector<1x4xi32>
    %sign3A_464 = arith.constant 0 : i32
    %sign3A_465 = vector.broadcast %sign3A_464 : i32 to vector<1x4xi32>
    %sign3A_466 = arith.cmpi slt, %select_n3A_355, %sign3A_465 : vector<1x4xi32>
    %sign3A_467 = arith.extui %sign3A_466 : vector<1x4xi1> to vector<1x4xi32>
    %sign3A_468 = arith.subi %sign3A_463, %sign3A_467 : vector<1x4xi32>
    %sign3A_469 = arith.constant 0 : i32
    %sign3A_470 = arith.cmpi sgt, %jit3A_457, %sign3A_469 : i32
    %sign3A_471 = arith.extui %sign3A_470 : i1 to i32
    %sign3A_472 = arith.constant 0 : i32
    %sign3A_473 = arith.cmpi slt, %jit3A_457, %sign3A_472 : i32
    %sign3A_474 = arith.extui %sign3A_473 : i1 to i32
    %sign3A_475 = arith.subi %sign3A_471, %sign3A_474 : i32
    %ne3A_476 = vector.broadcast %sign3A_475 : i32 to vector<1x4xi32>
    %ne3A_477 = arith.cmpi ne, %sign3A_468, %ne3A_476 : vector<1x4xi32>
    %rem3A_478 = vector.broadcast %jit3A_457 : i32 to vector<1x4xi32>
    %rem3A_479 = arith.remsi %select_n3A_355, %rem3A_478 : vector<1x4xi32>
    %ne3A_480 = arith.constant 0 : i32
    %ne3A_481 = vector.broadcast %ne3A_480 : i32 to vector<1x4xi32>
    %ne3A_482 = arith.cmpi ne, %rem3A_479, %ne3A_481 : vector<1x4xi32>
    %and3A_483 = arith.andi %ne3A_477, %ne3A_482 : vector<1x4xi1>
    %sub3A_484 = arith.constant 1 : i32
    %sub3A_485 = vector.broadcast %sub3A_484 : i32 to vector<1x4xi32>
    %sub3A_486 = arith.subi %div3A_459, %sub3A_485 : vector<1x4xi32>
    %select_n3A_487 = arith.select %and3A_483, %sub3A_486, %div3A_459 : vector<1x4xi1>, vector<1x4xi32>
    %eq3A_488 = arith.cmpi eq, %select_n3A_408, %select_n3A_487 : vector<1x4xi32>
    %and3A_489 = arith.andi %and3A_456, %eq3A_488 : vector<1x4xi1>
    %convert_element_type3A_490 = arith.extui %and3A_489 : vector<1x4xi1> to vector<1x4xi32>
    %convert_element_type3A_491 = arith.sitofp %convert_element_type3A_490 : vector<1x4xi32> to vector<1x4xf32>
    %convert_element_type3A_492 = arith.truncf %convert_element_type3A_491 : vector<1x4xf32> to vector<1x4xbf16>
    %lt3A_493 = arith.constant 1 : i32
    %lt3A_494 = vector.broadcast %lt3A_493 : i32 to vector<1x4xi32>
    %lt3A_495 = arith.cmpi slt, %select_n3A_355, %lt3A_494 : vector<1x4xi32>
    %eq3A_496 = arith.cmpi eq, %select_n3A_408, %select_n3A_355 : vector<1x4xi32>
    %and3A_497 = arith.andi %lt3A_495, %eq3A_496 : vector<1x4xi1>
    %jit3A_498 = arith.constant 2 : i32
    %div3A_499 = vector.broadcast %jit3A_498 : i32 to vector<1x4xi32>
    %div3A_500 = arith.divsi %select_n3A_333, %div3A_499 : vector<1x4xi32>
    %sign3A_501 = arith.constant 0 : i32
    %sign3A_502 = vector.broadcast %sign3A_501 : i32 to vector<1x4xi32>
    %sign3A_503 = arith.cmpi sgt, %select_n3A_333, %sign3A_502 : vector<1x4xi32>
    %sign3A_504 = arith.extui %sign3A_503 : vector<1x4xi1> to vector<1x4xi32>
    %sign3A_505 = arith.constant 0 : i32
    %sign3A_506 = vector.broadcast %sign3A_505 : i32 to vector<1x4xi32>
    %sign3A_507 = arith.cmpi slt, %select_n3A_333, %sign3A_506 : vector<1x4xi32>
    %sign3A_508 = arith.extui %sign3A_507 : vector<1x4xi1> to vector<1x4xi32>
    %sign3A_509 = arith.subi %sign3A_504, %sign3A_508 : vector<1x4xi32>
    %sign3A_510 = arith.constant 0 : i32
    %sign3A_511 = arith.cmpi sgt, %jit3A_498, %sign3A_510 : i32
    %sign3A_512 = arith.extui %sign3A_511 : i1 to i32
    %sign3A_513 = arith.constant 0 : i32
    %sign3A_514 = arith.cmpi slt, %jit3A_498, %sign3A_513 : i32
    %sign3A_515 = arith.extui %sign3A_514 : i1 to i32
    %sign3A_516 = arith.subi %sign3A_512, %sign3A_515 : i32
    %ne3A_517 = vector.broadcast %sign3A_516 : i32 to vector<1x4xi32>
    %ne3A_518 = arith.cmpi ne, %sign3A_509, %ne3A_517 : vector<1x4xi32>
    %rem3A_519 = vector.broadcast %jit3A_498 : i32 to vector<1x4xi32>
    %rem3A_520 = arith.remsi %select_n3A_333, %rem3A_519 : vector<1x4xi32>
    %ne3A_521 = arith.constant 0 : i32
    %ne3A_522 = vector.broadcast %ne3A_521 : i32 to vector<1x4xi32>
    %ne3A_523 = arith.cmpi ne, %rem3A_520, %ne3A_522 : vector<1x4xi32>
    %and3A_524 = arith.andi %ne3A_518, %ne3A_523 : vector<1x4xi1>
    %sub3A_525 = arith.constant 1 : i32
    %sub3A_526 = vector.broadcast %sub3A_525 : i32 to vector<1x4xi32>
    %sub3A_527 = arith.subi %div3A_500, %sub3A_526 : vector<1x4xi32>
    %select_n3A_528 = arith.select %and3A_524, %sub3A_527, %div3A_500 : vector<1x4xi1>, vector<1x4xi32>
    %eq3A_529 = arith.cmpi eq, %select_n3A_386, %select_n3A_528 : vector<1x4xi32>
    %and3A_530 = arith.andi %and3A_497, %eq3A_529 : vector<1x4xi1>
    %convert_element_type3A_531 = arith.extui %and3A_530 : vector<1x4xi1> to vector<1x4xi32>
    %convert_element_type3A_532 = arith.sitofp %convert_element_type3A_531 : vector<1x4xi32> to vector<1x4xf32>
    %convert_element_type3A_533 = arith.truncf %convert_element_type3A_532 : vector<1x4xf32> to vector<1x4xbf16>
    %ge3A_534 = arith.constant 1 : i32
    %ge3A_535 = vector.broadcast %ge3A_534 : i32 to vector<1x4xi32>
    %ge3A_536 = arith.cmpi sge, %select_n3A_355, %ge3A_535 : vector<1x4xi32>
    %sub3A_537 = arith.constant 1 : i32
    %sub3A_538 = vector.broadcast %sub3A_537 : i32 to vector<1x4xi32>
    %sub3A_539 = arith.subi %select_n3A_355, %sub3A_538 : vector<1x4xi32>
    %eq3A_540 = arith.cmpi eq, %select_n3A_408, %sub3A_539 : vector<1x4xi32>
    %and3A_541 = arith.andi %ge3A_536, %eq3A_540 : vector<1x4xi1>
    %jit3A_542 = arith.constant 2 : i32
    %div3A_543 = vector.broadcast %jit3A_542 : i32 to vector<1x4xi32>
    %div3A_544 = arith.divsi %select_n3A_333, %div3A_543 : vector<1x4xi32>
    %sign3A_545 = arith.constant 0 : i32
    %sign3A_546 = vector.broadcast %sign3A_545 : i32 to vector<1x4xi32>
    %sign3A_547 = arith.cmpi sgt, %select_n3A_333, %sign3A_546 : vector<1x4xi32>
    %sign3A_548 = arith.extui %sign3A_547 : vector<1x4xi1> to vector<1x4xi32>
    %sign3A_549 = arith.constant 0 : i32
    %sign3A_550 = vector.broadcast %sign3A_549 : i32 to vector<1x4xi32>
    %sign3A_551 = arith.cmpi slt, %select_n3A_333, %sign3A_550 : vector<1x4xi32>
    %sign3A_552 = arith.extui %sign3A_551 : vector<1x4xi1> to vector<1x4xi32>
    %sign3A_553 = arith.subi %sign3A_548, %sign3A_552 : vector<1x4xi32>
    %sign3A_554 = arith.constant 0 : i32
    %sign3A_555 = arith.cmpi sgt, %jit3A_542, %sign3A_554 : i32
    %sign3A_556 = arith.extui %sign3A_555 : i1 to i32
    %sign3A_557 = arith.constant 0 : i32
    %sign3A_558 = arith.cmpi slt, %jit3A_542, %sign3A_557 : i32
    %sign3A_559 = arith.extui %sign3A_558 : i1 to i32
    %sign3A_560 = arith.subi %sign3A_556, %sign3A_559 : i32
    %ne3A_561 = vector.broadcast %sign3A_560 : i32 to vector<1x4xi32>
    %ne3A_562 = arith.cmpi ne, %sign3A_553, %ne3A_561 : vector<1x4xi32>
    %rem3A_563 = vector.broadcast %jit3A_542 : i32 to vector<1x4xi32>
    %rem3A_564 = arith.remsi %select_n3A_333, %rem3A_563 : vector<1x4xi32>
    %ne3A_565 = arith.constant 0 : i32
    %ne3A_566 = vector.broadcast %ne3A_565 : i32 to vector<1x4xi32>
    %ne3A_567 = arith.cmpi ne, %rem3A_564, %ne3A_566 : vector<1x4xi32>
    %and3A_568 = arith.andi %ne3A_562, %ne3A_567 : vector<1x4xi1>
    %sub3A_569 = arith.constant 1 : i32
    %sub3A_570 = vector.broadcast %sub3A_569 : i32 to vector<1x4xi32>
    %sub3A_571 = arith.subi %div3A_544, %sub3A_570 : vector<1x4xi32>
    %select_n3A_572 = arith.select %and3A_568, %sub3A_571, %div3A_544 : vector<1x4xi1>, vector<1x4xi32>
    %eq3A_573 = arith.cmpi eq, %select_n3A_386, %select_n3A_572 : vector<1x4xi32>
    %and3A_574 = arith.andi %and3A_541, %eq3A_573 : vector<1x4xi1>
    %convert_element_type3A_575 = arith.extui %and3A_574 : vector<1x4xi1> to vector<1x4xi32>
    %convert_element_type3A_576 = arith.sitofp %convert_element_type3A_575 : vector<1x4xi32> to vector<1x4xf32>
    %convert_element_type3A_577 = arith.truncf %convert_element_type3A_576 : vector<1x4xf32> to vector<1x4xbf16>
    %convert_element_type3A_578 = arith.truncf %dot_general3A_298 : vector<48x1xf32> to vector<48x1xbf16>
    %convert_element_type3A_579 = arith.extf %convert_element_type3A_578 : vector<48x1xbf16> to vector<48x1xf32>
    %sub3A_580 = arith.subf %dot_general3A_298, %convert_element_type3A_579 : vector<48x1xf32>
    %convert_element_type3A_581 = arith.truncf %sub3A_580 : vector<48x1xf32> to vector<48x1xbf16>
    %convert_element_type3A_582 = arith.truncf %dot_general3A_300 : vector<48x1xf32> to vector<48x1xbf16>
    %convert_element_type3A_583 = arith.extf %convert_element_type3A_582 : vector<48x1xbf16> to vector<48x1xf32>
    %sub3A_584 = arith.subf %dot_general3A_300, %convert_element_type3A_583 : vector<48x1xf32>
    %convert_element_type3A_585 = arith.truncf %sub3A_584 : vector<48x1xf32> to vector<48x1xbf16>
    %dot_general3A_586 = arith.constant dense<0.000000e+00> : vector<48x4xf32>
    %dot_general3A_587 = tpu.matmul %convert_element_type3A_578, %convert_element_type3A_449, %dot_general3A_586 {dimension_numbers = #tpu.dot_dimension_numbers<[1], [0], [0], [1], [0, 0, 1, 1], [], []>, transpose_lhs_hint = false} : vector<48x1xbf16>, vector<1x4xbf16>, vector<48x4xf32> -> vector<48x4xf32>
    %dot_general3A_588 = arith.constant dense<0.000000e+00> : vector<48x4xf32>
    %dot_general3A_589 = tpu.matmul %convert_element_type3A_581, %convert_element_type3A_449, %dot_general3A_588 {dimension_numbers = #tpu.dot_dimension_numbers<[1], [0], [0], [1], [0, 0, 1, 1], [], []>, transpose_lhs_hint = false} : vector<48x1xbf16>, vector<1x4xbf16>, vector<48x4xf32> -> vector<48x4xf32>
    %add3A_590 = arith.addf %dot_general3A_587, %dot_general3A_589 : vector<48x4xf32>
    %dot_general3A_591 = arith.constant dense<0.000000e+00> : vector<48x4xf32>
    %dot_general3A_592 = tpu.matmul %convert_element_type3A_582, %convert_element_type3A_492, %dot_general3A_591 {dimension_numbers = #tpu.dot_dimension_numbers<[1], [0], [0], [1], [0, 0, 1, 1], [], []>, transpose_lhs_hint = false} : vector<48x1xbf16>, vector<1x4xbf16>, vector<48x4xf32> -> vector<48x4xf32>
    %add3A_593 = arith.addf %add3A_590, %dot_general3A_592 : vector<48x4xf32>
    %dot_general3A_594 = arith.constant dense<0.000000e+00> : vector<48x4xf32>
    %dot_general3A_595 = tpu.matmul %convert_element_type3A_585, %convert_element_type3A_492, %dot_general3A_594 {dimension_numbers = #tpu.dot_dimension_numbers<[1], [0], [0], [1], [0, 0, 1, 1], [], []>, transpose_lhs_hint = false} : vector<48x1xbf16>, vector<1x4xbf16>, vector<48x4xf32> -> vector<48x4xf32>
    %add3A_596 = arith.addf %add3A_593, %dot_general3A_595 : vector<48x4xf32>
    %dot_general3A_597 = arith.constant dense<0.000000e+00> : vector<48x4xf32>
    %dot_general3A_598 = tpu.matmul %convert_element_type3A_578, %convert_element_type3A_533, %dot_general3A_597 {dimension_numbers = #tpu.dot_dimension_numbers<[1], [0], [0], [1], [0, 0, 1, 1], [], []>, transpose_lhs_hint = false} : vector<48x1xbf16>, vector<1x4xbf16>, vector<48x4xf32> -> vector<48x4xf32>
    %dot_general3A_599 = arith.constant dense<0.000000e+00> : vector<48x4xf32>
    %dot_general3A_600 = tpu.matmul %convert_element_type3A_581, %convert_element_type3A_533, %dot_general3A_599 {dimension_numbers = #tpu.dot_dimension_numbers<[1], [0], [0], [1], [0, 0, 1, 1], [], []>, transpose_lhs_hint = false} : vector<48x1xbf16>, vector<1x4xbf16>, vector<48x4xf32> -> vector<48x4xf32>
    %add3A_601 = arith.addf %dot_general3A_598, %dot_general3A_600 : vector<48x4xf32>
    %dot_general3A_602 = arith.constant dense<0.000000e+00> : vector<48x4xf32>
    %dot_general3A_603 = tpu.matmul %convert_element_type3A_582, %convert_element_type3A_577, %dot_general3A_602 {dimension_numbers = #tpu.dot_dimension_numbers<[1], [0], [0], [1], [0, 0, 1, 1], [], []>, transpose_lhs_hint = false} : vector<48x1xbf16>, vector<1x4xbf16>, vector<48x4xf32> -> vector<48x4xf32>
    %add3A_604 = arith.addf %add3A_601, %dot_general3A_603 : vector<48x4xf32>
    %dot_general3A_605 = arith.constant dense<0.000000e+00> : vector<48x4xf32>
    %dot_general3A_606 = tpu.matmul %convert_element_type3A_585, %convert_element_type3A_577, %dot_general3A_605 {dimension_numbers = #tpu.dot_dimension_numbers<[1], [0], [0], [1], [0, 0, 1, 1], [], []>, transpose_lhs_hint = false} : vector<48x1xbf16>, vector<1x4xbf16>, vector<48x4xf32> -> vector<48x4xf32>
    %add3A_607 = arith.addf %add3A_604, %dot_general3A_606 : vector<48x4xf32>
    %broadcast_in_dim3A_608 = vector.shape_cast %eq3A_296 : vector<48x1xi1> to vector<48x1xi1>
    %broadcast_in_dim3A_609 = vector.broadcast %broadcast_in_dim3A_608 : vector<48x1xi1> to vector<48x4xi1>
    %select_n3A_610 = arith.select %broadcast_in_dim3A_609, %add3A_596, %add3A_607 : vector<48x4xi1>, vector<48x4xf32>
    %dot_general3A_611 = arith.constant dense<0.000000e+00> : vector<48x4xf32>
    %dot_general3A_612 = tpu.matmul %mul3A_142, %select_n3A_610, %dot_general3A_611 {dimension_numbers = #tpu.dot_dimension_numbers<[1], [0], [0], [1], [0, 0, 1, 1], [], []>, precision = #tpu.contract_precision<fp32>, transpose_lhs_hint = false} : vector<48x48xf32>, vector<48x4xf32>, vector<48x4xf32> -> vector<48x4xf32>
    %dot_general3A_613 = arith.constant dense<0.000000e+00> : vector<48x4xf32>
    %dot_general3A_614 = tpu.matmul %mul3A_157, %select_n3A_610, %dot_general3A_613 {dimension_numbers = #tpu.dot_dimension_numbers<[1], [0], [0], [1], [0, 0, 1, 1], [], []>, precision = #tpu.contract_precision<fp32>, transpose_lhs_hint = false} : vector<48x48xf32>, vector<48x4xf32>, vector<48x4xf32> -> vector<48x4xf32>
    %iota3A_615 = tpu.iota {dimensions = array<i32: 0>} : vector<4x16xi32>
    %iota3A_616 = tpu.iota {dimensions = array<i32: 1>} : vector<4x16xi32>
    %jit3A_617 = arith.constant 4 : i32
    %div3A_618 = vector.broadcast %jit3A_617 : i32 to vector<4x16xi32>
    %div3A_619 = arith.divsi %iota3A_616, %div3A_618 : vector<4x16xi32>
    %sign3A_620 = arith.constant 0 : i32
    %sign3A_621 = vector.broadcast %sign3A_620 : i32 to vector<4x16xi32>
    %sign3A_622 = arith.cmpi sgt, %iota3A_616, %sign3A_621 : vector<4x16xi32>
    %sign3A_623 = arith.extui %sign3A_622 : vector<4x16xi1> to vector<4x16xi32>
    %sign3A_624 = arith.constant 0 : i32
    %sign3A_625 = vector.broadcast %sign3A_624 : i32 to vector<4x16xi32>
    %sign3A_626 = arith.cmpi slt, %iota3A_616, %sign3A_625 : vector<4x16xi32>
    %sign3A_627 = arith.extui %sign3A_626 : vector<4x16xi1> to vector<4x16xi32>
    %sign3A_628 = arith.subi %sign3A_623, %sign3A_627 : vector<4x16xi32>
    %sign3A_629 = arith.constant 0 : i32
    %sign3A_630 = arith.cmpi sgt, %jit3A_617, %sign3A_629 : i32
    %sign3A_631 = arith.extui %sign3A_630 : i1 to i32
    %sign3A_632 = arith.constant 0 : i32
    %sign3A_633 = arith.cmpi slt, %jit3A_617, %sign3A_632 : i32
    %sign3A_634 = arith.extui %sign3A_633 : i1 to i32
    %sign3A_635 = arith.subi %sign3A_631, %sign3A_634 : i32
    %ne3A_636 = vector.broadcast %sign3A_635 : i32 to vector<4x16xi32>
    %ne3A_637 = arith.cmpi ne, %sign3A_628, %ne3A_636 : vector<4x16xi32>
    %rem3A_638 = vector.broadcast %jit3A_617 : i32 to vector<4x16xi32>
    %rem3A_639 = arith.remsi %iota3A_616, %rem3A_638 : vector<4x16xi32>
    %ne3A_640 = arith.constant 0 : i32
    %ne3A_641 = vector.broadcast %ne3A_640 : i32 to vector<4x16xi32>
    %ne3A_642 = arith.cmpi ne, %rem3A_639, %ne3A_641 : vector<4x16xi32>
    %and3A_643 = arith.andi %ne3A_637, %ne3A_642 : vector<4x16xi1>
    %sub3A_644 = arith.constant 1 : i32
    %sub3A_645 = vector.broadcast %sub3A_644 : i32 to vector<4x16xi32>
    %sub3A_646 = arith.subi %div3A_619, %sub3A_645 : vector<4x16xi32>
    %select_n3A_647 = arith.select %and3A_643, %sub3A_646, %div3A_619 : vector<4x16xi1>, vector<4x16xi32>
    %jit3A_648 = arith.constant 4 : i32
    %eq3A_649 = arith.constant 0 : i32
    %eq3A_650 = arith.cmpi eq, %jit3A_648, %eq3A_649 : i32
    %jit3A_651 = arith.constant 1 : i32
    %select_n3A_652 = arith.select %eq3A_650, %jit3A_651, %jit3A_648 : i32
    %rem3A_653 = vector.broadcast %select_n3A_652 : i32 to vector<4x16xi32>
    %rem3A_654 = arith.remsi %iota3A_616, %rem3A_653 : vector<4x16xi32>
    %ne3A_655 = arith.constant 0 : i32
    %ne3A_656 = vector.broadcast %ne3A_655 : i32 to vector<4x16xi32>
    %ne3A_657 = arith.cmpi ne, %rem3A_654, %ne3A_656 : vector<4x16xi32>
    %lt3A_658 = arith.constant 0 : i32
    %lt3A_659 = vector.broadcast %lt3A_658 : i32 to vector<4x16xi32>
    %lt3A_660 = arith.cmpi slt, %rem3A_654, %lt3A_659 : vector<4x16xi32>
    %lt3A_661 = arith.constant 0 : i32
    %lt3A_662 = arith.cmpi slt, %select_n3A_652, %lt3A_661 : i32
    %ne3A_663 = vector.broadcast %lt3A_662 : i1 to vector<4x16xi1>
    %ne3A_664 = vector.broadcast %ne3A_663 : vector<4x16xi1> to vector<4x16xi1>
    %ne3A_665 = arith.xori %lt3A_660, %ne3A_664 : vector<4x16xi1>
    %and3A_666 = arith.andi %ne3A_665, %ne3A_657 : vector<4x16xi1>
    %add3A_667 = vector.broadcast %select_n3A_652 : i32 to vector<4x16xi32>
    %add3A_668 = arith.addi %rem3A_654, %add3A_667 : vector<4x16xi32>
    %select_n3A_669 = arith.select %and3A_666, %add3A_668, %rem3A_654 : vector<4x16xi1>, vector<4x16xi32>
    %jit3A_670 = arith.constant 2 : i32
    %div3A_671 = vector.broadcast %jit3A_670 : i32 to vector<4x16xi32>
    %div3A_672 = arith.divsi %iota3A_615, %div3A_671 : vector<4x16xi32>
    %sign3A_673 = arith.constant 0 : i32
    %sign3A_674 = vector.broadcast %sign3A_673 : i32 to vector<4x16xi32>
    %sign3A_675 = arith.cmpi sgt, %iota3A_615, %sign3A_674 : vector<4x16xi32>
    %sign3A_676 = arith.extui %sign3A_675 : vector<4x16xi1> to vector<4x16xi32>
    %sign3A_677 = arith.constant 0 : i32
    %sign3A_678 = vector.broadcast %sign3A_677 : i32 to vector<4x16xi32>
    %sign3A_679 = arith.cmpi slt, %iota3A_615, %sign3A_678 : vector<4x16xi32>
    %sign3A_680 = arith.extui %sign3A_679 : vector<4x16xi1> to vector<4x16xi32>
    %sign3A_681 = arith.subi %sign3A_676, %sign3A_680 : vector<4x16xi32>
    %sign3A_682 = arith.constant 0 : i32
    %sign3A_683 = arith.cmpi sgt, %jit3A_670, %sign3A_682 : i32
    %sign3A_684 = arith.extui %sign3A_683 : i1 to i32
    %sign3A_685 = arith.constant 0 : i32
    %sign3A_686 = arith.cmpi slt, %jit3A_670, %sign3A_685 : i32
    %sign3A_687 = arith.extui %sign3A_686 : i1 to i32
    %sign3A_688 = arith.subi %sign3A_684, %sign3A_687 : i32
    %ne3A_689 = vector.broadcast %sign3A_688 : i32 to vector<4x16xi32>
    %ne3A_690 = arith.cmpi ne, %sign3A_681, %ne3A_689 : vector<4x16xi32>
    %rem3A_691 = vector.broadcast %jit3A_670 : i32 to vector<4x16xi32>
    %rem3A_692 = arith.remsi %iota3A_615, %rem3A_691 : vector<4x16xi32>
    %ne3A_693 = arith.constant 0 : i32
    %ne3A_694 = vector.broadcast %ne3A_693 : i32 to vector<4x16xi32>
    %ne3A_695 = arith.cmpi ne, %rem3A_692, %ne3A_694 : vector<4x16xi32>
    %and3A_696 = arith.andi %ne3A_690, %ne3A_695 : vector<4x16xi1>
    %sub3A_697 = arith.constant 1 : i32
    %sub3A_698 = vector.broadcast %sub3A_697 : i32 to vector<4x16xi32>
    %sub3A_699 = arith.subi %div3A_672, %sub3A_698 : vector<4x16xi32>
    %select_n3A_700 = arith.select %and3A_696, %sub3A_699, %div3A_672 : vector<4x16xi1>, vector<4x16xi32>
    %jit3A_701 = arith.constant 2 : i32
    %eq3A_702 = arith.constant 0 : i32
    %eq3A_703 = arith.cmpi eq, %jit3A_701, %eq3A_702 : i32
    %jit3A_704 = arith.constant 1 : i32
    %select_n3A_705 = arith.select %eq3A_703, %jit3A_704, %jit3A_701 : i32
    %rem3A_706 = vector.broadcast %select_n3A_705 : i32 to vector<4x16xi32>
    %rem3A_707 = arith.remsi %iota3A_615, %rem3A_706 : vector<4x16xi32>
    %ne3A_708 = arith.constant 0 : i32
    %ne3A_709 = vector.broadcast %ne3A_708 : i32 to vector<4x16xi32>
    %ne3A_710 = arith.cmpi ne, %rem3A_707, %ne3A_709 : vector<4x16xi32>
    %lt3A_711 = arith.constant 0 : i32
    %lt3A_712 = vector.broadcast %lt3A_711 : i32 to vector<4x16xi32>
    %lt3A_713 = arith.cmpi slt, %rem3A_707, %lt3A_712 : vector<4x16xi32>
    %lt3A_714 = arith.constant 0 : i32
    %lt3A_715 = arith.cmpi slt, %select_n3A_705, %lt3A_714 : i32
    %ne3A_716 = vector.broadcast %lt3A_715 : i1 to vector<4x16xi1>
    %ne3A_717 = vector.broadcast %ne3A_716 : vector<4x16xi1> to vector<4x16xi1>
    %ne3A_718 = arith.xori %lt3A_713, %ne3A_717 : vector<4x16xi1>
    %and3A_719 = arith.andi %ne3A_718, %ne3A_710 : vector<4x16xi1>
    %add3A_720 = vector.broadcast %select_n3A_705 : i32 to vector<4x16xi32>
    %add3A_721 = arith.addi %rem3A_707, %add3A_720 : vector<4x16xi32>
    %select_n3A_722 = arith.select %and3A_719, %add3A_721, %rem3A_707 : vector<4x16xi1>, vector<4x16xi32>
    %lt3A_723 = arith.constant 2 : i32
    %lt3A_724 = vector.broadcast %lt3A_723 : i32 to vector<4x16xi32>
    %lt3A_725 = arith.cmpi slt, %select_n3A_647, %lt3A_724 : vector<4x16xi32>
    %eq3A_726 = arith.cmpi eq, %select_n3A_700, %select_n3A_647 : vector<4x16xi32>
    %and3A_727 = arith.andi %lt3A_725, %eq3A_726 : vector<4x16xi1>
    %jit3A_728 = arith.constant 2 : i32
    %div3A_729 = vector.broadcast %jit3A_728 : i32 to vector<4x16xi32>
    %div3A_730 = arith.divsi %select_n3A_669, %div3A_729 : vector<4x16xi32>
    %sign3A_731 = arith.constant 0 : i32
    %sign3A_732 = vector.broadcast %sign3A_731 : i32 to vector<4x16xi32>
    %sign3A_733 = arith.cmpi sgt, %select_n3A_669, %sign3A_732 : vector<4x16xi32>
    %sign3A_734 = arith.extui %sign3A_733 : vector<4x16xi1> to vector<4x16xi32>
    %sign3A_735 = arith.constant 0 : i32
    %sign3A_736 = vector.broadcast %sign3A_735 : i32 to vector<4x16xi32>
    %sign3A_737 = arith.cmpi slt, %select_n3A_669, %sign3A_736 : vector<4x16xi32>
    %sign3A_738 = arith.extui %sign3A_737 : vector<4x16xi1> to vector<4x16xi32>
    %sign3A_739 = arith.subi %sign3A_734, %sign3A_738 : vector<4x16xi32>
    %sign3A_740 = arith.constant 0 : i32
    %sign3A_741 = arith.cmpi sgt, %jit3A_728, %sign3A_740 : i32
    %sign3A_742 = arith.extui %sign3A_741 : i1 to i32
    %sign3A_743 = arith.constant 0 : i32
    %sign3A_744 = arith.cmpi slt, %jit3A_728, %sign3A_743 : i32
    %sign3A_745 = arith.extui %sign3A_744 : i1 to i32
    %sign3A_746 = arith.subi %sign3A_742, %sign3A_745 : i32
    %ne3A_747 = vector.broadcast %sign3A_746 : i32 to vector<4x16xi32>
    %ne3A_748 = arith.cmpi ne, %sign3A_739, %ne3A_747 : vector<4x16xi32>
    %rem3A_749 = vector.broadcast %jit3A_728 : i32 to vector<4x16xi32>
    %rem3A_750 = arith.remsi %select_n3A_669, %rem3A_749 : vector<4x16xi32>
    %ne3A_751 = arith.constant 0 : i32
    %ne3A_752 = vector.broadcast %ne3A_751 : i32 to vector<4x16xi32>
    %ne3A_753 = arith.cmpi ne, %rem3A_750, %ne3A_752 : vector<4x16xi32>
    %and3A_754 = arith.andi %ne3A_748, %ne3A_753 : vector<4x16xi1>
    %sub3A_755 = arith.constant 1 : i32
    %sub3A_756 = vector.broadcast %sub3A_755 : i32 to vector<4x16xi32>
    %sub3A_757 = arith.subi %div3A_730, %sub3A_756 : vector<4x16xi32>
    %select_n3A_758 = arith.select %and3A_754, %sub3A_757, %div3A_730 : vector<4x16xi1>, vector<4x16xi32>
    %eq3A_759 = arith.cmpi eq, %select_n3A_722, %select_n3A_758 : vector<4x16xi32>
    %and3A_760 = arith.andi %and3A_727, %eq3A_759 : vector<4x16xi1>
    %convert_element_type3A_761 = arith.extui %and3A_760 : vector<4x16xi1> to vector<4x16xi32>
    %convert_element_type3A_762 = arith.sitofp %convert_element_type3A_761 : vector<4x16xi32> to vector<4x16xf32>
    %convert_element_type3A_763 = arith.truncf %convert_element_type3A_762 : vector<4x16xf32> to vector<4x16xbf16>
    %ge3A_764 = arith.constant 2 : i32
    %ge3A_765 = vector.broadcast %ge3A_764 : i32 to vector<4x16xi32>
    %ge3A_766 = arith.cmpi sge, %select_n3A_647, %ge3A_765 : vector<4x16xi32>
    %sub3A_767 = arith.constant 2 : i32
    %sub3A_768 = vector.broadcast %sub3A_767 : i32 to vector<4x16xi32>
    %sub3A_769 = arith.subi %select_n3A_647, %sub3A_768 : vector<4x16xi32>
    %eq3A_770 = arith.cmpi eq, %select_n3A_700, %sub3A_769 : vector<4x16xi32>
    %and3A_771 = arith.andi %ge3A_766, %eq3A_770 : vector<4x16xi1>
    %jit3A_772 = arith.constant 2 : i32
    %div3A_773 = vector.broadcast %jit3A_772 : i32 to vector<4x16xi32>
    %div3A_774 = arith.divsi %select_n3A_669, %div3A_773 : vector<4x16xi32>
    %sign3A_775 = arith.constant 0 : i32
    %sign3A_776 = vector.broadcast %sign3A_775 : i32 to vector<4x16xi32>
    %sign3A_777 = arith.cmpi sgt, %select_n3A_669, %sign3A_776 : vector<4x16xi32>
    %sign3A_778 = arith.extui %sign3A_777 : vector<4x16xi1> to vector<4x16xi32>
    %sign3A_779 = arith.constant 0 : i32
    %sign3A_780 = vector.broadcast %sign3A_779 : i32 to vector<4x16xi32>
    %sign3A_781 = arith.cmpi slt, %select_n3A_669, %sign3A_780 : vector<4x16xi32>
    %sign3A_782 = arith.extui %sign3A_781 : vector<4x16xi1> to vector<4x16xi32>
    %sign3A_783 = arith.subi %sign3A_778, %sign3A_782 : vector<4x16xi32>
    %sign3A_784 = arith.constant 0 : i32
    %sign3A_785 = arith.cmpi sgt, %jit3A_772, %sign3A_784 : i32
    %sign3A_786 = arith.extui %sign3A_785 : i1 to i32
    %sign3A_787 = arith.constant 0 : i32
    %sign3A_788 = arith.cmpi slt, %jit3A_772, %sign3A_787 : i32
    %sign3A_789 = arith.extui %sign3A_788 : i1 to i32
    %sign3A_790 = arith.subi %sign3A_786, %sign3A_789 : i32
    %ne3A_791 = vector.broadcast %sign3A_790 : i32 to vector<4x16xi32>
    %ne3A_792 = arith.cmpi ne, %sign3A_783, %ne3A_791 : vector<4x16xi32>
    %rem3A_793 = vector.broadcast %jit3A_772 : i32 to vector<4x16xi32>
    %rem3A_794 = arith.remsi %select_n3A_669, %rem3A_793 : vector<4x16xi32>
    %ne3A_795 = arith.constant 0 : i32
    %ne3A_796 = vector.broadcast %ne3A_795 : i32 to vector<4x16xi32>
    %ne3A_797 = arith.cmpi ne, %rem3A_794, %ne3A_796 : vector<4x16xi32>
    %and3A_798 = arith.andi %ne3A_792, %ne3A_797 : vector<4x16xi1>
    %sub3A_799 = arith.constant 1 : i32
    %sub3A_800 = vector.broadcast %sub3A_799 : i32 to vector<4x16xi32>
    %sub3A_801 = arith.subi %div3A_774, %sub3A_800 : vector<4x16xi32>
    %select_n3A_802 = arith.select %and3A_798, %sub3A_801, %div3A_774 : vector<4x16xi1>, vector<4x16xi32>
    %eq3A_803 = arith.cmpi eq, %select_n3A_722, %select_n3A_802 : vector<4x16xi32>
    %and3A_804 = arith.andi %and3A_771, %eq3A_803 : vector<4x16xi1>
    %convert_element_type3A_805 = arith.extui %and3A_804 : vector<4x16xi1> to vector<4x16xi32>
    %convert_element_type3A_806 = arith.sitofp %convert_element_type3A_805 : vector<4x16xi32> to vector<4x16xf32>
    %convert_element_type3A_807 = arith.truncf %convert_element_type3A_806 : vector<4x16xf32> to vector<4x16xbf16>
    %lt3A_808 = arith.constant 2 : i32
    %lt3A_809 = vector.broadcast %lt3A_808 : i32 to vector<4x16xi32>
    %lt3A_810 = arith.cmpi slt, %select_n3A_669, %lt3A_809 : vector<4x16xi32>
    %eq3A_811 = arith.cmpi eq, %select_n3A_722, %select_n3A_669 : vector<4x16xi32>
    %and3A_812 = arith.andi %lt3A_810, %eq3A_811 : vector<4x16xi1>
    %jit3A_813 = arith.constant 2 : i32
    %div3A_814 = vector.broadcast %jit3A_813 : i32 to vector<4x16xi32>
    %div3A_815 = arith.divsi %select_n3A_647, %div3A_814 : vector<4x16xi32>
    %sign3A_816 = arith.constant 0 : i32
    %sign3A_817 = vector.broadcast %sign3A_816 : i32 to vector<4x16xi32>
    %sign3A_818 = arith.cmpi sgt, %select_n3A_647, %sign3A_817 : vector<4x16xi32>
    %sign3A_819 = arith.extui %sign3A_818 : vector<4x16xi1> to vector<4x16xi32>
    %sign3A_820 = arith.constant 0 : i32
    %sign3A_821 = vector.broadcast %sign3A_820 : i32 to vector<4x16xi32>
    %sign3A_822 = arith.cmpi slt, %select_n3A_647, %sign3A_821 : vector<4x16xi32>
    %sign3A_823 = arith.extui %sign3A_822 : vector<4x16xi1> to vector<4x16xi32>
    %sign3A_824 = arith.subi %sign3A_819, %sign3A_823 : vector<4x16xi32>
    %sign3A_825 = arith.constant 0 : i32
    %sign3A_826 = arith.cmpi sgt, %jit3A_813, %sign3A_825 : i32
    %sign3A_827 = arith.extui %sign3A_826 : i1 to i32
    %sign3A_828 = arith.constant 0 : i32
    %sign3A_829 = arith.cmpi slt, %jit3A_813, %sign3A_828 : i32
    %sign3A_830 = arith.extui %sign3A_829 : i1 to i32
    %sign3A_831 = arith.subi %sign3A_827, %sign3A_830 : i32
    %ne3A_832 = vector.broadcast %sign3A_831 : i32 to vector<4x16xi32>
    %ne3A_833 = arith.cmpi ne, %sign3A_824, %ne3A_832 : vector<4x16xi32>
    %rem3A_834 = vector.broadcast %jit3A_813 : i32 to vector<4x16xi32>
    %rem3A_835 = arith.remsi %select_n3A_647, %rem3A_834 : vector<4x16xi32>
    %ne3A_836 = arith.constant 0 : i32
    %ne3A_837 = vector.broadcast %ne3A_836 : i32 to vector<4x16xi32>
    %ne3A_838 = arith.cmpi ne, %rem3A_835, %ne3A_837 : vector<4x16xi32>
    %and3A_839 = arith.andi %ne3A_833, %ne3A_838 : vector<4x16xi1>
    %sub3A_840 = arith.constant 1 : i32
    %sub3A_841 = vector.broadcast %sub3A_840 : i32 to vector<4x16xi32>
    %sub3A_842 = arith.subi %div3A_815, %sub3A_841 : vector<4x16xi32>
    %select_n3A_843 = arith.select %and3A_839, %sub3A_842, %div3A_815 : vector<4x16xi1>, vector<4x16xi32>
    %eq3A_844 = arith.cmpi eq, %select_n3A_700, %select_n3A_843 : vector<4x16xi32>
    %and3A_845 = arith.andi %and3A_812, %eq3A_844 : vector<4x16xi1>
    %convert_element_type3A_846 = arith.extui %and3A_845 : vector<4x16xi1> to vector<4x16xi32>
    %convert_element_type3A_847 = arith.sitofp %convert_element_type3A_846 : vector<4x16xi32> to vector<4x16xf32>
    %convert_element_type3A_848 = arith.truncf %convert_element_type3A_847 : vector<4x16xf32> to vector<4x16xbf16>
    %ge3A_849 = arith.constant 2 : i32
    %ge3A_850 = vector.broadcast %ge3A_849 : i32 to vector<4x16xi32>
    %ge3A_851 = arith.cmpi sge, %select_n3A_669, %ge3A_850 : vector<4x16xi32>
    %sub3A_852 = arith.constant 2 : i32
    %sub3A_853 = vector.broadcast %sub3A_852 : i32 to vector<4x16xi32>
    %sub3A_854 = arith.subi %select_n3A_669, %sub3A_853 : vector<4x16xi32>
    %eq3A_855 = arith.cmpi eq, %select_n3A_722, %sub3A_854 : vector<4x16xi32>
    %and3A_856 = arith.andi %ge3A_851, %eq3A_855 : vector<4x16xi1>
    %jit3A_857 = arith.constant 2 : i32
    %div3A_858 = vector.broadcast %jit3A_857 : i32 to vector<4x16xi32>
    %div3A_859 = arith.divsi %select_n3A_647, %div3A_858 : vector<4x16xi32>
    %sign3A_860 = arith.constant 0 : i32
    %sign3A_861 = vector.broadcast %sign3A_860 : i32 to vector<4x16xi32>
    %sign3A_862 = arith.cmpi sgt, %select_n3A_647, %sign3A_861 : vector<4x16xi32>
    %sign3A_863 = arith.extui %sign3A_862 : vector<4x16xi1> to vector<4x16xi32>
    %sign3A_864 = arith.constant 0 : i32
    %sign3A_865 = vector.broadcast %sign3A_864 : i32 to vector<4x16xi32>
    %sign3A_866 = arith.cmpi slt, %select_n3A_647, %sign3A_865 : vector<4x16xi32>
    %sign3A_867 = arith.extui %sign3A_866 : vector<4x16xi1> to vector<4x16xi32>
    %sign3A_868 = arith.subi %sign3A_863, %sign3A_867 : vector<4x16xi32>
    %sign3A_869 = arith.constant 0 : i32
    %sign3A_870 = arith.cmpi sgt, %jit3A_857, %sign3A_869 : i32
    %sign3A_871 = arith.extui %sign3A_870 : i1 to i32
    %sign3A_872 = arith.constant 0 : i32
    %sign3A_873 = arith.cmpi slt, %jit3A_857, %sign3A_872 : i32
    %sign3A_874 = arith.extui %sign3A_873 : i1 to i32
    %sign3A_875 = arith.subi %sign3A_871, %sign3A_874 : i32
    %ne3A_876 = vector.broadcast %sign3A_875 : i32 to vector<4x16xi32>
    %ne3A_877 = arith.cmpi ne, %sign3A_868, %ne3A_876 : vector<4x16xi32>
    %rem3A_878 = vector.broadcast %jit3A_857 : i32 to vector<4x16xi32>
    %rem3A_879 = arith.remsi %select_n3A_647, %rem3A_878 : vector<4x16xi32>
    %ne3A_880 = arith.constant 0 : i32
    %ne3A_881 = vector.broadcast %ne3A_880 : i32 to vector<4x16xi32>
    %ne3A_882 = arith.cmpi ne, %rem3A_879, %ne3A_881 : vector<4x16xi32>
    %and3A_883 = arith.andi %ne3A_877, %ne3A_882 : vector<4x16xi1>
    %sub3A_884 = arith.constant 1 : i32
    %sub3A_885 = vector.broadcast %sub3A_884 : i32 to vector<4x16xi32>
    %sub3A_886 = arith.subi %div3A_859, %sub3A_885 : vector<4x16xi32>
    %select_n3A_887 = arith.select %and3A_883, %sub3A_886, %div3A_859 : vector<4x16xi1>, vector<4x16xi32>
    %eq3A_888 = arith.cmpi eq, %select_n3A_700, %select_n3A_887 : vector<4x16xi32>
    %and3A_889 = arith.andi %and3A_856, %eq3A_888 : vector<4x16xi1>
    %convert_element_type3A_890 = arith.extui %and3A_889 : vector<4x16xi1> to vector<4x16xi32>
    %convert_element_type3A_891 = arith.sitofp %convert_element_type3A_890 : vector<4x16xi32> to vector<4x16xf32>
    %convert_element_type3A_892 = arith.truncf %convert_element_type3A_891 : vector<4x16xf32> to vector<4x16xbf16>
    %convert_element_type3A_893 = arith.truncf %dot_general3A_612 : vector<48x4xf32> to vector<48x4xbf16>
    %convert_element_type3A_894 = arith.extf %convert_element_type3A_893 : vector<48x4xbf16> to vector<48x4xf32>
    %sub3A_895 = arith.subf %dot_general3A_612, %convert_element_type3A_894 : vector<48x4xf32>
    %convert_element_type3A_896 = arith.truncf %sub3A_895 : vector<48x4xf32> to vector<48x4xbf16>
    %convert_element_type3A_897 = arith.truncf %dot_general3A_614 : vector<48x4xf32> to vector<48x4xbf16>
    %convert_element_type3A_898 = arith.extf %convert_element_type3A_897 : vector<48x4xbf16> to vector<48x4xf32>
    %sub3A_899 = arith.subf %dot_general3A_614, %convert_element_type3A_898 : vector<48x4xf32>
    %convert_element_type3A_900 = arith.truncf %sub3A_899 : vector<48x4xf32> to vector<48x4xbf16>
    %dot_general3A_901 = arith.constant dense<0.000000e+00> : vector<48x16xf32>
    %dot_general3A_902 = tpu.matmul %convert_element_type3A_893, %convert_element_type3A_763, %dot_general3A_901 {dimension_numbers = #tpu.dot_dimension_numbers<[1], [0], [0], [1], [0, 0, 1, 1], [], []>, transpose_lhs_hint = false} : vector<48x4xbf16>, vector<4x16xbf16>, vector<48x16xf32> -> vector<48x16xf32>
    %dot_general3A_903 = arith.constant dense<0.000000e+00> : vector<48x16xf32>
    %dot_general3A_904 = tpu.matmul %convert_element_type3A_896, %convert_element_type3A_763, %dot_general3A_903 {dimension_numbers = #tpu.dot_dimension_numbers<[1], [0], [0], [1], [0, 0, 1, 1], [], []>, transpose_lhs_hint = false} : vector<48x4xbf16>, vector<4x16xbf16>, vector<48x16xf32> -> vector<48x16xf32>
    %add3A_905 = arith.addf %dot_general3A_902, %dot_general3A_904 : vector<48x16xf32>
    %dot_general3A_906 = arith.constant dense<0.000000e+00> : vector<48x16xf32>
    %dot_general3A_907 = tpu.matmul %convert_element_type3A_897, %convert_element_type3A_807, %dot_general3A_906 {dimension_numbers = #tpu.dot_dimension_numbers<[1], [0], [0], [1], [0, 0, 1, 1], [], []>, transpose_lhs_hint = false} : vector<48x4xbf16>, vector<4x16xbf16>, vector<48x16xf32> -> vector<48x16xf32>
    %add3A_908 = arith.addf %add3A_905, %dot_general3A_907 : vector<48x16xf32>
    %dot_general3A_909 = arith.constant dense<0.000000e+00> : vector<48x16xf32>
    %dot_general3A_910 = tpu.matmul %convert_element_type3A_900, %convert_element_type3A_807, %dot_general3A_909 {dimension_numbers = #tpu.dot_dimension_numbers<[1], [0], [0], [1], [0, 0, 1, 1], [], []>, transpose_lhs_hint = false} : vector<48x4xbf16>, vector<4x16xbf16>, vector<48x16xf32> -> vector<48x16xf32>
    %add3A_911 = arith.addf %add3A_908, %dot_general3A_910 : vector<48x16xf32>
    %dot_general3A_912 = arith.constant dense<0.000000e+00> : vector<48x16xf32>
    %dot_general3A_913 = tpu.matmul %convert_element_type3A_893, %convert_element_type3A_848, %dot_general3A_912 {dimension_numbers = #tpu.dot_dimension_numbers<[1], [0], [0], [1], [0, 0, 1, 1], [], []>, transpose_lhs_hint = false} : vector<48x4xbf16>, vector<4x16xbf16>, vector<48x16xf32> -> vector<48x16xf32>
    %dot_general3A_914 = arith.constant dense<0.000000e+00> : vector<48x16xf32>
    %dot_general3A_915 = tpu.matmul %convert_element_type3A_896, %convert_element_type3A_848, %dot_general3A_914 {dimension_numbers = #tpu.dot_dimension_numbers<[1], [0], [0], [1], [0, 0, 1, 1], [], []>, transpose_lhs_hint = false} : vector<48x4xbf16>, vector<4x16xbf16>, vector<48x16xf32> -> vector<48x16xf32>
    %add3A_916 = arith.addf %dot_general3A_913, %dot_general3A_915 : vector<48x16xf32>
    %dot_general3A_917 = arith.constant dense<0.000000e+00> : vector<48x16xf32>
    %dot_general3A_918 = tpu.matmul %convert_element_type3A_897, %convert_element_type3A_892, %dot_general3A_917 {dimension_numbers = #tpu.dot_dimension_numbers<[1], [0], [0], [1], [0, 0, 1, 1], [], []>, transpose_lhs_hint = false} : vector<48x4xbf16>, vector<4x16xbf16>, vector<48x16xf32> -> vector<48x16xf32>
    %add3A_919 = arith.addf %add3A_916, %dot_general3A_918 : vector<48x16xf32>
    %dot_general3A_920 = arith.constant dense<0.000000e+00> : vector<48x16xf32>
    %dot_general3A_921 = tpu.matmul %convert_element_type3A_900, %convert_element_type3A_892, %dot_general3A_920 {dimension_numbers = #tpu.dot_dimension_numbers<[1], [0], [0], [1], [0, 0, 1, 1], [], []>, transpose_lhs_hint = false} : vector<48x4xbf16>, vector<4x16xbf16>, vector<48x16xf32> -> vector<48x16xf32>
    %add3A_922 = arith.addf %add3A_919, %dot_general3A_921 : vector<48x16xf32>
    %broadcast_in_dim3A_923 = vector.shape_cast %eq3A_296 : vector<48x1xi1> to vector<48x1xi1>
    %broadcast_in_dim3A_924 = vector.broadcast %broadcast_in_dim3A_923 : vector<48x1xi1> to vector<48x16xi1>
    %select_n3A_925 = arith.select %broadcast_in_dim3A_924, %add3A_911, %add3A_922 : vector<48x16xi1>, vector<48x16xf32>
    %dot_general3A_926 = arith.constant dense<0.000000e+00> : vector<48x16xf32>
    %dot_general3A_927 = tpu.matmul %mul3A_142, %select_n3A_925, %dot_general3A_926 {dimension_numbers = #tpu.dot_dimension_numbers<[1], [0], [0], [1], [0, 0, 1, 1], [], []>, precision = #tpu.contract_precision<fp32>, transpose_lhs_hint = false} : vector<48x48xf32>, vector<48x16xf32>, vector<48x16xf32> -> vector<48x16xf32>
    %dot_general3A_928 = arith.constant dense<0.000000e+00> : vector<48x16xf32>
    %dot_general3A_929 = tpu.matmul %mul3A_157, %select_n3A_925, %dot_general3A_928 {dimension_numbers = #tpu.dot_dimension_numbers<[1], [0], [0], [1], [0, 0, 1, 1], [], []>, precision = #tpu.contract_precision<fp32>, transpose_lhs_hint = false} : vector<48x48xf32>, vector<48x16xf32>, vector<48x16xf32> -> vector<48x16xf32>
    %iota3A_930 = tpu.iota {dimensions = array<i32: 0>} : vector<16x64xi32>
    %iota3A_931 = tpu.iota {dimensions = array<i32: 1>} : vector<16x64xi32>
    %jit3A_932 = arith.constant 8 : i32
    %div3A_933 = vector.broadcast %jit3A_932 : i32 to vector<16x64xi32>
    %div3A_934 = arith.divsi %iota3A_931, %div3A_933 : vector<16x64xi32>
    %sign3A_935 = arith.constant 0 : i32
    %sign3A_936 = vector.broadcast %sign3A_935 : i32 to vector<16x64xi32>
    %sign3A_937 = arith.cmpi sgt, %iota3A_931, %sign3A_936 : vector<16x64xi32>
    %sign3A_938 = arith.extui %sign3A_937 : vector<16x64xi1> to vector<16x64xi32>
    %sign3A_939 = arith.constant 0 : i32
    %sign3A_940 = vector.broadcast %sign3A_939 : i32 to vector<16x64xi32>
    %sign3A_941 = arith.cmpi slt, %iota3A_931, %sign3A_940 : vector<16x64xi32>
    %sign3A_942 = arith.extui %sign3A_941 : vector<16x64xi1> to vector<16x64xi32>
    %sign3A_943 = arith.subi %sign3A_938, %sign3A_942 : vector<16x64xi32>
    %sign3A_944 = arith.constant 0 : i32
    %sign3A_945 = arith.cmpi sgt, %jit3A_932, %sign3A_944 : i32
    %sign3A_946 = arith.extui %sign3A_945 : i1 to i32
    %sign3A_947 = arith.constant 0 : i32
    %sign3A_948 = arith.cmpi slt, %jit3A_932, %sign3A_947 : i32
    %sign3A_949 = arith.extui %sign3A_948 : i1 to i32
    %sign3A_950 = arith.subi %sign3A_946, %sign3A_949 : i32
    %ne3A_951 = vector.broadcast %sign3A_950 : i32 to vector<16x64xi32>
    %ne3A_952 = arith.cmpi ne, %sign3A_943, %ne3A_951 : vector<16x64xi32>
    %rem3A_953 = vector.broadcast %jit3A_932 : i32 to vector<16x64xi32>
    %rem3A_954 = arith.remsi %iota3A_931, %rem3A_953 : vector<16x64xi32>
    %ne3A_955 = arith.constant 0 : i32
    %ne3A_956 = vector.broadcast %ne3A_955 : i32 to vector<16x64xi32>
    %ne3A_957 = arith.cmpi ne, %rem3A_954, %ne3A_956 : vector<16x64xi32>
    %and3A_958 = arith.andi %ne3A_952, %ne3A_957 : vector<16x64xi1>
    %sub3A_959 = arith.constant 1 : i32
    %sub3A_960 = vector.broadcast %sub3A_959 : i32 to vector<16x64xi32>
    %sub3A_961 = arith.subi %div3A_934, %sub3A_960 : vector<16x64xi32>
    %select_n3A_962 = arith.select %and3A_958, %sub3A_961, %div3A_934 : vector<16x64xi1>, vector<16x64xi32>
    %jit3A_963 = arith.constant 8 : i32
    %eq3A_964 = arith.constant 0 : i32
    %eq3A_965 = arith.cmpi eq, %jit3A_963, %eq3A_964 : i32
    %jit3A_966 = arith.constant 1 : i32
    %select_n3A_967 = arith.select %eq3A_965, %jit3A_966, %jit3A_963 : i32
    %rem3A_968 = vector.broadcast %select_n3A_967 : i32 to vector<16x64xi32>
    %rem3A_969 = arith.remsi %iota3A_931, %rem3A_968 : vector<16x64xi32>
    %ne3A_970 = arith.constant 0 : i32
    %ne3A_971 = vector.broadcast %ne3A_970 : i32 to vector<16x64xi32>
    %ne3A_972 = arith.cmpi ne, %rem3A_969, %ne3A_971 : vector<16x64xi32>
    %lt3A_973 = arith.constant 0 : i32
    %lt3A_974 = vector.broadcast %lt3A_973 : i32 to vector<16x64xi32>
    %lt3A_975 = arith.cmpi slt, %rem3A_969, %lt3A_974 : vector<16x64xi32>
    %lt3A_976 = arith.constant 0 : i32
    %lt3A_977 = arith.cmpi slt, %select_n3A_967, %lt3A_976 : i32
    %ne3A_978 = vector.broadcast %lt3A_977 : i1 to vector<16x64xi1>
    %ne3A_979 = vector.broadcast %ne3A_978 : vector<16x64xi1> to vector<16x64xi1>
    %ne3A_980 = arith.xori %lt3A_975, %ne3A_979 : vector<16x64xi1>
    %and3A_981 = arith.andi %ne3A_980, %ne3A_972 : vector<16x64xi1>
    %add3A_982 = vector.broadcast %select_n3A_967 : i32 to vector<16x64xi32>
    %add3A_983 = arith.addi %rem3A_969, %add3A_982 : vector<16x64xi32>
    %select_n3A_984 = arith.select %and3A_981, %add3A_983, %rem3A_969 : vector<16x64xi1>, vector<16x64xi32>
    %jit3A_985 = arith.constant 4 : i32
    %div3A_986 = vector.broadcast %jit3A_985 : i32 to vector<16x64xi32>
    %div3A_987 = arith.divsi %iota3A_930, %div3A_986 : vector<16x64xi32>
    %sign3A_988 = arith.constant 0 : i32
    %sign3A_989 = vector.broadcast %sign3A_988 : i32 to vector<16x64xi32>
    %sign3A_990 = arith.cmpi sgt, %iota3A_930, %sign3A_989 : vector<16x64xi32>
    %sign3A_991 = arith.extui %sign3A_990 : vector<16x64xi1> to vector<16x64xi32>
    %sign3A_992 = arith.constant 0 : i32
    %sign3A_993 = vector.broadcast %sign3A_992 : i32 to vector<16x64xi32>
    %sign3A_994 = arith.cmpi slt, %iota3A_930, %sign3A_993 : vector<16x64xi32>
    %sign3A_995 = arith.extui %sign3A_994 : vector<16x64xi1> to vector<16x64xi32>
    %sign3A_996 = arith.subi %sign3A_991, %sign3A_995 : vector<16x64xi32>
    %sign3A_997 = arith.constant 0 : i32
    %sign3A_998 = arith.cmpi sgt, %jit3A_985, %sign3A_997 : i32
    %sign3A_999 = arith.extui %sign3A_998 : i1 to i32
    %sign3A_1000 = arith.constant 0 : i32
    %sign3A_1001 = arith.cmpi slt, %jit3A_985, %sign3A_1000 : i32
    %sign3A_1002 = arith.extui %sign3A_1001 : i1 to i32
    %sign3A_1003 = arith.subi %sign3A_999, %sign3A_1002 : i32
    %ne3A_1004 = vector.broadcast %sign3A_1003 : i32 to vector<16x64xi32>
    %ne3A_1005 = arith.cmpi ne, %sign3A_996, %ne3A_1004 : vector<16x64xi32>
    %rem3A_1006 = vector.broadcast %jit3A_985 : i32 to vector<16x64xi32>
    %rem3A_1007 = arith.remsi %iota3A_930, %rem3A_1006 : vector<16x64xi32>
    %ne3A_1008 = arith.constant 0 : i32
    %ne3A_1009 = vector.broadcast %ne3A_1008 : i32 to vector<16x64xi32>
    %ne3A_1010 = arith.cmpi ne, %rem3A_1007, %ne3A_1009 : vector<16x64xi32>
    %and3A_1011 = arith.andi %ne3A_1005, %ne3A_1010 : vector<16x64xi1>
    %sub3A_1012 = arith.constant 1 : i32
    %sub3A_1013 = vector.broadcast %sub3A_1012 : i32 to vector<16x64xi32>
    %sub3A_1014 = arith.subi %div3A_987, %sub3A_1013 : vector<16x64xi32>
    %select_n3A_1015 = arith.select %and3A_1011, %sub3A_1014, %div3A_987 : vector<16x64xi1>, vector<16x64xi32>
    %jit3A_1016 = arith.constant 4 : i32
    %eq3A_1017 = arith.constant 0 : i32
    %eq3A_1018 = arith.cmpi eq, %jit3A_1016, %eq3A_1017 : i32
    %jit3A_1019 = arith.constant 1 : i32
    %select_n3A_1020 = arith.select %eq3A_1018, %jit3A_1019, %jit3A_1016 : i32
    %rem3A_1021 = vector.broadcast %select_n3A_1020 : i32 to vector<16x64xi32>
    %rem3A_1022 = arith.remsi %iota3A_930, %rem3A_1021 : vector<16x64xi32>
    %ne3A_1023 = arith.constant 0 : i32
    %ne3A_1024 = vector.broadcast %ne3A_1023 : i32 to vector<16x64xi32>
    %ne3A_1025 = arith.cmpi ne, %rem3A_1022, %ne3A_1024 : vector<16x64xi32>
    %lt3A_1026 = arith.constant 0 : i32
    %lt3A_1027 = vector.broadcast %lt3A_1026 : i32 to vector<16x64xi32>
    %lt3A_1028 = arith.cmpi slt, %rem3A_1022, %lt3A_1027 : vector<16x64xi32>
    %lt3A_1029 = arith.constant 0 : i32
    %lt3A_1030 = arith.cmpi slt, %select_n3A_1020, %lt3A_1029 : i32
    %ne3A_1031 = vector.broadcast %lt3A_1030 : i1 to vector<16x64xi1>
    %ne3A_1032 = vector.broadcast %ne3A_1031 : vector<16x64xi1> to vector<16x64xi1>
    %ne3A_1033 = arith.xori %lt3A_1028, %ne3A_1032 : vector<16x64xi1>
    %and3A_1034 = arith.andi %ne3A_1033, %ne3A_1025 : vector<16x64xi1>
    %add3A_1035 = vector.broadcast %select_n3A_1020 : i32 to vector<16x64xi32>
    %add3A_1036 = arith.addi %rem3A_1022, %add3A_1035 : vector<16x64xi32>
    %select_n3A_1037 = arith.select %and3A_1034, %add3A_1036, %rem3A_1022 : vector<16x64xi1>, vector<16x64xi32>
    %lt3A_1038 = arith.constant 4 : i32
    %lt3A_1039 = vector.broadcast %lt3A_1038 : i32 to vector<16x64xi32>
    %lt3A_1040 = arith.cmpi slt, %select_n3A_962, %lt3A_1039 : vector<16x64xi32>
    %eq3A_1041 = arith.cmpi eq, %select_n3A_1015, %select_n3A_962 : vector<16x64xi32>
    %and3A_1042 = arith.andi %lt3A_1040, %eq3A_1041 : vector<16x64xi1>
    %jit3A_1043 = arith.constant 2 : i32
    %div3A_1044 = vector.broadcast %jit3A_1043 : i32 to vector<16x64xi32>
    %div3A_1045 = arith.divsi %select_n3A_984, %div3A_1044 : vector<16x64xi32>
    %sign3A_1046 = arith.constant 0 : i32
    %sign3A_1047 = vector.broadcast %sign3A_1046 : i32 to vector<16x64xi32>
    %sign3A_1048 = arith.cmpi sgt, %select_n3A_984, %sign3A_1047 : vector<16x64xi32>
    %sign3A_1049 = arith.extui %sign3A_1048 : vector<16x64xi1> to vector<16x64xi32>
    %sign3A_1050 = arith.constant 0 : i32
    %sign3A_1051 = vector.broadcast %sign3A_1050 : i32 to vector<16x64xi32>
    %sign3A_1052 = arith.cmpi slt, %select_n3A_984, %sign3A_1051 : vector<16x64xi32>
    %sign3A_1053 = arith.extui %sign3A_1052 : vector<16x64xi1> to vector<16x64xi32>
    %sign3A_1054 = arith.subi %sign3A_1049, %sign3A_1053 : vector<16x64xi32>
    %sign3A_1055 = arith.constant 0 : i32
    %sign3A_1056 = arith.cmpi sgt, %jit3A_1043, %sign3A_1055 : i32
    %sign3A_1057 = arith.extui %sign3A_1056 : i1 to i32
    %sign3A_1058 = arith.constant 0 : i32
    %sign3A_1059 = arith.cmpi slt, %jit3A_1043, %sign3A_1058 : i32
    %sign3A_1060 = arith.extui %sign3A_1059 : i1 to i32
    %sign3A_1061 = arith.subi %sign3A_1057, %sign3A_1060 : i32
    %ne3A_1062 = vector.broadcast %sign3A_1061 : i32 to vector<16x64xi32>
    %ne3A_1063 = arith.cmpi ne, %sign3A_1054, %ne3A_1062 : vector<16x64xi32>
    %rem3A_1064 = vector.broadcast %jit3A_1043 : i32 to vector<16x64xi32>
    %rem3A_1065 = arith.remsi %select_n3A_984, %rem3A_1064 : vector<16x64xi32>
    %ne3A_1066 = arith.constant 0 : i32
    %ne3A_1067 = vector.broadcast %ne3A_1066 : i32 to vector<16x64xi32>
    %ne3A_1068 = arith.cmpi ne, %rem3A_1065, %ne3A_1067 : vector<16x64xi32>
    %and3A_1069 = arith.andi %ne3A_1063, %ne3A_1068 : vector<16x64xi1>
    %sub3A_1070 = arith.constant 1 : i32
    %sub3A_1071 = vector.broadcast %sub3A_1070 : i32 to vector<16x64xi32>
    %sub3A_1072 = arith.subi %div3A_1045, %sub3A_1071 : vector<16x64xi32>
    %select_n3A_1073 = arith.select %and3A_1069, %sub3A_1072, %div3A_1045 : vector<16x64xi1>, vector<16x64xi32>
    %eq3A_1074 = arith.cmpi eq, %select_n3A_1037, %select_n3A_1073 : vector<16x64xi32>
    %and3A_1075 = arith.andi %and3A_1042, %eq3A_1074 : vector<16x64xi1>
    %convert_element_type3A_1076 = arith.extui %and3A_1075 : vector<16x64xi1> to vector<16x64xi32>
    %convert_element_type3A_1077 = arith.sitofp %convert_element_type3A_1076 : vector<16x64xi32> to vector<16x64xf32>
    %convert_element_type3A_1078 = arith.truncf %convert_element_type3A_1077 : vector<16x64xf32> to vector<16x64xbf16>
    %ge3A_1079 = arith.constant 4 : i32
    %ge3A_1080 = vector.broadcast %ge3A_1079 : i32 to vector<16x64xi32>
    %ge3A_1081 = arith.cmpi sge, %select_n3A_962, %ge3A_1080 : vector<16x64xi32>
    %sub3A_1082 = arith.constant 4 : i32
    %sub3A_1083 = vector.broadcast %sub3A_1082 : i32 to vector<16x64xi32>
    %sub3A_1084 = arith.subi %select_n3A_962, %sub3A_1083 : vector<16x64xi32>
    %eq3A_1085 = arith.cmpi eq, %select_n3A_1015, %sub3A_1084 : vector<16x64xi32>
    %and3A_1086 = arith.andi %ge3A_1081, %eq3A_1085 : vector<16x64xi1>
    %jit3A_1087 = arith.constant 2 : i32
    %div3A_1088 = vector.broadcast %jit3A_1087 : i32 to vector<16x64xi32>
    %div3A_1089 = arith.divsi %select_n3A_984, %div3A_1088 : vector<16x64xi32>
    %sign3A_1090 = arith.constant 0 : i32
    %sign3A_1091 = vector.broadcast %sign3A_1090 : i32 to vector<16x64xi32>
    %sign3A_1092 = arith.cmpi sgt, %select_n3A_984, %sign3A_1091 : vector<16x64xi32>
    %sign3A_1093 = arith.extui %sign3A_1092 : vector<16x64xi1> to vector<16x64xi32>
    %sign3A_1094 = arith.constant 0 : i32
    %sign3A_1095 = vector.broadcast %sign3A_1094 : i32 to vector<16x64xi32>
    %sign3A_1096 = arith.cmpi slt, %select_n3A_984, %sign3A_1095 : vector<16x64xi32>
    %sign3A_1097 = arith.extui %sign3A_1096 : vector<16x64xi1> to vector<16x64xi32>
    %sign3A_1098 = arith.subi %sign3A_1093, %sign3A_1097 : vector<16x64xi32>
    %sign3A_1099 = arith.constant 0 : i32
    %sign3A_1100 = arith.cmpi sgt, %jit3A_1087, %sign3A_1099 : i32
    %sign3A_1101 = arith.extui %sign3A_1100 : i1 to i32
    %sign3A_1102 = arith.constant 0 : i32
    %sign3A_1103 = arith.cmpi slt, %jit3A_1087, %sign3A_1102 : i32
    %sign3A_1104 = arith.extui %sign3A_1103 : i1 to i32
    %sign3A_1105 = arith.subi %sign3A_1101, %sign3A_1104 : i32
    %ne3A_1106 = vector.broadcast %sign3A_1105 : i32 to vector<16x64xi32>
    %ne3A_1107 = arith.cmpi ne, %sign3A_1098, %ne3A_1106 : vector<16x64xi32>
    %rem3A_1108 = vector.broadcast %jit3A_1087 : i32 to vector<16x64xi32>
    %rem3A_1109 = arith.remsi %select_n3A_984, %rem3A_1108 : vector<16x64xi32>
    %ne3A_1110 = arith.constant 0 : i32
    %ne3A_1111 = vector.broadcast %ne3A_1110 : i32 to vector<16x64xi32>
    %ne3A_1112 = arith.cmpi ne, %rem3A_1109, %ne3A_1111 : vector<16x64xi32>
    %and3A_1113 = arith.andi %ne3A_1107, %ne3A_1112 : vector<16x64xi1>
    %sub3A_1114 = arith.constant 1 : i32
    %sub3A_1115 = vector.broadcast %sub3A_1114 : i32 to vector<16x64xi32>
    %sub3A_1116 = arith.subi %div3A_1089, %sub3A_1115 : vector<16x64xi32>
    %select_n3A_1117 = arith.select %and3A_1113, %sub3A_1116, %div3A_1089 : vector<16x64xi1>, vector<16x64xi32>
    %eq3A_1118 = arith.cmpi eq, %select_n3A_1037, %select_n3A_1117 : vector<16x64xi32>
    %and3A_1119 = arith.andi %and3A_1086, %eq3A_1118 : vector<16x64xi1>
    %convert_element_type3A_1120 = arith.extui %and3A_1119 : vector<16x64xi1> to vector<16x64xi32>
    %convert_element_type3A_1121 = arith.sitofp %convert_element_type3A_1120 : vector<16x64xi32> to vector<16x64xf32>
    %convert_element_type3A_1122 = arith.truncf %convert_element_type3A_1121 : vector<16x64xf32> to vector<16x64xbf16>
    %lt3A_1123 = arith.constant 4 : i32
    %lt3A_1124 = vector.broadcast %lt3A_1123 : i32 to vector<16x64xi32>
    %lt3A_1125 = arith.cmpi slt, %select_n3A_984, %lt3A_1124 : vector<16x64xi32>
    %eq3A_1126 = arith.cmpi eq, %select_n3A_1037, %select_n3A_984 : vector<16x64xi32>
    %and3A_1127 = arith.andi %lt3A_1125, %eq3A_1126 : vector<16x64xi1>
    %jit3A_1128 = arith.constant 2 : i32
    %div3A_1129 = vector.broadcast %jit3A_1128 : i32 to vector<16x64xi32>
    %div3A_1130 = arith.divsi %select_n3A_962, %div3A_1129 : vector<16x64xi32>
    %sign3A_1131 = arith.constant 0 : i32
    %sign3A_1132 = vector.broadcast %sign3A_1131 : i32 to vector<16x64xi32>
    %sign3A_1133 = arith.cmpi sgt, %select_n3A_962, %sign3A_1132 : vector<16x64xi32>
    %sign3A_1134 = arith.extui %sign3A_1133 : vector<16x64xi1> to vector<16x64xi32>
    %sign3A_1135 = arith.constant 0 : i32
    %sign3A_1136 = vector.broadcast %sign3A_1135 : i32 to vector<16x64xi32>
    %sign3A_1137 = arith.cmpi slt, %select_n3A_962, %sign3A_1136 : vector<16x64xi32>
    %sign3A_1138 = arith.extui %sign3A_1137 : vector<16x64xi1> to vector<16x64xi32>
    %sign3A_1139 = arith.subi %sign3A_1134, %sign3A_1138 : vector<16x64xi32>
    %sign3A_1140 = arith.constant 0 : i32
    %sign3A_1141 = arith.cmpi sgt, %jit3A_1128, %sign3A_1140 : i32
    %sign3A_1142 = arith.extui %sign3A_1141 : i1 to i32
    %sign3A_1143 = arith.constant 0 : i32
    %sign3A_1144 = arith.cmpi slt, %jit3A_1128, %sign3A_1143 : i32
    %sign3A_1145 = arith.extui %sign3A_1144 : i1 to i32
    %sign3A_1146 = arith.subi %sign3A_1142, %sign3A_1145 : i32
    %ne3A_1147 = vector.broadcast %sign3A_1146 : i32 to vector<16x64xi32>
    %ne3A_1148 = arith.cmpi ne, %sign3A_1139, %ne3A_1147 : vector<16x64xi32>
    %rem3A_1149 = vector.broadcast %jit3A_1128 : i32 to vector<16x64xi32>
    %rem3A_1150 = arith.remsi %select_n3A_962, %rem3A_1149 : vector<16x64xi32>
    %ne3A_1151 = arith.constant 0 : i32
    %ne3A_1152 = vector.broadcast %ne3A_1151 : i32 to vector<16x64xi32>
    %ne3A_1153 = arith.cmpi ne, %rem3A_1150, %ne3A_1152 : vector<16x64xi32>
    %and3A_1154 = arith.andi %ne3A_1148, %ne3A_1153 : vector<16x64xi1>
    %sub3A_1155 = arith.constant 1 : i32
    %sub3A_1156 = vector.broadcast %sub3A_1155 : i32 to vector<16x64xi32>
    %sub3A_1157 = arith.subi %div3A_1130, %sub3A_1156 : vector<16x64xi32>
    %select_n3A_1158 = arith.select %and3A_1154, %sub3A_1157, %div3A_1130 : vector<16x64xi1>, vector<16x64xi32>
    %eq3A_1159 = arith.cmpi eq, %select_n3A_1015, %select_n3A_1158 : vector<16x64xi32>
    %and3A_1160 = arith.andi %and3A_1127, %eq3A_1159 : vector<16x64xi1>
    %convert_element_type3A_1161 = arith.extui %and3A_1160 : vector<16x64xi1> to vector<16x64xi32>
    %convert_element_type3A_1162 = arith.sitofp %convert_element_type3A_1161 : vector<16x64xi32> to vector<16x64xf32>
    %convert_element_type3A_1163 = arith.truncf %convert_element_type3A_1162 : vector<16x64xf32> to vector<16x64xbf16>
    %ge3A_1164 = arith.constant 4 : i32
    %ge3A_1165 = vector.broadcast %ge3A_1164 : i32 to vector<16x64xi32>
    %ge3A_1166 = arith.cmpi sge, %select_n3A_984, %ge3A_1165 : vector<16x64xi32>
    %sub3A_1167 = arith.constant 4 : i32
    %sub3A_1168 = vector.broadcast %sub3A_1167 : i32 to vector<16x64xi32>
    %sub3A_1169 = arith.subi %select_n3A_984, %sub3A_1168 : vector<16x64xi32>
    %eq3A_1170 = arith.cmpi eq, %select_n3A_1037, %sub3A_1169 : vector<16x64xi32>
    %and3A_1171 = arith.andi %ge3A_1166, %eq3A_1170 : vector<16x64xi1>
    %jit3A_1172 = arith.constant 2 : i32
    %div3A_1173 = vector.broadcast %jit3A_1172 : i32 to vector<16x64xi32>
    %div3A_1174 = arith.divsi %select_n3A_962, %div3A_1173 : vector<16x64xi32>
    %sign3A_1175 = arith.constant 0 : i32
    %sign3A_1176 = vector.broadcast %sign3A_1175 : i32 to vector<16x64xi32>
    %sign3A_1177 = arith.cmpi sgt, %select_n3A_962, %sign3A_1176 : vector<16x64xi32>
    %sign3A_1178 = arith.extui %sign3A_1177 : vector<16x64xi1> to vector<16x64xi32>
    %sign3A_1179 = arith.constant 0 : i32
    %sign3A_1180 = vector.broadcast %sign3A_1179 : i32 to vector<16x64xi32>
    %sign3A_1181 = arith.cmpi slt, %select_n3A_962, %sign3A_1180 : vector<16x64xi32>
    %sign3A_1182 = arith.extui %sign3A_1181 : vector<16x64xi1> to vector<16x64xi32>
    %sign3A_1183 = arith.subi %sign3A_1178, %sign3A_1182 : vector<16x64xi32>
    %sign3A_1184 = arith.constant 0 : i32
    %sign3A_1185 = arith.cmpi sgt, %jit3A_1172, %sign3A_1184 : i32
    %sign3A_1186 = arith.extui %sign3A_1185 : i1 to i32
    %sign3A_1187 = arith.constant 0 : i32
    %sign3A_1188 = arith.cmpi slt, %jit3A_1172, %sign3A_1187 : i32
    %sign3A_1189 = arith.extui %sign3A_1188 : i1 to i32
    %sign3A_1190 = arith.subi %sign3A_1186, %sign3A_1189 : i32
    %ne3A_1191 = vector.broadcast %sign3A_1190 : i32 to vector<16x64xi32>
    %ne3A_1192 = arith.cmpi ne, %sign3A_1183, %ne3A_1191 : vector<16x64xi32>
    %rem3A_1193 = vector.broadcast %jit3A_1172 : i32 to vector<16x64xi32>
    %rem3A_1194 = arith.remsi %select_n3A_962, %rem3A_1193 : vector<16x64xi32>
    %ne3A_1195 = arith.constant 0 : i32
    %ne3A_1196 = vector.broadcast %ne3A_1195 : i32 to vector<16x64xi32>
    %ne3A_1197 = arith.cmpi ne, %rem3A_1194, %ne3A_1196 : vector<16x64xi32>
    %and3A_1198 = arith.andi %ne3A_1192, %ne3A_1197 : vector<16x64xi1>
    %sub3A_1199 = arith.constant 1 : i32
    %sub3A_1200 = vector.broadcast %sub3A_1199 : i32 to vector<16x64xi32>
    %sub3A_1201 = arith.subi %div3A_1174, %sub3A_1200 : vector<16x64xi32>
    %select_n3A_1202 = arith.select %and3A_1198, %sub3A_1201, %div3A_1174 : vector<16x64xi1>, vector<16x64xi32>
    %eq3A_1203 = arith.cmpi eq, %select_n3A_1015, %select_n3A_1202 : vector<16x64xi32>
    %and3A_1204 = arith.andi %and3A_1171, %eq3A_1203 : vector<16x64xi1>
    %convert_element_type3A_1205 = arith.extui %and3A_1204 : vector<16x64xi1> to vector<16x64xi32>
    %convert_element_type3A_1206 = arith.sitofp %convert_element_type3A_1205 : vector<16x64xi32> to vector<16x64xf32>
    %convert_element_type3A_1207 = arith.truncf %convert_element_type3A_1206 : vector<16x64xf32> to vector<16x64xbf16>
    %convert_element_type3A_1208 = arith.truncf %dot_general3A_927 : vector<48x16xf32> to vector<48x16xbf16>
    %convert_element_type3A_1209 = arith.extf %convert_element_type3A_1208 : vector<48x16xbf16> to vector<48x16xf32>
    %sub3A_1210 = arith.subf %dot_general3A_927, %convert_element_type3A_1209 : vector<48x16xf32>
    %convert_element_type3A_1211 = arith.truncf %sub3A_1210 : vector<48x16xf32> to vector<48x16xbf16>
    %convert_element_type3A_1212 = arith.truncf %dot_general3A_929 : vector<48x16xf32> to vector<48x16xbf16>
    %convert_element_type3A_1213 = arith.extf %convert_element_type3A_1212 : vector<48x16xbf16> to vector<48x16xf32>
    %sub3A_1214 = arith.subf %dot_general3A_929, %convert_element_type3A_1213 : vector<48x16xf32>
    %convert_element_type3A_1215 = arith.truncf %sub3A_1214 : vector<48x16xf32> to vector<48x16xbf16>
    %dot_general3A_1216 = arith.constant dense<0.000000e+00> : vector<48x64xf32>
    %dot_general3A_1217 = tpu.matmul %convert_element_type3A_1208, %convert_element_type3A_1078, %dot_general3A_1216 {dimension_numbers = #tpu.dot_dimension_numbers<[1], [0], [0], [1], [0, 0, 1, 1], [], []>, transpose_lhs_hint = false} : vector<48x16xbf16>, vector<16x64xbf16>, vector<48x64xf32> -> vector<48x64xf32>
    %dot_general3A_1218 = arith.constant dense<0.000000e+00> : vector<48x64xf32>
    %dot_general3A_1219 = tpu.matmul %convert_element_type3A_1211, %convert_element_type3A_1078, %dot_general3A_1218 {dimension_numbers = #tpu.dot_dimension_numbers<[1], [0], [0], [1], [0, 0, 1, 1], [], []>, transpose_lhs_hint = false} : vector<48x16xbf16>, vector<16x64xbf16>, vector<48x64xf32> -> vector<48x64xf32>
    %add3A_1220 = arith.addf %dot_general3A_1217, %dot_general3A_1219 : vector<48x64xf32>
    %dot_general3A_1221 = arith.constant dense<0.000000e+00> : vector<48x64xf32>
    %dot_general3A_1222 = tpu.matmul %convert_element_type3A_1212, %convert_element_type3A_1122, %dot_general3A_1221 {dimension_numbers = #tpu.dot_dimension_numbers<[1], [0], [0], [1], [0, 0, 1, 1], [], []>, transpose_lhs_hint = false} : vector<48x16xbf16>, vector<16x64xbf16>, vector<48x64xf32> -> vector<48x64xf32>
    %add3A_1223 = arith.addf %add3A_1220, %dot_general3A_1222 : vector<48x64xf32>
    %dot_general3A_1224 = arith.constant dense<0.000000e+00> : vector<48x64xf32>
    %dot_general3A_1225 = tpu.matmul %convert_element_type3A_1215, %convert_element_type3A_1122, %dot_general3A_1224 {dimension_numbers = #tpu.dot_dimension_numbers<[1], [0], [0], [1], [0, 0, 1, 1], [], []>, transpose_lhs_hint = false} : vector<48x16xbf16>, vector<16x64xbf16>, vector<48x64xf32> -> vector<48x64xf32>
    %add3A_1226 = arith.addf %add3A_1223, %dot_general3A_1225 : vector<48x64xf32>
    %dot_general3A_1227 = arith.constant dense<0.000000e+00> : vector<48x64xf32>
    %dot_general3A_1228 = tpu.matmul %convert_element_type3A_1208, %convert_element_type3A_1163, %dot_general3A_1227 {dimension_numbers = #tpu.dot_dimension_numbers<[1], [0], [0], [1], [0, 0, 1, 1], [], []>, transpose_lhs_hint = false} : vector<48x16xbf16>, vector<16x64xbf16>, vector<48x64xf32> -> vector<48x64xf32>
    %dot_general3A_1229 = arith.constant dense<0.000000e+00> : vector<48x64xf32>
    %dot_general3A_1230 = tpu.matmul %convert_element_type3A_1211, %convert_element_type3A_1163, %dot_general3A_1229 {dimension_numbers = #tpu.dot_dimension_numbers<[1], [0], [0], [1], [0, 0, 1, 1], [], []>, transpose_lhs_hint = false} : vector<48x16xbf16>, vector<16x64xbf16>, vector<48x64xf32> -> vector<48x64xf32>
    %add3A_1231 = arith.addf %dot_general3A_1228, %dot_general3A_1230 : vector<48x64xf32>
    %dot_general3A_1232 = arith.constant dense<0.000000e+00> : vector<48x64xf32>
    %dot_general3A_1233 = tpu.matmul %convert_element_type3A_1212, %convert_element_type3A_1207, %dot_general3A_1232 {dimension_numbers = #tpu.dot_dimension_numbers<[1], [0], [0], [1], [0, 0, 1, 1], [], []>, transpose_lhs_hint = false} : vector<48x16xbf16>, vector<16x64xbf16>, vector<48x64xf32> -> vector<48x64xf32>
    %add3A_1234 = arith.addf %add3A_1231, %dot_general3A_1233 : vector<48x64xf32>
    %dot_general3A_1235 = arith.constant dense<0.000000e+00> : vector<48x64xf32>
    %dot_general3A_1236 = tpu.matmul %convert_element_type3A_1215, %convert_element_type3A_1207, %dot_general3A_1235 {dimension_numbers = #tpu.dot_dimension_numbers<[1], [0], [0], [1], [0, 0, 1, 1], [], []>, transpose_lhs_hint = false} : vector<48x16xbf16>, vector<16x64xbf16>, vector<48x64xf32> -> vector<48x64xf32>
    %add3A_1237 = arith.addf %add3A_1234, %dot_general3A_1236 : vector<48x64xf32>
    %broadcast_in_dim3A_1238 = vector.shape_cast %eq3A_296 : vector<48x1xi1> to vector<48x1xi1>
    %broadcast_in_dim3A_1239 = vector.broadcast %broadcast_in_dim3A_1238 : vector<48x1xi1> to vector<48x64xi1>
    %select_n3A_1240 = arith.select %broadcast_in_dim3A_1239, %add3A_1226, %add3A_1237 : vector<48x64xi1>, vector<48x64xf32>
    %dot_general3A_1241 = arith.constant dense<0.000000e+00> : vector<48x64xf32>
    %dot_general3A_1242 = tpu.matmul %mul3A_147, %select_n3A_1240, %dot_general3A_1241 {dimension_numbers = #tpu.dot_dimension_numbers<[1], [0], [0], [1], [0, 0, 1, 1], [], []>, precision = #tpu.contract_precision<fp32>, transpose_lhs_hint = false} : vector<48x48xf32>, vector<48x64xf32>, vector<48x64xf32> -> vector<48x64xf32>
    %dot_general3A_1243 = arith.constant dense<0.000000e+00> : vector<48x64xf32>
    %dot_general3A_1244 = tpu.matmul %mul3A_162, %select_n3A_1240, %dot_general3A_1243 {dimension_numbers = #tpu.dot_dimension_numbers<[1], [0], [0], [1], [0, 0, 1, 1], [], []>, precision = #tpu.contract_precision<fp32>, transpose_lhs_hint = false} : vector<48x48xf32>, vector<48x64xf32>, vector<48x64xf32> -> vector<48x64xf32>
    %iota3A_1245 = tpu.iota {dimensions = array<i32: 0>} : vector<64x256xi32>
    %iota3A_1246 = tpu.iota {dimensions = array<i32: 1>} : vector<64x256xi32>
    %jit3A_1247 = arith.constant 16 : i32
    %div3A_1248 = vector.broadcast %jit3A_1247 : i32 to vector<64x256xi32>
    %div3A_1249 = arith.divsi %iota3A_1246, %div3A_1248 : vector<64x256xi32>
    %sign3A_1250 = arith.constant 0 : i32
    %sign3A_1251 = vector.broadcast %sign3A_1250 : i32 to vector<64x256xi32>
    %sign3A_1252 = arith.cmpi sgt, %iota3A_1246, %sign3A_1251 : vector<64x256xi32>
    %sign3A_1253 = arith.extui %sign3A_1252 : vector<64x256xi1> to vector<64x256xi32>
    %sign3A_1254 = arith.constant 0 : i32
    %sign3A_1255 = vector.broadcast %sign3A_1254 : i32 to vector<64x256xi32>
    %sign3A_1256 = arith.cmpi slt, %iota3A_1246, %sign3A_1255 : vector<64x256xi32>
    %sign3A_1257 = arith.extui %sign3A_1256 : vector<64x256xi1> to vector<64x256xi32>
    %sign3A_1258 = arith.subi %sign3A_1253, %sign3A_1257 : vector<64x256xi32>
    %sign3A_1259 = arith.constant 0 : i32
    %sign3A_1260 = arith.cmpi sgt, %jit3A_1247, %sign3A_1259 : i32
    %sign3A_1261 = arith.extui %sign3A_1260 : i1 to i32
    %sign3A_1262 = arith.constant 0 : i32
    %sign3A_1263 = arith.cmpi slt, %jit3A_1247, %sign3A_1262 : i32
    %sign3A_1264 = arith.extui %sign3A_1263 : i1 to i32
    %sign3A_1265 = arith.subi %sign3A_1261, %sign3A_1264 : i32
    %ne3A_1266 = vector.broadcast %sign3A_1265 : i32 to vector<64x256xi32>
    %ne3A_1267 = arith.cmpi ne, %sign3A_1258, %ne3A_1266 : vector<64x256xi32>
    %rem3A_1268 = vector.broadcast %jit3A_1247 : i32 to vector<64x256xi32>
    %rem3A_1269 = arith.remsi %iota3A_1246, %rem3A_1268 : vector<64x256xi32>
    %ne3A_1270 = arith.constant 0 : i32
    %ne3A_1271 = vector.broadcast %ne3A_1270 : i32 to vector<64x256xi32>
    %ne3A_1272 = arith.cmpi ne, %rem3A_1269, %ne3A_1271 : vector<64x256xi32>
    %and3A_1273 = arith.andi %ne3A_1267, %ne3A_1272 : vector<64x256xi1>
    %sub3A_1274 = arith.constant 1 : i32
    %sub3A_1275 = vector.broadcast %sub3A_1274 : i32 to vector<64x256xi32>
    %sub3A_1276 = arith.subi %div3A_1249, %sub3A_1275 : vector<64x256xi32>
    %select_n3A_1277 = arith.select %and3A_1273, %sub3A_1276, %div3A_1249 : vector<64x256xi1>, vector<64x256xi32>
    %jit3A_1278 = arith.constant 16 : i32
    %eq3A_1279 = arith.constant 0 : i32
    %eq3A_1280 = arith.cmpi eq, %jit3A_1278, %eq3A_1279 : i32
    %jit3A_1281 = arith.constant 1 : i32
    %select_n3A_1282 = arith.select %eq3A_1280, %jit3A_1281, %jit3A_1278 : i32
    %rem3A_1283 = vector.broadcast %select_n3A_1282 : i32 to vector<64x256xi32>
    %rem3A_1284 = arith.remsi %iota3A_1246, %rem3A_1283 : vector<64x256xi32>
    %ne3A_1285 = arith.constant 0 : i32
    %ne3A_1286 = vector.broadcast %ne3A_1285 : i32 to vector<64x256xi32>
    %ne3A_1287 = arith.cmpi ne, %rem3A_1284, %ne3A_1286 : vector<64x256xi32>
    %lt3A_1288 = arith.constant 0 : i32
    %lt3A_1289 = vector.broadcast %lt3A_1288 : i32 to vector<64x256xi32>
    %lt3A_1290 = arith.cmpi slt, %rem3A_1284, %lt3A_1289 : vector<64x256xi32>
    %lt3A_1291 = arith.constant 0 : i32
    %lt3A_1292 = arith.cmpi slt, %select_n3A_1282, %lt3A_1291 : i32
    %ne3A_1293 = vector.broadcast %lt3A_1292 : i1 to vector<64x256xi1>
    %ne3A_1294 = vector.broadcast %ne3A_1293 : vector<64x256xi1> to vector<64x256xi1>
    %ne3A_1295 = arith.xori %lt3A_1290, %ne3A_1294 : vector<64x256xi1>
    %and3A_1296 = arith.andi %ne3A_1295, %ne3A_1287 : vector<64x256xi1>
    %add3A_1297 = vector.broadcast %select_n3A_1282 : i32 to vector<64x256xi32>
    %add3A_1298 = arith.addi %rem3A_1284, %add3A_1297 : vector<64x256xi32>
    %select_n3A_1299 = arith.select %and3A_1296, %add3A_1298, %rem3A_1284 : vector<64x256xi1>, vector<64x256xi32>
    %jit3A_1300 = arith.constant 8 : i32
    %div3A_1301 = vector.broadcast %jit3A_1300 : i32 to vector<64x256xi32>
    %div3A_1302 = arith.divsi %iota3A_1245, %div3A_1301 : vector<64x256xi32>
    %sign3A_1303 = arith.constant 0 : i32
    %sign3A_1304 = vector.broadcast %sign3A_1303 : i32 to vector<64x256xi32>
    %sign3A_1305 = arith.cmpi sgt, %iota3A_1245, %sign3A_1304 : vector<64x256xi32>
    %sign3A_1306 = arith.extui %sign3A_1305 : vector<64x256xi1> to vector<64x256xi32>
    %sign3A_1307 = arith.constant 0 : i32
    %sign3A_1308 = vector.broadcast %sign3A_1307 : i32 to vector<64x256xi32>
    %sign3A_1309 = arith.cmpi slt, %iota3A_1245, %sign3A_1308 : vector<64x256xi32>
    %sign3A_1310 = arith.extui %sign3A_1309 : vector<64x256xi1> to vector<64x256xi32>
    %sign3A_1311 = arith.subi %sign3A_1306, %sign3A_1310 : vector<64x256xi32>
    %sign3A_1312 = arith.constant 0 : i32
    %sign3A_1313 = arith.cmpi sgt, %jit3A_1300, %sign3A_1312 : i32
    %sign3A_1314 = arith.extui %sign3A_1313 : i1 to i32
    %sign3A_1315 = arith.constant 0 : i32
    %sign3A_1316 = arith.cmpi slt, %jit3A_1300, %sign3A_1315 : i32
    %sign3A_1317 = arith.extui %sign3A_1316 : i1 to i32
    %sign3A_1318 = arith.subi %sign3A_1314, %sign3A_1317 : i32
    %ne3A_1319 = vector.broadcast %sign3A_1318 : i32 to vector<64x256xi32>
    %ne3A_1320 = arith.cmpi ne, %sign3A_1311, %ne3A_1319 : vector<64x256xi32>
    %rem3A_1321 = vector.broadcast %jit3A_1300 : i32 to vector<64x256xi32>
    %rem3A_1322 = arith.remsi %iota3A_1245, %rem3A_1321 : vector<64x256xi32>
    %ne3A_1323 = arith.constant 0 : i32
    %ne3A_1324 = vector.broadcast %ne3A_1323 : i32 to vector<64x256xi32>
    %ne3A_1325 = arith.cmpi ne, %rem3A_1322, %ne3A_1324 : vector<64x256xi32>
    %and3A_1326 = arith.andi %ne3A_1320, %ne3A_1325 : vector<64x256xi1>
    %sub3A_1327 = arith.constant 1 : i32
    %sub3A_1328 = vector.broadcast %sub3A_1327 : i32 to vector<64x256xi32>
    %sub3A_1329 = arith.subi %div3A_1302, %sub3A_1328 : vector<64x256xi32>
    %select_n3A_1330 = arith.select %and3A_1326, %sub3A_1329, %div3A_1302 : vector<64x256xi1>, vector<64x256xi32>
    %jit3A_1331 = arith.constant 8 : i32
    %eq3A_1332 = arith.constant 0 : i32
    %eq3A_1333 = arith.cmpi eq, %jit3A_1331, %eq3A_1332 : i32
    %jit3A_1334 = arith.constant 1 : i32
    %select_n3A_1335 = arith.select %eq3A_1333, %jit3A_1334, %jit3A_1331 : i32
    %rem3A_1336 = vector.broadcast %select_n3A_1335 : i32 to vector<64x256xi32>
    %rem3A_1337 = arith.remsi %iota3A_1245, %rem3A_1336 : vector<64x256xi32>
    %ne3A_1338 = arith.constant 0 : i32
    %ne3A_1339 = vector.broadcast %ne3A_1338 : i32 to vector<64x256xi32>
    %ne3A_1340 = arith.cmpi ne, %rem3A_1337, %ne3A_1339 : vector<64x256xi32>
    %lt3A_1341 = arith.constant 0 : i32
    %lt3A_1342 = vector.broadcast %lt3A_1341 : i32 to vector<64x256xi32>
    %lt3A_1343 = arith.cmpi slt, %rem3A_1337, %lt3A_1342 : vector<64x256xi32>
    %lt3A_1344 = arith.constant 0 : i32
    %lt3A_1345 = arith.cmpi slt, %select_n3A_1335, %lt3A_1344 : i32
    %ne3A_1346 = vector.broadcast %lt3A_1345 : i1 to vector<64x256xi1>
    %ne3A_1347 = vector.broadcast %ne3A_1346 : vector<64x256xi1> to vector<64x256xi1>
    %ne3A_1348 = arith.xori %lt3A_1343, %ne3A_1347 : vector<64x256xi1>
    %and3A_1349 = arith.andi %ne3A_1348, %ne3A_1340 : vector<64x256xi1>
    %add3A_1350 = vector.broadcast %select_n3A_1335 : i32 to vector<64x256xi32>
    %add3A_1351 = arith.addi %rem3A_1337, %add3A_1350 : vector<64x256xi32>
    %select_n3A_1352 = arith.select %and3A_1349, %add3A_1351, %rem3A_1337 : vector<64x256xi1>, vector<64x256xi32>
    %lt3A_1353 = arith.constant 8 : i32
    %lt3A_1354 = vector.broadcast %lt3A_1353 : i32 to vector<64x256xi32>
    %lt3A_1355 = arith.cmpi slt, %select_n3A_1277, %lt3A_1354 : vector<64x256xi32>
    %eq3A_1356 = arith.cmpi eq, %select_n3A_1330, %select_n3A_1277 : vector<64x256xi32>
    %and3A_1357 = arith.andi %lt3A_1355, %eq3A_1356 : vector<64x256xi1>
    %jit3A_1358 = arith.constant 2 : i32
    %div3A_1359 = vector.broadcast %jit3A_1358 : i32 to vector<64x256xi32>
    %div3A_1360 = arith.divsi %select_n3A_1299, %div3A_1359 : vector<64x256xi32>
    %sign3A_1361 = arith.constant 0 : i32
    %sign3A_1362 = vector.broadcast %sign3A_1361 : i32 to vector<64x256xi32>
    %sign3A_1363 = arith.cmpi sgt, %select_n3A_1299, %sign3A_1362 : vector<64x256xi32>
    %sign3A_1364 = arith.extui %sign3A_1363 : vector<64x256xi1> to vector<64x256xi32>
    %sign3A_1365 = arith.constant 0 : i32
    %sign3A_1366 = vector.broadcast %sign3A_1365 : i32 to vector<64x256xi32>
    %sign3A_1367 = arith.cmpi slt, %select_n3A_1299, %sign3A_1366 : vector<64x256xi32>
    %sign3A_1368 = arith.extui %sign3A_1367 : vector<64x256xi1> to vector<64x256xi32>
    %sign3A_1369 = arith.subi %sign3A_1364, %sign3A_1368 : vector<64x256xi32>
    %sign3A_1370 = arith.constant 0 : i32
    %sign3A_1371 = arith.cmpi sgt, %jit3A_1358, %sign3A_1370 : i32
    %sign3A_1372 = arith.extui %sign3A_1371 : i1 to i32
    %sign3A_1373 = arith.constant 0 : i32
    %sign3A_1374 = arith.cmpi slt, %jit3A_1358, %sign3A_1373 : i32
    %sign3A_1375 = arith.extui %sign3A_1374 : i1 to i32
    %sign3A_1376 = arith.subi %sign3A_1372, %sign3A_1375 : i32
    %ne3A_1377 = vector.broadcast %sign3A_1376 : i32 to vector<64x256xi32>
    %ne3A_1378 = arith.cmpi ne, %sign3A_1369, %ne3A_1377 : vector<64x256xi32>
    %rem3A_1379 = vector.broadcast %jit3A_1358 : i32 to vector<64x256xi32>
    %rem3A_1380 = arith.remsi %select_n3A_1299, %rem3A_1379 : vector<64x256xi32>
    %ne3A_1381 = arith.constant 0 : i32
    %ne3A_1382 = vector.broadcast %ne3A_1381 : i32 to vector<64x256xi32>
    %ne3A_1383 = arith.cmpi ne, %rem3A_1380, %ne3A_1382 : vector<64x256xi32>
    %and3A_1384 = arith.andi %ne3A_1378, %ne3A_1383 : vector<64x256xi1>
    %sub3A_1385 = arith.constant 1 : i32
    %sub3A_1386 = vector.broadcast %sub3A_1385 : i32 to vector<64x256xi32>
    %sub3A_1387 = arith.subi %div3A_1360, %sub3A_1386 : vector<64x256xi32>
    %select_n3A_1388 = arith.select %and3A_1384, %sub3A_1387, %div3A_1360 : vector<64x256xi1>, vector<64x256xi32>
    %eq3A_1389 = arith.cmpi eq, %select_n3A_1352, %select_n3A_1388 : vector<64x256xi32>
    %and3A_1390 = arith.andi %and3A_1357, %eq3A_1389 : vector<64x256xi1>
    %convert_element_type3A_1391 = arith.extui %and3A_1390 : vector<64x256xi1> to vector<64x256xi32>
    %convert_element_type3A_1392 = arith.sitofp %convert_element_type3A_1391 : vector<64x256xi32> to vector<64x256xf32>
    %convert_element_type3A_1393 = arith.truncf %convert_element_type3A_1392 : vector<64x256xf32> to vector<64x256xbf16>
    %ge3A_1394 = arith.constant 8 : i32
    %ge3A_1395 = vector.broadcast %ge3A_1394 : i32 to vector<64x256xi32>
    %ge3A_1396 = arith.cmpi sge, %select_n3A_1277, %ge3A_1395 : vector<64x256xi32>
    %sub3A_1397 = arith.constant 8 : i32
    %sub3A_1398 = vector.broadcast %sub3A_1397 : i32 to vector<64x256xi32>
    %sub3A_1399 = arith.subi %select_n3A_1277, %sub3A_1398 : vector<64x256xi32>
    %eq3A_1400 = arith.cmpi eq, %select_n3A_1330, %sub3A_1399 : vector<64x256xi32>
    %and3A_1401 = arith.andi %ge3A_1396, %eq3A_1400 : vector<64x256xi1>
    %jit3A_1402 = arith.constant 2 : i32
    %div3A_1403 = vector.broadcast %jit3A_1402 : i32 to vector<64x256xi32>
    %div3A_1404 = arith.divsi %select_n3A_1299, %div3A_1403 : vector<64x256xi32>
    %sign3A_1405 = arith.constant 0 : i32
    %sign3A_1406 = vector.broadcast %sign3A_1405 : i32 to vector<64x256xi32>
    %sign3A_1407 = arith.cmpi sgt, %select_n3A_1299, %sign3A_1406 : vector<64x256xi32>
    %sign3A_1408 = arith.extui %sign3A_1407 : vector<64x256xi1> to vector<64x256xi32>
    %sign3A_1409 = arith.constant 0 : i32
    %sign3A_1410 = vector.broadcast %sign3A_1409 : i32 to vector<64x256xi32>
    %sign3A_1411 = arith.cmpi slt, %select_n3A_1299, %sign3A_1410 : vector<64x256xi32>
    %sign3A_1412 = arith.extui %sign3A_1411 : vector<64x256xi1> to vector<64x256xi32>
    %sign3A_1413 = arith.subi %sign3A_1408, %sign3A_1412 : vector<64x256xi32>
    %sign3A_1414 = arith.constant 0 : i32
    %sign3A_1415 = arith.cmpi sgt, %jit3A_1402, %sign3A_1414 : i32
    %sign3A_1416 = arith.extui %sign3A_1415 : i1 to i32
    %sign3A_1417 = arith.constant 0 : i32
    %sign3A_1418 = arith.cmpi slt, %jit3A_1402, %sign3A_1417 : i32
    %sign3A_1419 = arith.extui %sign3A_1418 : i1 to i32
    %sign3A_1420 = arith.subi %sign3A_1416, %sign3A_1419 : i32
    %ne3A_1421 = vector.broadcast %sign3A_1420 : i32 to vector<64x256xi32>
    %ne3A_1422 = arith.cmpi ne, %sign3A_1413, %ne3A_1421 : vector<64x256xi32>
    %rem3A_1423 = vector.broadcast %jit3A_1402 : i32 to vector<64x256xi32>
    %rem3A_1424 = arith.remsi %select_n3A_1299, %rem3A_1423 : vector<64x256xi32>
    %ne3A_1425 = arith.constant 0 : i32
    %ne3A_1426 = vector.broadcast %ne3A_1425 : i32 to vector<64x256xi32>
    %ne3A_1427 = arith.cmpi ne, %rem3A_1424, %ne3A_1426 : vector<64x256xi32>
    %and3A_1428 = arith.andi %ne3A_1422, %ne3A_1427 : vector<64x256xi1>
    %sub3A_1429 = arith.constant 1 : i32
    %sub3A_1430 = vector.broadcast %sub3A_1429 : i32 to vector<64x256xi32>
    %sub3A_1431 = arith.subi %div3A_1404, %sub3A_1430 : vector<64x256xi32>
    %select_n3A_1432 = arith.select %and3A_1428, %sub3A_1431, %div3A_1404 : vector<64x256xi1>, vector<64x256xi32>
    %eq3A_1433 = arith.cmpi eq, %select_n3A_1352, %select_n3A_1432 : vector<64x256xi32>
    %and3A_1434 = arith.andi %and3A_1401, %eq3A_1433 : vector<64x256xi1>
    %convert_element_type3A_1435 = arith.extui %and3A_1434 : vector<64x256xi1> to vector<64x256xi32>
    %convert_element_type3A_1436 = arith.sitofp %convert_element_type3A_1435 : vector<64x256xi32> to vector<64x256xf32>
    %convert_element_type3A_1437 = arith.truncf %convert_element_type3A_1436 : vector<64x256xf32> to vector<64x256xbf16>
    %lt3A_1438 = arith.constant 8 : i32
    %lt3A_1439 = vector.broadcast %lt3A_1438 : i32 to vector<64x256xi32>
    %lt3A_1440 = arith.cmpi slt, %select_n3A_1299, %lt3A_1439 : vector<64x256xi32>
    %eq3A_1441 = arith.cmpi eq, %select_n3A_1352, %select_n3A_1299 : vector<64x256xi32>
    %and3A_1442 = arith.andi %lt3A_1440, %eq3A_1441 : vector<64x256xi1>
    %jit3A_1443 = arith.constant 2 : i32
    %div3A_1444 = vector.broadcast %jit3A_1443 : i32 to vector<64x256xi32>
    %div3A_1445 = arith.divsi %select_n3A_1277, %div3A_1444 : vector<64x256xi32>
    %sign3A_1446 = arith.constant 0 : i32
    %sign3A_1447 = vector.broadcast %sign3A_1446 : i32 to vector<64x256xi32>
    %sign3A_1448 = arith.cmpi sgt, %select_n3A_1277, %sign3A_1447 : vector<64x256xi32>
    %sign3A_1449 = arith.extui %sign3A_1448 : vector<64x256xi1> to vector<64x256xi32>
    %sign3A_1450 = arith.constant 0 : i32
    %sign3A_1451 = vector.broadcast %sign3A_1450 : i32 to vector<64x256xi32>
    %sign3A_1452 = arith.cmpi slt, %select_n3A_1277, %sign3A_1451 : vector<64x256xi32>
    %sign3A_1453 = arith.extui %sign3A_1452 : vector<64x256xi1> to vector<64x256xi32>
    %sign3A_1454 = arith.subi %sign3A_1449, %sign3A_1453 : vector<64x256xi32>
    %sign3A_1455 = arith.constant 0 : i32
    %sign3A_1456 = arith.cmpi sgt, %jit3A_1443, %sign3A_1455 : i32
    %sign3A_1457 = arith.extui %sign3A_1456 : i1 to i32
    %sign3A_1458 = arith.constant 0 : i32
    %sign3A_1459 = arith.cmpi slt, %jit3A_1443, %sign3A_1458 : i32
    %sign3A_1460 = arith.extui %sign3A_1459 : i1 to i32
    %sign3A_1461 = arith.subi %sign3A_1457, %sign3A_1460 : i32
    %ne3A_1462 = vector.broadcast %sign3A_1461 : i32 to vector<64x256xi32>
    %ne3A_1463 = arith.cmpi ne, %sign3A_1454, %ne3A_1462 : vector<64x256xi32>
    %rem3A_1464 = vector.broadcast %jit3A_1443 : i32 to vector<64x256xi32>
    %rem3A_1465 = arith.remsi %select_n3A_1277, %rem3A_1464 : vector<64x256xi32>
    %ne3A_1466 = arith.constant 0 : i32
    %ne3A_1467 = vector.broadcast %ne3A_1466 : i32 to vector<64x256xi32>
    %ne3A_1468 = arith.cmpi ne, %rem3A_1465, %ne3A_1467 : vector<64x256xi32>
    %and3A_1469 = arith.andi %ne3A_1463, %ne3A_1468 : vector<64x256xi1>
    %sub3A_1470 = arith.constant 1 : i32
    %sub3A_1471 = vector.broadcast %sub3A_1470 : i32 to vector<64x256xi32>
    %sub3A_1472 = arith.subi %div3A_1445, %sub3A_1471 : vector<64x256xi32>
    %select_n3A_1473 = arith.select %and3A_1469, %sub3A_1472, %div3A_1445 : vector<64x256xi1>, vector<64x256xi32>
    %eq3A_1474 = arith.cmpi eq, %select_n3A_1330, %select_n3A_1473 : vector<64x256xi32>
    %and3A_1475 = arith.andi %and3A_1442, %eq3A_1474 : vector<64x256xi1>
    %convert_element_type3A_1476 = arith.extui %and3A_1475 : vector<64x256xi1> to vector<64x256xi32>
    %convert_element_type3A_1477 = arith.sitofp %convert_element_type3A_1476 : vector<64x256xi32> to vector<64x256xf32>
    %convert_element_type3A_1478 = arith.truncf %convert_element_type3A_1477 : vector<64x256xf32> to vector<64x256xbf16>
    %ge3A_1479 = arith.constant 8 : i32
    %ge3A_1480 = vector.broadcast %ge3A_1479 : i32 to vector<64x256xi32>
    %ge3A_1481 = arith.cmpi sge, %select_n3A_1299, %ge3A_1480 : vector<64x256xi32>
    %sub3A_1482 = arith.constant 8 : i32
    %sub3A_1483 = vector.broadcast %sub3A_1482 : i32 to vector<64x256xi32>
    %sub3A_1484 = arith.subi %select_n3A_1299, %sub3A_1483 : vector<64x256xi32>
    %eq3A_1485 = arith.cmpi eq, %select_n3A_1352, %sub3A_1484 : vector<64x256xi32>
    %and3A_1486 = arith.andi %ge3A_1481, %eq3A_1485 : vector<64x256xi1>
    %jit3A_1487 = arith.constant 2 : i32
    %div3A_1488 = vector.broadcast %jit3A_1487 : i32 to vector<64x256xi32>
    %div3A_1489 = arith.divsi %select_n3A_1277, %div3A_1488 : vector<64x256xi32>
    %sign3A_1490 = arith.constant 0 : i32
    %sign3A_1491 = vector.broadcast %sign3A_1490 : i32 to vector<64x256xi32>
    %sign3A_1492 = arith.cmpi sgt, %select_n3A_1277, %sign3A_1491 : vector<64x256xi32>
    %sign3A_1493 = arith.extui %sign3A_1492 : vector<64x256xi1> to vector<64x256xi32>
    %sign3A_1494 = arith.constant 0 : i32
    %sign3A_1495 = vector.broadcast %sign3A_1494 : i32 to vector<64x256xi32>
    %sign3A_1496 = arith.cmpi slt, %select_n3A_1277, %sign3A_1495 : vector<64x256xi32>
    %sign3A_1497 = arith.extui %sign3A_1496 : vector<64x256xi1> to vector<64x256xi32>
    %sign3A_1498 = arith.subi %sign3A_1493, %sign3A_1497 : vector<64x256xi32>
    %sign3A_1499 = arith.constant 0 : i32
    %sign3A_1500 = arith.cmpi sgt, %jit3A_1487, %sign3A_1499 : i32
    %sign3A_1501 = arith.extui %sign3A_1500 : i1 to i32
    %sign3A_1502 = arith.constant 0 : i32
    %sign3A_1503 = arith.cmpi slt, %jit3A_1487, %sign3A_1502 : i32
    %sign3A_1504 = arith.extui %sign3A_1503 : i1 to i32
    %sign3A_1505 = arith.subi %sign3A_1501, %sign3A_1504 : i32
    %ne3A_1506 = vector.broadcast %sign3A_1505 : i32 to vector<64x256xi32>
    %ne3A_1507 = arith.cmpi ne, %sign3A_1498, %ne3A_1506 : vector<64x256xi32>
    %rem3A_1508 = vector.broadcast %jit3A_1487 : i32 to vector<64x256xi32>
    %rem3A_1509 = arith.remsi %select_n3A_1277, %rem3A_1508 : vector<64x256xi32>
    %ne3A_1510 = arith.constant 0 : i32
    %ne3A_1511 = vector.broadcast %ne3A_1510 : i32 to vector<64x256xi32>
    %ne3A_1512 = arith.cmpi ne, %rem3A_1509, %ne3A_1511 : vector<64x256xi32>
    %and3A_1513 = arith.andi %ne3A_1507, %ne3A_1512 : vector<64x256xi1>
    %sub3A_1514 = arith.constant 1 : i32
    %sub3A_1515 = vector.broadcast %sub3A_1514 : i32 to vector<64x256xi32>
    %sub3A_1516 = arith.subi %div3A_1489, %sub3A_1515 : vector<64x256xi32>
    %select_n3A_1517 = arith.select %and3A_1513, %sub3A_1516, %div3A_1489 : vector<64x256xi1>, vector<64x256xi32>
    %eq3A_1518 = arith.cmpi eq, %select_n3A_1330, %select_n3A_1517 : vector<64x256xi32>
    %and3A_1519 = arith.andi %and3A_1486, %eq3A_1518 : vector<64x256xi1>
    %convert_element_type3A_1520 = arith.extui %and3A_1519 : vector<64x256xi1> to vector<64x256xi32>
    %convert_element_type3A_1521 = arith.sitofp %convert_element_type3A_1520 : vector<64x256xi32> to vector<64x256xf32>
    %convert_element_type3A_1522 = arith.truncf %convert_element_type3A_1521 : vector<64x256xf32> to vector<64x256xbf16>
    %convert_element_type3A_1523 = arith.truncf %dot_general3A_1242 : vector<48x64xf32> to vector<48x64xbf16>
    %convert_element_type3A_1524 = arith.extf %convert_element_type3A_1523 : vector<48x64xbf16> to vector<48x64xf32>
    %sub3A_1525 = arith.subf %dot_general3A_1242, %convert_element_type3A_1524 : vector<48x64xf32>
    %convert_element_type3A_1526 = arith.truncf %sub3A_1525 : vector<48x64xf32> to vector<48x64xbf16>
    %convert_element_type3A_1527 = arith.truncf %dot_general3A_1244 : vector<48x64xf32> to vector<48x64xbf16>
    %convert_element_type3A_1528 = arith.extf %convert_element_type3A_1527 : vector<48x64xbf16> to vector<48x64xf32>
    %sub3A_1529 = arith.subf %dot_general3A_1244, %convert_element_type3A_1528 : vector<48x64xf32>
    %convert_element_type3A_1530 = arith.truncf %sub3A_1529 : vector<48x64xf32> to vector<48x64xbf16>
    %dot_general3A_1531 = arith.constant dense<0.000000e+00> : vector<48x256xf32>
    %dot_general3A_1532 = tpu.matmul %convert_element_type3A_1523, %convert_element_type3A_1393, %dot_general3A_1531 {dimension_numbers = #tpu.dot_dimension_numbers<[1], [0], [0], [1], [0, 0, 1, 1], [], []>, transpose_lhs_hint = false} : vector<48x64xbf16>, vector<64x256xbf16>, vector<48x256xf32> -> vector<48x256xf32>
    %dot_general3A_1533 = arith.constant dense<0.000000e+00> : vector<48x256xf32>
    %dot_general3A_1534 = tpu.matmul %convert_element_type3A_1526, %convert_element_type3A_1393, %dot_general3A_1533 {dimension_numbers = #tpu.dot_dimension_numbers<[1], [0], [0], [1], [0, 0, 1, 1], [], []>, transpose_lhs_hint = false} : vector<48x64xbf16>, vector<64x256xbf16>, vector<48x256xf32> -> vector<48x256xf32>
    %add3A_1535 = arith.addf %dot_general3A_1532, %dot_general3A_1534 : vector<48x256xf32>
    %dot_general3A_1536 = arith.constant dense<0.000000e+00> : vector<48x256xf32>
    %dot_general3A_1537 = tpu.matmul %convert_element_type3A_1527, %convert_element_type3A_1437, %dot_general3A_1536 {dimension_numbers = #tpu.dot_dimension_numbers<[1], [0], [0], [1], [0, 0, 1, 1], [], []>, transpose_lhs_hint = false} : vector<48x64xbf16>, vector<64x256xbf16>, vector<48x256xf32> -> vector<48x256xf32>
    %add3A_1538 = arith.addf %add3A_1535, %dot_general3A_1537 : vector<48x256xf32>
    %dot_general3A_1539 = arith.constant dense<0.000000e+00> : vector<48x256xf32>
    %dot_general3A_1540 = tpu.matmul %convert_element_type3A_1530, %convert_element_type3A_1437, %dot_general3A_1539 {dimension_numbers = #tpu.dot_dimension_numbers<[1], [0], [0], [1], [0, 0, 1, 1], [], []>, transpose_lhs_hint = false} : vector<48x64xbf16>, vector<64x256xbf16>, vector<48x256xf32> -> vector<48x256xf32>
    %add3A_1541 = arith.addf %add3A_1538, %dot_general3A_1540 : vector<48x256xf32>
    %dot_general3A_1542 = arith.constant dense<0.000000e+00> : vector<48x256xf32>
    %dot_general3A_1543 = tpu.matmul %convert_element_type3A_1523, %convert_element_type3A_1478, %dot_general3A_1542 {dimension_numbers = #tpu.dot_dimension_numbers<[1], [0], [0], [1], [0, 0, 1, 1], [], []>, transpose_lhs_hint = false} : vector<48x64xbf16>, vector<64x256xbf16>, vector<48x256xf32> -> vector<48x256xf32>
    %dot_general3A_1544 = arith.constant dense<0.000000e+00> : vector<48x256xf32>
    %dot_general3A_1545 = tpu.matmul %convert_element_type3A_1526, %convert_element_type3A_1478, %dot_general3A_1544 {dimension_numbers = #tpu.dot_dimension_numbers<[1], [0], [0], [1], [0, 0, 1, 1], [], []>, transpose_lhs_hint = false} : vector<48x64xbf16>, vector<64x256xbf16>, vector<48x256xf32> -> vector<48x256xf32>
    %add3A_1546 = arith.addf %dot_general3A_1543, %dot_general3A_1545 : vector<48x256xf32>
    %dot_general3A_1547 = arith.constant dense<0.000000e+00> : vector<48x256xf32>
    %dot_general3A_1548 = tpu.matmul %convert_element_type3A_1527, %convert_element_type3A_1522, %dot_general3A_1547 {dimension_numbers = #tpu.dot_dimension_numbers<[1], [0], [0], [1], [0, 0, 1, 1], [], []>, transpose_lhs_hint = false} : vector<48x64xbf16>, vector<64x256xbf16>, vector<48x256xf32> -> vector<48x256xf32>
    %add3A_1549 = arith.addf %add3A_1546, %dot_general3A_1548 : vector<48x256xf32>
    %dot_general3A_1550 = arith.constant dense<0.000000e+00> : vector<48x256xf32>
    %dot_general3A_1551 = tpu.matmul %convert_element_type3A_1530, %convert_element_type3A_1522, %dot_general3A_1550 {dimension_numbers = #tpu.dot_dimension_numbers<[1], [0], [0], [1], [0, 0, 1, 1], [], []>, transpose_lhs_hint = false} : vector<48x64xbf16>, vector<64x256xbf16>, vector<48x256xf32> -> vector<48x256xf32>
    %add3A_1552 = arith.addf %add3A_1549, %dot_general3A_1551 : vector<48x256xf32>
    %broadcast_in_dim3A_1553 = vector.shape_cast %eq3A_296 : vector<48x1xi1> to vector<48x1xi1>
    %broadcast_in_dim3A_1554 = vector.broadcast %broadcast_in_dim3A_1553 : vector<48x1xi1> to vector<48x256xi1>
    %select_n3A_1555 = arith.select %broadcast_in_dim3A_1554, %add3A_1541, %add3A_1552 : vector<48x256xi1>, vector<48x256xf32>
    %slice3A = vector.extract_strided_slice %mul3A_147 {offsets = [0, 0], sizes = [8, 48], strides = [1, 1]} : vector<48x48xf32> to vector<8x48xf32>
    %dot_general3A_1556 = arith.constant dense<0.000000e+00> : vector<8x256xf32>
    %dot_general3A_1557 = tpu.matmul %slice3A, %select_n3A_1555, %dot_general3A_1556 {dimension_numbers = #tpu.dot_dimension_numbers<[1], [0], [0], [1], [0, 0, 1, 1], [], []>, precision = #tpu.contract_precision<fp32>, transpose_lhs_hint = false} : vector<8x48xf32>, vector<48x256xf32>, vector<8x256xf32> -> vector<8x256xf32>
    %slice3A_1558 = vector.extract_strided_slice %mul3A_162 {offsets = [0, 0], sizes = [8, 48], strides = [1, 1]} : vector<48x48xf32> to vector<8x48xf32>
    %dot_general3A_1559 = arith.constant dense<0.000000e+00> : vector<8x256xf32>
    %dot_general3A_1560 = tpu.matmul %slice3A_1558, %select_n3A_1555, %dot_general3A_1559 {dimension_numbers = #tpu.dot_dimension_numbers<[1], [0], [0], [1], [0, 0, 1, 1], [], []>, precision = #tpu.contract_precision<fp32>, transpose_lhs_hint = false} : vector<8x48xf32>, vector<48x256xf32>, vector<8x256xf32> -> vector<8x256xf32>
    %iota3A_1561 = tpu.iota {dimensions = array<i32: 1>} : vector<16x256xi32>
    %jit3A_1562 = arith.constant 16 : i32
    %div3A_1563 = vector.broadcast %jit3A_1562 : i32 to vector<16x256xi32>
    %div3A_1564 = arith.divsi %iota3A_1561, %div3A_1563 : vector<16x256xi32>
    %sign3A_1565 = arith.constant 0 : i32
    %sign3A_1566 = vector.broadcast %sign3A_1565 : i32 to vector<16x256xi32>
    %sign3A_1567 = arith.cmpi sgt, %iota3A_1561, %sign3A_1566 : vector<16x256xi32>
    %sign3A_1568 = arith.extui %sign3A_1567 : vector<16x256xi1> to vector<16x256xi32>
    %sign3A_1569 = arith.constant 0 : i32
    %sign3A_1570 = vector.broadcast %sign3A_1569 : i32 to vector<16x256xi32>
    %sign3A_1571 = arith.cmpi slt, %iota3A_1561, %sign3A_1570 : vector<16x256xi32>
    %sign3A_1572 = arith.extui %sign3A_1571 : vector<16x256xi1> to vector<16x256xi32>
    %sign3A_1573 = arith.subi %sign3A_1568, %sign3A_1572 : vector<16x256xi32>
    %sign3A_1574 = arith.constant 0 : i32
    %sign3A_1575 = arith.cmpi sgt, %jit3A_1562, %sign3A_1574 : i32
    %sign3A_1576 = arith.extui %sign3A_1575 : i1 to i32
    %sign3A_1577 = arith.constant 0 : i32
    %sign3A_1578 = arith.cmpi slt, %jit3A_1562, %sign3A_1577 : i32
    %sign3A_1579 = arith.extui %sign3A_1578 : i1 to i32
    %sign3A_1580 = arith.subi %sign3A_1576, %sign3A_1579 : i32
    %ne3A_1581 = vector.broadcast %sign3A_1580 : i32 to vector<16x256xi32>
    %ne3A_1582 = arith.cmpi ne, %sign3A_1573, %ne3A_1581 : vector<16x256xi32>
    %rem3A_1583 = vector.broadcast %jit3A_1562 : i32 to vector<16x256xi32>
    %rem3A_1584 = arith.remsi %iota3A_1561, %rem3A_1583 : vector<16x256xi32>
    %ne3A_1585 = arith.constant 0 : i32
    %ne3A_1586 = vector.broadcast %ne3A_1585 : i32 to vector<16x256xi32>
    %ne3A_1587 = arith.cmpi ne, %rem3A_1584, %ne3A_1586 : vector<16x256xi32>
    %and3A_1588 = arith.andi %ne3A_1582, %ne3A_1587 : vector<16x256xi1>
    %sub3A_1589 = arith.constant 1 : i32
    %sub3A_1590 = vector.broadcast %sub3A_1589 : i32 to vector<16x256xi32>
    %sub3A_1591 = arith.subi %div3A_1564, %sub3A_1590 : vector<16x256xi32>
    %select_n3A_1592 = arith.select %and3A_1588, %sub3A_1591, %div3A_1564 : vector<16x256xi1>, vector<16x256xi32>
    %iota3A_1593 = tpu.iota {dimensions = array<i32: 0>} : vector<16x256xi32>
    %eq3A_1594 = arith.cmpi eq, %select_n3A_1592, %iota3A_1593 : vector<16x256xi32>
    %convert_element_type3A_1595 = arith.extui %eq3A_1594 : vector<16x256xi1> to vector<16x256xi32>
    %convert_element_type3A_1596 = arith.sitofp %convert_element_type3A_1595 : vector<16x256xi32> to vector<16x256xf32>
    %iota3A_1597 = tpu.iota {dimensions = array<i32: 0>} : vector<256x16xi32>
    %jit3A_1598 = arith.constant 16 : i32
    %eq3A_1599 = arith.constant 0 : i32
    %eq3A_1600 = arith.cmpi eq, %jit3A_1598, %eq3A_1599 : i32
    %jit3A_1601 = arith.constant 1 : i32
    %select_n3A_1602 = arith.select %eq3A_1600, %jit3A_1601, %jit3A_1598 : i32
    %rem3A_1603 = vector.broadcast %select_n3A_1602 : i32 to vector<256x16xi32>
    %rem3A_1604 = arith.remsi %iota3A_1597, %rem3A_1603 : vector<256x16xi32>
    %ne3A_1605 = arith.constant 0 : i32
    %ne3A_1606 = vector.broadcast %ne3A_1605 : i32 to vector<256x16xi32>
    %ne3A_1607 = arith.cmpi ne, %rem3A_1604, %ne3A_1606 : vector<256x16xi32>
    %lt3A_1608 = arith.constant 0 : i32
    %lt3A_1609 = vector.broadcast %lt3A_1608 : i32 to vector<256x16xi32>
    %lt3A_1610 = arith.cmpi slt, %rem3A_1604, %lt3A_1609 : vector<256x16xi32>
    %lt3A_1611 = arith.constant 0 : i32
    %lt3A_1612 = arith.cmpi slt, %select_n3A_1602, %lt3A_1611 : i32
    %ne3A_1613 = vector.broadcast %lt3A_1612 : i1 to vector<256x16xi1>
    %ne3A_1614 = vector.broadcast %ne3A_1613 : vector<256x16xi1> to vector<256x16xi1>
    %ne3A_1615 = arith.xori %lt3A_1610, %ne3A_1614 : vector<256x16xi1>
    %and3A_1616 = arith.andi %ne3A_1615, %ne3A_1607 : vector<256x16xi1>
    %add3A_1617 = vector.broadcast %select_n3A_1602 : i32 to vector<256x16xi32>
    %add3A_1618 = arith.addi %rem3A_1604, %add3A_1617 : vector<256x16xi32>
    %select_n3A_1619 = arith.select %and3A_1616, %add3A_1618, %rem3A_1604 : vector<256x16xi1>, vector<256x16xi32>
    %iota3A_1620 = tpu.iota {dimensions = array<i32: 1>} : vector<256x16xi32>
    %eq3A_1621 = arith.cmpi eq, %select_n3A_1619, %iota3A_1620 : vector<256x16xi32>
    %convert_element_type3A_1622 = arith.extui %eq3A_1621 : vector<256x16xi1> to vector<256x16xi32>
    %convert_element_type3A_1623 = arith.sitofp %convert_element_type3A_1622 : vector<256x16xi32> to vector<256x16xf32>
    %convert_element_type3A_1624 = arith.truncf %convert_element_type3A_1623 : vector<256x16xf32> to vector<256x16xbf16>
    %iota3A_1625 = tpu.iota {dimensions = array<i32: 1>} : vector<128x16xi32>
    %iota3A_1626 = tpu.iota {dimensions = array<i32: 0>} : vector<128x16xi32>
    %jit3A_1627 = arith.constant 8 : i32
    %div3A_1628 = vector.broadcast %jit3A_1627 : i32 to vector<128x16xi32>
    %div3A_1629 = arith.divsi %iota3A_1626, %div3A_1628 : vector<128x16xi32>
    %sign3A_1630 = arith.constant 0 : i32
    %sign3A_1631 = vector.broadcast %sign3A_1630 : i32 to vector<128x16xi32>
    %sign3A_1632 = arith.cmpi sgt, %iota3A_1626, %sign3A_1631 : vector<128x16xi32>
    %sign3A_1633 = arith.extui %sign3A_1632 : vector<128x16xi1> to vector<128x16xi32>
    %sign3A_1634 = arith.constant 0 : i32
    %sign3A_1635 = vector.broadcast %sign3A_1634 : i32 to vector<128x16xi32>
    %sign3A_1636 = arith.cmpi slt, %iota3A_1626, %sign3A_1635 : vector<128x16xi32>
    %sign3A_1637 = arith.extui %sign3A_1636 : vector<128x16xi1> to vector<128x16xi32>
    %sign3A_1638 = arith.subi %sign3A_1633, %sign3A_1637 : vector<128x16xi32>
    %sign3A_1639 = arith.constant 0 : i32
    %sign3A_1640 = arith.cmpi sgt, %jit3A_1627, %sign3A_1639 : i32
    %sign3A_1641 = arith.extui %sign3A_1640 : i1 to i32
    %sign3A_1642 = arith.constant 0 : i32
    %sign3A_1643 = arith.cmpi slt, %jit3A_1627, %sign3A_1642 : i32
    %sign3A_1644 = arith.extui %sign3A_1643 : i1 to i32
    %sign3A_1645 = arith.subi %sign3A_1641, %sign3A_1644 : i32
    %ne3A_1646 = vector.broadcast %sign3A_1645 : i32 to vector<128x16xi32>
    %ne3A_1647 = arith.cmpi ne, %sign3A_1638, %ne3A_1646 : vector<128x16xi32>
    %rem3A_1648 = vector.broadcast %jit3A_1627 : i32 to vector<128x16xi32>
    %rem3A_1649 = arith.remsi %iota3A_1626, %rem3A_1648 : vector<128x16xi32>
    %ne3A_1650 = arith.constant 0 : i32
    %ne3A_1651 = vector.broadcast %ne3A_1650 : i32 to vector<128x16xi32>
    %ne3A_1652 = arith.cmpi ne, %rem3A_1649, %ne3A_1651 : vector<128x16xi32>
    %and3A_1653 = arith.andi %ne3A_1647, %ne3A_1652 : vector<128x16xi1>
    %sub3A_1654 = arith.constant 1 : i32
    %sub3A_1655 = vector.broadcast %sub3A_1654 : i32 to vector<128x16xi32>
    %sub3A_1656 = arith.subi %div3A_1629, %sub3A_1655 : vector<128x16xi32>
    %select_n3A_1657 = arith.select %and3A_1653, %sub3A_1656, %div3A_1629 : vector<128x16xi1>, vector<128x16xi32>
    %eq3A_1658 = arith.cmpi eq, %iota3A_1625, %select_n3A_1657 : vector<128x16xi32>
    %convert_element_type3A_1659 = arith.extui %eq3A_1658 : vector<128x16xi1> to vector<128x16xi32>
    %convert_element_type3A_1660 = arith.sitofp %convert_element_type3A_1659 : vector<128x16xi32> to vector<128x16xf32>
    %convert_element_type3A_1661 = arith.truncf %convert_element_type3A_1660 : vector<128x16xf32> to vector<128x16xbf16>
    %iota3A_1662 = tpu.iota {dimensions = array<i32: 0>} : vector<16x256xi32>
    %iota3A_1663 = tpu.iota {dimensions = array<i32: 1>} : vector<16x256xi32>
    %jit3A_1664 = arith.constant 16 : i32
    %div3A_1665 = vector.broadcast %jit3A_1664 : i32 to vector<16x256xi32>
    %div3A_1666 = arith.divsi %iota3A_1663, %div3A_1665 : vector<16x256xi32>
    %sign3A_1667 = arith.constant 0 : i32
    %sign3A_1668 = vector.broadcast %sign3A_1667 : i32 to vector<16x256xi32>
    %sign3A_1669 = arith.cmpi sgt, %iota3A_1663, %sign3A_1668 : vector<16x256xi32>
    %sign3A_1670 = arith.extui %sign3A_1669 : vector<16x256xi1> to vector<16x256xi32>
    %sign3A_1671 = arith.constant 0 : i32
    %sign3A_1672 = vector.broadcast %sign3A_1671 : i32 to vector<16x256xi32>
    %sign3A_1673 = arith.cmpi slt, %iota3A_1663, %sign3A_1672 : vector<16x256xi32>
    %sign3A_1674 = arith.extui %sign3A_1673 : vector<16x256xi1> to vector<16x256xi32>
    %sign3A_1675 = arith.subi %sign3A_1670, %sign3A_1674 : vector<16x256xi32>
    %sign3A_1676 = arith.constant 0 : i32
    %sign3A_1677 = arith.cmpi sgt, %jit3A_1664, %sign3A_1676 : i32
    %sign3A_1678 = arith.extui %sign3A_1677 : i1 to i32
    %sign3A_1679 = arith.constant 0 : i32
    %sign3A_1680 = arith.cmpi slt, %jit3A_1664, %sign3A_1679 : i32
    %sign3A_1681 = arith.extui %sign3A_1680 : i1 to i32
    %sign3A_1682 = arith.subi %sign3A_1678, %sign3A_1681 : i32
    %ne3A_1683 = vector.broadcast %sign3A_1682 : i32 to vector<16x256xi32>
    %ne3A_1684 = arith.cmpi ne, %sign3A_1675, %ne3A_1683 : vector<16x256xi32>
    %rem3A_1685 = vector.broadcast %jit3A_1664 : i32 to vector<16x256xi32>
    %rem3A_1686 = arith.remsi %iota3A_1663, %rem3A_1685 : vector<16x256xi32>
    %ne3A_1687 = arith.constant 0 : i32
    %ne3A_1688 = vector.broadcast %ne3A_1687 : i32 to vector<16x256xi32>
    %ne3A_1689 = arith.cmpi ne, %rem3A_1686, %ne3A_1688 : vector<16x256xi32>
    %and3A_1690 = arith.andi %ne3A_1684, %ne3A_1689 : vector<16x256xi1>
    %sub3A_1691 = arith.constant 1 : i32
    %sub3A_1692 = vector.broadcast %sub3A_1691 : i32 to vector<16x256xi32>
    %sub3A_1693 = arith.subi %div3A_1666, %sub3A_1692 : vector<16x256xi32>
    %select_n3A_1694 = arith.select %and3A_1690, %sub3A_1693, %div3A_1666 : vector<16x256xi1>, vector<16x256xi32>
    %eq3A_1695 = arith.cmpi eq, %iota3A_1662, %select_n3A_1694 : vector<16x256xi32>
    %convert_element_type3A_1696 = arith.extui %eq3A_1695 : vector<16x256xi1> to vector<16x256xi32>
    %convert_element_type3A_1697 = arith.sitofp %convert_element_type3A_1696 : vector<16x256xi32> to vector<16x256xf32>
    %convert_element_type3A_1698 = arith.truncf %convert_element_type3A_1697 : vector<16x256xf32> to vector<16x256xbf16>
    %slice3A_1699 = vector.extract_strided_slice %dot_general3A_1557 {offsets = [0, 0], sizes = [1, 256], strides = [1, 1]} : vector<8x256xf32> to vector<1x256xf32>
    %mul3A_1700 = vector.broadcast %slice3A_1699 : vector<1x256xf32> to vector<16x256xf32>
    %mul3A_1701 = arith.mulf %convert_element_type3A_1596, %mul3A_1700 : vector<16x256xf32>
    %convert_element_type3A_1702 = arith.truncf %mul3A_1701 : vector<16x256xf32> to vector<16x256xbf16>
    %convert_element_type3A_1703 = arith.extf %convert_element_type3A_1702 : vector<16x256xbf16> to vector<16x256xf32>
    %sub3A_1704 = arith.subf %mul3A_1701, %convert_element_type3A_1703 : vector<16x256xf32>
    %convert_element_type3A_1705 = arith.truncf %sub3A_1704 : vector<16x256xf32> to vector<16x256xbf16>
    %dot_general3A_1706 = arith.constant dense<0.000000e+00> : vector<16x16xf32>
    %dot_general3A_1707 = tpu.matmul %convert_element_type3A_1702, %convert_element_type3A_1624, %dot_general3A_1706 {dimension_numbers = #tpu.dot_dimension_numbers<[1], [0], [0], [1], [0, 0, 1, 1], [], []>, transpose_lhs_hint = false} : vector<16x256xbf16>, vector<256x16xbf16>, vector<16x16xf32> -> vector<16x16xf32>
    %dot_general3A_1708 = arith.constant dense<0.000000e+00> : vector<16x16xf32>
    %dot_general3A_1709 = tpu.matmul %convert_element_type3A_1705, %convert_element_type3A_1624, %dot_general3A_1708 {dimension_numbers = #tpu.dot_dimension_numbers<[1], [0], [0], [1], [0, 0, 1, 1], [], []>, transpose_lhs_hint = false} : vector<16x256xbf16>, vector<256x16xbf16>, vector<16x16xf32> -> vector<16x16xf32>
    %add3A_1710 = arith.addf %dot_general3A_1707, %dot_general3A_1709 : vector<16x16xf32>
    %slice3A_1711 = vector.extract_strided_slice %dot_general3A_1560 {offsets = [0, 0], sizes = [1, 256], strides = [1, 1]} : vector<8x256xf32> to vector<1x256xf32>
    %mul3A_1712 = vector.broadcast %slice3A_1711 : vector<1x256xf32> to vector<16x256xf32>
    %mul3A_1713 = arith.mulf %convert_element_type3A_1596, %mul3A_1712 : vector<16x256xf32>
    %convert_element_type3A_1714 = arith.truncf %mul3A_1713 : vector<16x256xf32> to vector<16x256xbf16>
    %convert_element_type3A_1715 = arith.extf %convert_element_type3A_1714 : vector<16x256xbf16> to vector<16x256xf32>
    %sub3A_1716 = arith.subf %mul3A_1713, %convert_element_type3A_1715 : vector<16x256xf32>
    %convert_element_type3A_1717 = arith.truncf %sub3A_1716 : vector<16x256xf32> to vector<16x256xbf16>
    %dot_general3A_1718 = arith.constant dense<0.000000e+00> : vector<16x16xf32>
    %dot_general3A_1719 = tpu.matmul %convert_element_type3A_1714, %convert_element_type3A_1624, %dot_general3A_1718 {dimension_numbers = #tpu.dot_dimension_numbers<[1], [0], [0], [1], [0, 0, 1, 1], [], []>, transpose_lhs_hint = false} : vector<16x256xbf16>, vector<256x16xbf16>, vector<16x16xf32> -> vector<16x16xf32>
    %dot_general3A_1720 = arith.constant dense<0.000000e+00> : vector<16x16xf32>
    %dot_general3A_1721 = tpu.matmul %convert_element_type3A_1717, %convert_element_type3A_1624, %dot_general3A_1720 {dimension_numbers = #tpu.dot_dimension_numbers<[1], [0], [0], [1], [0, 0, 1, 1], [], []>, transpose_lhs_hint = false} : vector<16x256xbf16>, vector<256x16xbf16>, vector<16x16xf32> -> vector<16x16xf32>
    %add3A_1722 = arith.addf %dot_general3A_1719, %dot_general3A_1721 : vector<16x16xf32>
    %convert_element_type3A_1723 = arith.truncf %add3A_1710 : vector<16x16xf32> to vector<16x16xbf16>
    %convert_element_type3A_1724 = arith.extf %convert_element_type3A_1723 : vector<16x16xbf16> to vector<16x16xf32>
    %sub3A_1725 = arith.subf %add3A_1710, %convert_element_type3A_1724 : vector<16x16xf32>
    %convert_element_type3A_1726 = arith.truncf %sub3A_1725 : vector<16x16xf32> to vector<16x16xbf16>
    %dot_general3A_1727 = arith.constant dense<0.000000e+00> : vector<16x256xf32>
    %dot_general3A_1728 = tpu.matmul %convert_element_type3A_1723, %convert_element_type3A_1698, %dot_general3A_1727 {dimension_numbers = #tpu.dot_dimension_numbers<[1], [0], [0], [1], [0, 0, 1, 1], [], []>, transpose_lhs_hint = false} : vector<16x16xbf16>, vector<16x256xbf16>, vector<16x256xf32> -> vector<16x256xf32>
    %dot_general3A_1729 = arith.constant dense<0.000000e+00> : vector<16x256xf32>
    %dot_general3A_1730 = tpu.matmul %convert_element_type3A_1726, %convert_element_type3A_1698, %dot_general3A_1729 {dimension_numbers = #tpu.dot_dimension_numbers<[1], [0], [0], [1], [0, 0, 1, 1], [], []>, transpose_lhs_hint = false} : vector<16x16xbf16>, vector<16x256xbf16>, vector<16x256xf32> -> vector<16x256xf32>
    %add3A_1731 = arith.addf %dot_general3A_1728, %dot_general3A_1730 : vector<16x256xf32>
    %convert_element_type3A_1732 = arith.truncf %add3A_1731 : vector<16x256xf32> to vector<16x256xbf16>
    %convert_element_type3A_1733 = arith.extf %convert_element_type3A_1732 : vector<16x256xbf16> to vector<16x256xf32>
    %sub3A_1734 = arith.subf %add3A_1731, %convert_element_type3A_1733 : vector<16x256xf32>
    %convert_element_type3A_1735 = arith.truncf %sub3A_1734 : vector<16x256xf32> to vector<16x256xbf16>
    %dot_general3A_1736 = arith.constant dense<0.000000e+00> : vector<128x256xf32>
    %dot_general3A_1737 = tpu.matmul %convert_element_type3A_1661, %convert_element_type3A_1732, %dot_general3A_1736 {dimension_numbers = #tpu.dot_dimension_numbers<[1], [0], [0], [1], [0, 0, 1, 1], [], []>, transpose_lhs_hint = false} : vector<128x16xbf16>, vector<16x256xbf16>, vector<128x256xf32> -> vector<128x256xf32>
    %dot_general3A_1738 = arith.constant dense<0.000000e+00> : vector<128x256xf32>
    %dot_general3A_1739 = tpu.matmul %convert_element_type3A_1661, %convert_element_type3A_1735, %dot_general3A_1738 {dimension_numbers = #tpu.dot_dimension_numbers<[1], [0], [0], [1], [0, 0, 1, 1], [], []>, transpose_lhs_hint = false} : vector<128x16xbf16>, vector<16x256xbf16>, vector<128x256xf32> -> vector<128x256xf32>
    %add3A_1740 = arith.addf %dot_general3A_1737, %dot_general3A_1739 : vector<128x256xf32>
    %swap3A = arith.constant 0 : index
    %swap3A_1741 = arith.constant 0 : index
    %swap3A_1742 = arith.constant 0 : index
    %swap3A_1743 = vector.load %arg2[%swap3A, %swap3A_1741, %swap3A_1742] : memref<3x256x256xf32, #tpu.memory_space<vmem>>, vector<1x128x256xf32>
    %swap3A_1744 = vector.shape_cast %swap3A_1743 : vector<1x128x256xf32> to vector<128x256xf32>
    %swap3A_1745 = vector.shape_cast %add3A_1740 : vector<128x256xf32> to vector<1x128x256xf32>
    tpu.vector_store %arg2[%swap3A, %swap3A_1741, %swap3A_1742], %swap3A_1745 {strides = array<i32>} : memref<3x256x256xf32, #tpu.memory_space<vmem>>, vector<1x128x256xf32>,
    %convert_element_type3A_1746 = arith.truncf %add3A_1722 : vector<16x16xf32> to vector<16x16xbf16>
    %convert_element_type3A_1747 = arith.extf %convert_element_type3A_1746 : vector<16x16xbf16> to vector<16x16xf32>
    %sub3A_1748 = arith.subf %add3A_1722, %convert_element_type3A_1747 : vector<16x16xf32>
    %convert_element_type3A_1749 = arith.truncf %sub3A_1748 : vector<16x16xf32> to vector<16x16xbf16>
    %dot_general3A_1750 = arith.constant dense<0.000000e+00> : vector<16x256xf32>
    %dot_general3A_1751 = tpu.matmul %convert_element_type3A_1746, %convert_element_type3A_1698, %dot_general3A_1750 {dimension_numbers = #tpu.dot_dimension_numbers<[1], [0], [0], [1], [0, 0, 1, 1], [], []>, transpose_lhs_hint = false} : vector<16x16xbf16>, vector<16x256xbf16>, vector<16x256xf32> -> vector<16x256xf32>
    %dot_general3A_1752 = arith.constant dense<0.000000e+00> : vector<16x256xf32>
    %dot_general3A_1753 = tpu.matmul %convert_element_type3A_1749, %convert_element_type3A_1698, %dot_general3A_1752 {dimension_numbers = #tpu.dot_dimension_numbers<[1], [0], [0], [1], [0, 0, 1, 1], [], []>, transpose_lhs_hint = false} : vector<16x16xbf16>, vector<16x256xbf16>, vector<16x256xf32> -> vector<16x256xf32>
    %add3A_1754 = arith.addf %dot_general3A_1751, %dot_general3A_1753 : vector<16x256xf32>
    %convert_element_type3A_1755 = arith.truncf %add3A_1754 : vector<16x256xf32> to vector<16x256xbf16>
    %convert_element_type3A_1756 = arith.extf %convert_element_type3A_1755 : vector<16x256xbf16> to vector<16x256xf32>
    %sub3A_1757 = arith.subf %add3A_1754, %convert_element_type3A_1756 : vector<16x256xf32>
    %convert_element_type3A_1758 = arith.truncf %sub3A_1757 : vector<16x256xf32> to vector<16x256xbf16>
    %dot_general3A_1759 = arith.constant dense<0.000000e+00> : vector<128x256xf32>
    %dot_general3A_1760 = tpu.matmul %convert_element_type3A_1661, %convert_element_type3A_1755, %dot_general3A_1759 {dimension_numbers = #tpu.dot_dimension_numbers<[1], [0], [0], [1], [0, 0, 1, 1], [], []>, transpose_lhs_hint = false} : vector<128x16xbf16>, vector<16x256xbf16>, vector<128x256xf32> -> vector<128x256xf32>
    %dot_general3A_1761 = arith.constant dense<0.000000e+00> : vector<128x256xf32>
    %dot_general3A_1762 = tpu.matmul %convert_element_type3A_1661, %convert_element_type3A_1758, %dot_general3A_1761 {dimension_numbers = #tpu.dot_dimension_numbers<[1], [0], [0], [1], [0, 0, 1, 1], [], []>, transpose_lhs_hint = false} : vector<128x16xbf16>, vector<16x256xbf16>, vector<128x256xf32> -> vector<128x256xf32>
    %add3A_1763 = arith.addf %dot_general3A_1760, %dot_general3A_1762 : vector<128x256xf32>
    %swap3A_1764 = arith.constant 0 : index
    %swap3A_1765 = arith.constant 128 : index
    %swap3A_1766 = arith.constant 0 : index
    %swap3A_1767 = vector.load %arg2[%swap3A_1764, %swap3A_1765, %swap3A_1766] : memref<3x256x256xf32, #tpu.memory_space<vmem>>, vector<1x128x256xf32>
    %swap3A_1768 = vector.shape_cast %swap3A_1767 : vector<1x128x256xf32> to vector<128x256xf32>
    %swap3A_1769 = vector.shape_cast %add3A_1763 : vector<128x256xf32> to vector<1x128x256xf32>
    tpu.vector_store %arg2[%swap3A_1764, %swap3A_1765, %swap3A_1766], %swap3A_1769 {strides = array<i32>} : memref<3x256x256xf32, #tpu.memory_space<vmem>>, vector<1x128x256xf32>,
    %slice3A_1770 = vector.extract_strided_slice %dot_general3A_1557 {offsets = [1, 0], sizes = [1, 256], strides = [1, 1]} : vector<8x256xf32> to vector<1x256xf32>
    %mul3A_1771 = vector.broadcast %slice3A_1770 : vector<1x256xf32> to vector<16x256xf32>
    %mul3A_1772 = arith.mulf %convert_element_type3A_1596, %mul3A_1771 : vector<16x256xf32>
    %convert_element_type3A_1773 = arith.truncf %mul3A_1772 : vector<16x256xf32> to vector<16x256xbf16>
    %convert_element_type3A_1774 = arith.extf %convert_element_type3A_1773 : vector<16x256xbf16> to vector<16x256xf32>
    %sub3A_1775 = arith.subf %mul3A_1772, %convert_element_type3A_1774 : vector<16x256xf32>
    %convert_element_type3A_1776 = arith.truncf %sub3A_1775 : vector<16x256xf32> to vector<16x256xbf16>
    %dot_general3A_1777 = arith.constant dense<0.000000e+00> : vector<16x16xf32>
    %dot_general3A_1778 = tpu.matmul %convert_element_type3A_1773, %convert_element_type3A_1624, %dot_general3A_1777 {dimension_numbers = #tpu.dot_dimension_numbers<[1], [0], [0], [1], [0, 0, 1, 1], [], []>, transpose_lhs_hint = false} : vector<16x256xbf16>, vector<256x16xbf16>, vector<16x16xf32> -> vector<16x16xf32>
    %dot_general3A_1779 = arith.constant dense<0.000000e+00> : vector<16x16xf32>
    %dot_general3A_1780 = tpu.matmul %convert_element_type3A_1776, %convert_element_type3A_1624, %dot_general3A_1779 {dimension_numbers = #tpu.dot_dimension_numbers<[1], [0], [0], [1], [0, 0, 1, 1], [], []>, transpose_lhs_hint = false} : vector<16x256xbf16>, vector<256x16xbf16>, vector<16x16xf32> -> vector<16x16xf32>
    %add3A_1781 = arith.addf %dot_general3A_1778, %dot_general3A_1780 : vector<16x16xf32>
    %slice3A_1782 = vector.extract_strided_slice %dot_general3A_1560 {offsets = [1, 0], sizes = [1, 256], strides = [1, 1]} : vector<8x256xf32> to vector<1x256xf32>
    %mul3A_1783 = vector.broadcast %slice3A_1782 : vector<1x256xf32> to vector<16x256xf32>
    %mul3A_1784 = arith.mulf %convert_element_type3A_1596, %mul3A_1783 : vector<16x256xf32>
    %convert_element_type3A_1785 = arith.truncf %mul3A_1784 : vector<16x256xf32> to vector<16x256xbf16>
    %convert_element_type3A_1786 = arith.extf %convert_element_type3A_1785 : vector<16x256xbf16> to vector<16x256xf32>
    %sub3A_1787 = arith.subf %mul3A_1784, %convert_element_type3A_1786 : vector<16x256xf32>
    %convert_element_type3A_1788 = arith.truncf %sub3A_1787 : vector<16x256xf32> to vector<16x256xbf16>
    %dot_general3A_1789 = arith.constant dense<0.000000e+00> : vector<16x16xf32>
    %dot_general3A_1790 = tpu.matmul %convert_element_type3A_1785, %convert_element_type3A_1624, %dot_general3A_1789 {dimension_numbers = #tpu.dot_dimension_numbers<[1], [0], [0], [1], [0, 0, 1, 1], [], []>, transpose_lhs_hint = false} : vector<16x256xbf16>, vector<256x16xbf16>, vector<16x16xf32> -> vector<16x16xf32>
    %dot_general3A_1791 = arith.constant dense<0.000000e+00> : vector<16x16xf32>
    %dot_general3A_1792 = tpu.matmul %convert_element_type3A_1788, %convert_element_type3A_1624, %dot_general3A_1791 {dimension_numbers = #tpu.dot_dimension_numbers<[1], [0], [0], [1], [0, 0, 1, 1], [], []>, transpose_lhs_hint = false} : vector<16x256xbf16>, vector<256x16xbf16>, vector<16x16xf32> -> vector<16x16xf32>
    %add3A_1793 = arith.addf %dot_general3A_1790, %dot_general3A_1792 : vector<16x16xf32>
    %convert_element_type3A_1794 = arith.truncf %add3A_1781 : vector<16x16xf32> to vector<16x16xbf16>
    %convert_element_type3A_1795 = arith.extf %convert_element_type3A_1794 : vector<16x16xbf16> to vector<16x16xf32>
    %sub3A_1796 = arith.subf %add3A_1781, %convert_element_type3A_1795 : vector<16x16xf32>
    %convert_element_type3A_1797 = arith.truncf %sub3A_1796 : vector<16x16xf32> to vector<16x16xbf16>
    %dot_general3A_1798 = arith.constant dense<0.000000e+00> : vector<16x256xf32>
    %dot_general3A_1799 = tpu.matmul %convert_element_type3A_1794, %convert_element_type3A_1698, %dot_general3A_1798 {dimension_numbers = #tpu.dot_dimension_numbers<[1], [0], [0], [1], [0, 0, 1, 1], [], []>, transpose_lhs_hint = false} : vector<16x16xbf16>, vector<16x256xbf16>, vector<16x256xf32> -> vector<16x256xf32>
    %dot_general3A_1800 = arith.constant dense<0.000000e+00> : vector<16x256xf32>
    %dot_general3A_1801 = tpu.matmul %convert_element_type3A_1797, %convert_element_type3A_1698, %dot_general3A_1800 {dimension_numbers = #tpu.dot_dimension_numbers<[1], [0], [0], [1], [0, 0, 1, 1], [], []>, transpose_lhs_hint = false} : vector<16x16xbf16>, vector<16x256xbf16>, vector<16x256xf32> -> vector<16x256xf32>
    %add3A_1802 = arith.addf %dot_general3A_1799, %dot_general3A_1801 : vector<16x256xf32>
    %convert_element_type3A_1803 = arith.truncf %add3A_1802 : vector<16x256xf32> to vector<16x256xbf16>
    %convert_element_type3A_1804 = arith.extf %convert_element_type3A_1803 : vector<16x256xbf16> to vector<16x256xf32>
    %sub3A_1805 = arith.subf %add3A_1802, %convert_element_type3A_1804 : vector<16x256xf32>
    %convert_element_type3A_1806 = arith.truncf %sub3A_1805 : vector<16x256xf32> to vector<16x256xbf16>
    %dot_general3A_1807 = arith.constant dense<0.000000e+00> : vector<128x256xf32>
    %dot_general3A_1808 = tpu.matmul %convert_element_type3A_1661, %convert_element_type3A_1803, %dot_general3A_1807 {dimension_numbers = #tpu.dot_dimension_numbers<[1], [0], [0], [1], [0, 0, 1, 1], [], []>, transpose_lhs_hint = false} : vector<128x16xbf16>, vector<16x256xbf16>, vector<128x256xf32> -> vector<128x256xf32>
    %dot_general3A_1809 = arith.constant dense<0.000000e+00> : vector<128x256xf32>
    %dot_general3A_1810 = tpu.matmul %convert_element_type3A_1661, %convert_element_type3A_1806, %dot_general3A_1809 {dimension_numbers = #tpu.dot_dimension_numbers<[1], [0], [0], [1], [0, 0, 1, 1], [], []>, transpose_lhs_hint = false} : vector<128x16xbf16>, vector<16x256xbf16>, vector<128x256xf32> -> vector<128x256xf32>
    %add3A_1811 = arith.addf %dot_general3A_1808, %dot_general3A_1810 : vector<128x256xf32>
    %swap3A_1812 = arith.constant 1 : index
    %swap3A_1813 = arith.constant 0 : index
    %swap3A_1814 = arith.constant 0 : index
    %swap3A_1815 = vector.load %arg2[%swap3A_1812, %swap3A_1813, %swap3A_1814] : memref<3x256x256xf32, #tpu.memory_space<vmem>>, vector<1x128x256xf32>
    %swap3A_1816 = vector.shape_cast %swap3A_1815 : vector<1x128x256xf32> to vector<128x256xf32>
    %swap3A_1817 = vector.shape_cast %add3A_1811 : vector<128x256xf32> to vector<1x128x256xf32>
    tpu.vector_store %arg2[%swap3A_1812, %swap3A_1813, %swap3A_1814], %swap3A_1817 {strides = array<i32>} : memref<3x256x256xf32, #tpu.memory_space<vmem>>, vector<1x128x256xf32>,
    %convert_element_type3A_1818 = arith.truncf %add3A_1793 : vector<16x16xf32> to vector<16x16xbf16>
    %convert_element_type3A_1819 = arith.extf %convert_element_type3A_1818 : vector<16x16xbf16> to vector<16x16xf32>
    %sub3A_1820 = arith.subf %add3A_1793, %convert_element_type3A_1819 : vector<16x16xf32>
    %convert_element_type3A_1821 = arith.truncf %sub3A_1820 : vector<16x16xf32> to vector<16x16xbf16>
    %dot_general3A_1822 = arith.constant dense<0.000000e+00> : vector<16x256xf32>
    %dot_general3A_1823 = tpu.matmul %convert_element_type3A_1818, %convert_element_type3A_1698, %dot_general3A_1822 {dimension_numbers = #tpu.dot_dimension_numbers<[1], [0], [0], [1], [0, 0, 1, 1], [], []>, transpose_lhs_hint = false} : vector<16x16xbf16>, vector<16x256xbf16>, vector<16x256xf32> -> vector<16x256xf32>
    %dot_general3A_1824 = arith.constant dense<0.000000e+00> : vector<16x256xf32>
    %dot_general3A_1825 = tpu.matmul %convert_element_type3A_1821, %convert_element_type3A_1698, %dot_general3A_1824 {dimension_numbers = #tpu.dot_dimension_numbers<[1], [0], [0], [1], [0, 0, 1, 1], [], []>, transpose_lhs_hint = false} : vector<16x16xbf16>, vector<16x256xbf16>, vector<16x256xf32> -> vector<16x256xf32>
    %add3A_1826 = arith.addf %dot_general3A_1823, %dot_general3A_1825 : vector<16x256xf32>
    %convert_element_type3A_1827 = arith.truncf %add3A_1826 : vector<16x256xf32> to vector<16x256xbf16>
    %convert_element_type3A_1828 = arith.extf %convert_element_type3A_1827 : vector<16x256xbf16> to vector<16x256xf32>
    %sub3A_1829 = arith.subf %add3A_1826, %convert_element_type3A_1828 : vector<16x256xf32>
    %convert_element_type3A_1830 = arith.truncf %sub3A_1829 : vector<16x256xf32> to vector<16x256xbf16>
    %dot_general3A_1831 = arith.constant dense<0.000000e+00> : vector<128x256xf32>
    %dot_general3A_1832 = tpu.matmul %convert_element_type3A_1661, %convert_element_type3A_1827, %dot_general3A_1831 {dimension_numbers = #tpu.dot_dimension_numbers<[1], [0], [0], [1], [0, 0, 1, 1], [], []>, transpose_lhs_hint = false} : vector<128x16xbf16>, vector<16x256xbf16>, vector<128x256xf32> -> vector<128x256xf32>
    %dot_general3A_1833 = arith.constant dense<0.000000e+00> : vector<128x256xf32>
    %dot_general3A_1834 = tpu.matmul %convert_element_type3A_1661, %convert_element_type3A_1830, %dot_general3A_1833 {dimension_numbers = #tpu.dot_dimension_numbers<[1], [0], [0], [1], [0, 0, 1, 1], [], []>, transpose_lhs_hint = false} : vector<128x16xbf16>, vector<16x256xbf16>, vector<128x256xf32> -> vector<128x256xf32>
    %add3A_1835 = arith.addf %dot_general3A_1832, %dot_general3A_1834 : vector<128x256xf32>
    %swap3A_1836 = arith.constant 1 : index
    %swap3A_1837 = arith.constant 128 : index
    %swap3A_1838 = arith.constant 0 : index
    %swap3A_1839 = vector.load %arg2[%swap3A_1836, %swap3A_1837, %swap3A_1838] : memref<3x256x256xf32, #tpu.memory_space<vmem>>, vector<1x128x256xf32>
    %swap3A_1840 = vector.shape_cast %swap3A_1839 : vector<1x128x256xf32> to vector<128x256xf32>
    %swap3A_1841 = vector.shape_cast %add3A_1835 : vector<128x256xf32> to vector<1x128x256xf32>
    tpu.vector_store %arg2[%swap3A_1836, %swap3A_1837, %swap3A_1838], %swap3A_1841 {strides = array<i32>} : memref<3x256x256xf32, #tpu.memory_space<vmem>>, vector<1x128x256xf32>,
    %slice3A_1842 = vector.extract_strided_slice %dot_general3A_1557 {offsets = [2, 0], sizes = [1, 256], strides = [1, 1]} : vector<8x256xf32> to vector<1x256xf32>
    %mul3A_1843 = vector.broadcast %slice3A_1842 : vector<1x256xf32> to vector<16x256xf32>
    %mul3A_1844 = arith.mulf %convert_element_type3A_1596, %mul3A_1843 : vector<16x256xf32>
    %convert_element_type3A_1845 = arith.truncf %mul3A_1844 : vector<16x256xf32> to vector<16x256xbf16>
    %convert_element_type3A_1846 = arith.extf %convert_element_type3A_1845 : vector<16x256xbf16> to vector<16x256xf32>
    %sub3A_1847 = arith.subf %mul3A_1844, %convert_element_type3A_1846 : vector<16x256xf32>
    %convert_element_type3A_1848 = arith.truncf %sub3A_1847 : vector<16x256xf32> to vector<16x256xbf16>
    %dot_general3A_1849 = arith.constant dense<0.000000e+00> : vector<16x16xf32>
    %dot_general3A_1850 = tpu.matmul %convert_element_type3A_1845, %convert_element_type3A_1624, %dot_general3A_1849 {dimension_numbers = #tpu.dot_dimension_numbers<[1], [0], [0], [1], [0, 0, 1, 1], [], []>, transpose_lhs_hint = false} : vector<16x256xbf16>, vector<256x16xbf16>, vector<16x16xf32> -> vector<16x16xf32>
    %dot_general3A_1851 = arith.constant dense<0.000000e+00> : vector<16x16xf32>
    %dot_general3A_1852 = tpu.matmul %convert_element_type3A_1848, %convert_element_type3A_1624, %dot_general3A_1851 {dimension_numbers = #tpu.dot_dimension_numbers<[1], [0], [0], [1], [0, 0, 1, 1], [], []>, transpose_lhs_hint = false} : vector<16x256xbf16>, vector<256x16xbf16>, vector<16x16xf32> -> vector<16x16xf32>
    %add3A_1853 = arith.addf %dot_general3A_1850, %dot_general3A_1852 : vector<16x16xf32>
    %slice3A_1854 = vector.extract_strided_slice %dot_general3A_1560 {offsets = [2, 0], sizes = [1, 256], strides = [1, 1]} : vector<8x256xf32> to vector<1x256xf32>
    %mul3A_1855 = vector.broadcast %slice3A_1854 : vector<1x256xf32> to vector<16x256xf32>
    %mul3A_1856 = arith.mulf %convert_element_type3A_1596, %mul3A_1855 : vector<16x256xf32>
    %convert_element_type3A_1857 = arith.truncf %mul3A_1856 : vector<16x256xf32> to vector<16x256xbf16>
    %convert_element_type3A_1858 = arith.extf %convert_element_type3A_1857 : vector<16x256xbf16> to vector<16x256xf32>
    %sub3A_1859 = arith.subf %mul3A_1856, %convert_element_type3A_1858 : vector<16x256xf32>
    %convert_element_type3A_1860 = arith.truncf %sub3A_1859 : vector<16x256xf32> to vector<16x256xbf16>
    %dot_general3A_1861 = arith.constant dense<0.000000e+00> : vector<16x16xf32>
    %dot_general3A_1862 = tpu.matmul %convert_element_type3A_1857, %convert_element_type3A_1624, %dot_general3A_1861 {dimension_numbers = #tpu.dot_dimension_numbers<[1], [0], [0], [1], [0, 0, 1, 1], [], []>, transpose_lhs_hint = false} : vector<16x256xbf16>, vector<256x16xbf16>, vector<16x16xf32> -> vector<16x16xf32>
    %dot_general3A_1863 = arith.constant dense<0.000000e+00> : vector<16x16xf32>
    %dot_general3A_1864 = tpu.matmul %convert_element_type3A_1860, %convert_element_type3A_1624, %dot_general3A_1863 {dimension_numbers = #tpu.dot_dimension_numbers<[1], [0], [0], [1], [0, 0, 1, 1], [], []>, transpose_lhs_hint = false} : vector<16x256xbf16>, vector<256x16xbf16>, vector<16x16xf32> -> vector<16x16xf32>
    %add3A_1865 = arith.addf %dot_general3A_1862, %dot_general3A_1864 : vector<16x16xf32>
    %convert_element_type3A_1866 = arith.truncf %add3A_1853 : vector<16x16xf32> to vector<16x16xbf16>
    %convert_element_type3A_1867 = arith.extf %convert_element_type3A_1866 : vector<16x16xbf16> to vector<16x16xf32>
    %sub3A_1868 = arith.subf %add3A_1853, %convert_element_type3A_1867 : vector<16x16xf32>
    %convert_element_type3A_1869 = arith.truncf %sub3A_1868 : vector<16x16xf32> to vector<16x16xbf16>
    %dot_general3A_1870 = arith.constant dense<0.000000e+00> : vector<16x256xf32>
    %dot_general3A_1871 = tpu.matmul %convert_element_type3A_1866, %convert_element_type3A_1698, %dot_general3A_1870 {dimension_numbers = #tpu.dot_dimension_numbers<[1], [0], [0], [1], [0, 0, 1, 1], [], []>, transpose_lhs_hint = false} : vector<16x16xbf16>, vector<16x256xbf16>, vector<16x256xf32> -> vector<16x256xf32>
    %dot_general3A_1872 = arith.constant dense<0.000000e+00> : vector<16x256xf32>
    %dot_general3A_1873 = tpu.matmul %convert_element_type3A_1869, %convert_element_type3A_1698, %dot_general3A_1872 {dimension_numbers = #tpu.dot_dimension_numbers<[1], [0], [0], [1], [0, 0, 1, 1], [], []>, transpose_lhs_hint = false} : vector<16x16xbf16>, vector<16x256xbf16>, vector<16x256xf32> -> vector<16x256xf32>
    %add3A_1874 = arith.addf %dot_general3A_1871, %dot_general3A_1873 : vector<16x256xf32>
    %convert_element_type3A_1875 = arith.truncf %add3A_1874 : vector<16x256xf32> to vector<16x256xbf16>
    %convert_element_type3A_1876 = arith.extf %convert_element_type3A_1875 : vector<16x256xbf16> to vector<16x256xf32>
    %sub3A_1877 = arith.subf %add3A_1874, %convert_element_type3A_1876 : vector<16x256xf32>
    %convert_element_type3A_1878 = arith.truncf %sub3A_1877 : vector<16x256xf32> to vector<16x256xbf16>
    %dot_general3A_1879 = arith.constant dense<0.000000e+00> : vector<128x256xf32>
    %dot_general3A_1880 = tpu.matmul %convert_element_type3A_1661, %convert_element_type3A_1875, %dot_general3A_1879 {dimension_numbers = #tpu.dot_dimension_numbers<[1], [0], [0], [1], [0, 0, 1, 1], [], []>, transpose_lhs_hint = false} : vector<128x16xbf16>, vector<16x256xbf16>, vector<128x256xf32> -> vector<128x256xf32>
    %dot_general3A_1881 = arith.constant dense<0.000000e+00> : vector<128x256xf32>
    %dot_general3A_1882 = tpu.matmul %convert_element_type3A_1661, %convert_element_type3A_1878, %dot_general3A_1881 {dimension_numbers = #tpu.dot_dimension_numbers<[1], [0], [0], [1], [0, 0, 1, 1], [], []>, transpose_lhs_hint = false} : vector<128x16xbf16>, vector<16x256xbf16>, vector<128x256xf32> -> vector<128x256xf32>
    %add3A_1883 = arith.addf %dot_general3A_1880, %dot_general3A_1882 : vector<128x256xf32>
    %swap3A_1884 = arith.constant 2 : index
    %swap3A_1885 = arith.constant 0 : index
    %swap3A_1886 = arith.constant 0 : index
    %swap3A_1887 = vector.load %arg2[%swap3A_1884, %swap3A_1885, %swap3A_1886] : memref<3x256x256xf32, #tpu.memory_space<vmem>>, vector<1x128x256xf32>
    %swap3A_1888 = vector.shape_cast %swap3A_1887 : vector<1x128x256xf32> to vector<128x256xf32>
    %swap3A_1889 = vector.shape_cast %add3A_1883 : vector<128x256xf32> to vector<1x128x256xf32>
    tpu.vector_store %arg2[%swap3A_1884, %swap3A_1885, %swap3A_1886], %swap3A_1889 {strides = array<i32>} : memref<3x256x256xf32, #tpu.memory_space<vmem>>, vector<1x128x256xf32>,
    %convert_element_type3A_1890 = arith.truncf %add3A_1865 : vector<16x16xf32> to vector<16x16xbf16>
    %convert_element_type3A_1891 = arith.extf %convert_element_type3A_1890 : vector<16x16xbf16> to vector<16x16xf32>
    %sub3A_1892 = arith.subf %add3A_1865, %convert_element_type3A_1891 : vector<16x16xf32>
    %convert_element_type3A_1893 = arith.truncf %sub3A_1892 : vector<16x16xf32> to vector<16x16xbf16>
    %dot_general3A_1894 = arith.constant dense<0.000000e+00> : vector<16x256xf32>
    %dot_general3A_1895 = tpu.matmul %convert_element_type3A_1890, %convert_element_type3A_1698, %dot_general3A_1894 {dimension_numbers = #tpu.dot_dimension_numbers<[1], [0], [0], [1], [0, 0, 1, 1], [], []>, transpose_lhs_hint = false} : vector<16x16xbf16>, vector<16x256xbf16>, vector<16x256xf32> -> vector<16x256xf32>
    %dot_general3A_1896 = arith.constant dense<0.000000e+00> : vector<16x256xf32>
    %dot_general3A_1897 = tpu.matmul %convert_element_type3A_1893, %convert_element_type3A_1698, %dot_general3A_1896 {dimension_numbers = #tpu.dot_dimension_numbers<[1], [0], [0], [1], [0, 0, 1, 1], [], []>, transpose_lhs_hint = false} : vector<16x16xbf16>, vector<16x256xbf16>, vector<16x256xf32> -> vector<16x256xf32>
    %add3A_1898 = arith.addf %dot_general3A_1895, %dot_general3A_1897 : vector<16x256xf32>
    %convert_element_type3A_1899 = arith.truncf %add3A_1898 : vector<16x256xf32> to vector<16x256xbf16>
    %convert_element_type3A_1900 = arith.extf %convert_element_type3A_1899 : vector<16x256xbf16> to vector<16x256xf32>
    %sub3A_1901 = arith.subf %add3A_1898, %convert_element_type3A_1900 : vector<16x256xf32>
    %convert_element_type3A_1902 = arith.truncf %sub3A_1901 : vector<16x256xf32> to vector<16x256xbf16>
    %dot_general3A_1903 = arith.constant dense<0.000000e+00> : vector<128x256xf32>
    %dot_general3A_1904 = tpu.matmul %convert_element_type3A_1661, %convert_element_type3A_1899, %dot_general3A_1903 {dimension_numbers = #tpu.dot_dimension_numbers<[1], [0], [0], [1], [0, 0, 1, 1], [], []>, transpose_lhs_hint = false} : vector<128x16xbf16>, vector<16x256xbf16>, vector<128x256xf32> -> vector<128x256xf32>
    %dot_general3A_1905 = arith.constant dense<0.000000e+00> : vector<128x256xf32>
    %dot_general3A_1906 = tpu.matmul %convert_element_type3A_1661, %convert_element_type3A_1902, %dot_general3A_1905 {dimension_numbers = #tpu.dot_dimension_numbers<[1], [0], [0], [1], [0, 0, 1, 1], [], []>, transpose_lhs_hint = false} : vector<128x16xbf16>, vector<16x256xbf16>, vector<128x256xf32> -> vector<128x256xf32>
    %add3A_1907 = arith.addf %dot_general3A_1904, %dot_general3A_1906 : vector<128x256xf32>
    %swap3A_1908 = arith.constant 2 : index
    %swap3A_1909 = arith.constant 128 : index
    %swap3A_1910 = arith.constant 0 : index
    %swap3A_1911 = vector.load %arg2[%swap3A_1908, %swap3A_1909, %swap3A_1910] : memref<3x256x256xf32, #tpu.memory_space<vmem>>, vector<1x128x256xf32>
    %swap3A_1912 = vector.shape_cast %swap3A_1911 : vector<1x128x256xf32> to vector<128x256xf32>
    %swap3A_1913 = vector.shape_cast %add3A_1907 : vector<128x256xf32> to vector<1x128x256xf32>
    tpu.vector_store %arg2[%swap3A_1908, %swap3A_1909, %swap3A_1910], %swap3A_1913 {strides = array<i32>} : memref<3x256x256xf32, #tpu.memory_space<vmem>>, vector<1x128x256xf32>,
    return
  }
}

</mosaic_0001>

<sc_bundles>
// kernel: kernel.4.cloned.1.call-start
scs
__scs_entry_jumppad:
0x0: {  	(pc) =	sbr.rel $0x88, $3  }
0x1: {  	(tag) =	ssettag $0x0;
	lr =	simm.s32 $0x1  }
0x2: {  	[smem:$0x3F9E] =	sst lr;
	_ =	strace $0xD0000000  }
0x3: {  	_ = 	snop  }
0x4: {  	_ = 	snop  }
0x5: {  	_ = 	snop  }
0x6: {  	_ = 	snop  }
0x7: {  	_ = 	snop  }
__scs_overlays_trampoline_lowered:
0x8: {  	[smem:$0x3FAD] =	sst s0  }
0x9: {  	[smem:$0x3FAE] =	sst s1  }
0xa: {  	[smem:$0x3FAF] =	sst s2  }
0xb: {  	[smem:$0x3FB0] =	sst s3  }
0xc: {  	[smem:$0x3FB1] =	sst s4  }
0xd: {  	[smem:$0x3FB2] =	sst s5  }
0xe: {  	[smem:$0x3FB3] =	sst s6  }
0xf: {  	[smem:$0x3FB4] =	sst s7  }
0x10: {  	[smem:$0x3FB5] =	sst s8  }
0x11: {  	[smem:$0x3FB6] =	sst s9;
	s0 =	simm.s32 @!p0 $0x0  }
0x12: {  	s1 =	sld [smem:$0x3F9C];
	s0 =	simm.s32 @p0 $0x1  }
0x13: {  	[smem:$0x3FB7] =	sst s0;
	s0 =	simm.s32 @!p1 $0x0  }
0x14: {  	s2 =	sld [smem:$0x3F9B];
	s0 =	simm.s32 @p1 $0x1  }
0x15: {  	[smem:$0x3FB8] =	sst s0;
	s0 =	simm.s32 @!p2 $0x0  }
0x16: {  	s3 =	sld [smem:$0x3FDB];
	s0 =	simm.s32 @p2 $0x1  }
0x17: {  	s4 =	simm.s32 $0x1BF5;
	[smem:$0x3FBA] =	sst s0  }
0x18: {  	s0 =	sld [smem:$0x3F9D];
	_ =	swait.ge [sflag:s4], $0x0  }
0x19: {  	s7 =	sld [smem:$0x3F9E]  }
0x1a: {  	s8 =	sadd.s32 $0xFFFFE003, lr  }
0x1b: {  	s9 =	sadd.s32 $0xFFFFFEF7, lr;
	s5 =	simm.s32 $0xFFFFFFFF;
	p2 =	slt.u32 s8, $0xFFFFF086  }
0x1c: {  	p1 =	slt.u32 s9, $0xF7A;
	s5 =	simm.s32 @!p2 $0x0  }
0x1d: {  	s5 =	simm.s32 @p1 $0x1;
	p0 =	seq.s32 s7, s2  }
0x1e: {  	s7 =	smul.u32 @!p0 $0xF7A, s2;
	p2 =	seq.s32 @!p0 s5, $0x0  }
0x1f: {  	s9 =	smul.u32 $0xF7A, s1;
	s8 =	simm.s32 @!p0 $0x1BF5;
	p2 =	por !p2, p0  }
0x20: {  	[sflag:s8] =	ssyncset.s32 @!p0 $0xFFFFF086;
	s6 =	sadd.s32 @!p0 s3, s7;
	s7 =	simm.s32 @!p0 $0x108  }
0x21: {  	s3 =	sadd.s32 s3, s9;
	s6 =	sadd.s32 @!p0 $0x88, s6;
	s7 =	simm.s32 @p2 $0x1082  }
0x22: {  	[simem:s7], [sflag:s8] =	dma.local @!p0 [hbm:s6], $0xF7A  }
0x23: {  	s9 =	sor.u32 $0xD0000000, s2;
	s6 =	simm.s32 $0x108;
	_ =	swait.ge @!p0 [sflag:s8], $0x0  }
0x24: {  	s3 =	sadd.s32 $0x88, s3;
	s6 =	simm.s32 @!p1 $0x1082;
	[sflag:s4] =	ssyncset.s32 $0xFFFFF086  }
0x25: {  	[simem:s6], [sflag:s4] =	dma.local [hbm:s3], $0xF7A  }
0x26: {  	[smem:$0x3F9E] =	sst s1;
	(tag) =	ssettag s2;
	_ =	strace s9  }
0x27: {  	s1 =	sld [smem:$0x3FAE]  }
0x28: {  	s2 =	sld [smem:$0x3FAF]  }
0x29: {  	s4 =	sld [smem:$0x3FB1]  }
0x2a: {  	p0 =	seq.s32 s5, $0x0;
	s5 =	sld [smem:$0x3FB2]  }
0x2b: {  	s6 =	sld [smem:$0x3FB3]  }
0x2c: {  	s7 =	sld [smem:$0x3FB4]  }
0x2d: {  	s3 =	simm.s32 $0x108;
	s8 =	sld [smem:$0x3FB5]  }
0x2e: {  	s3 =	simm.s32 @!p0 $0x1082;
	s9 =	sld [smem:$0x3FB6]  }
0x2f: {  	lr =	sadd.s32 s0, s3;
	s0 =	sld [smem:$0x3FAD]  }
0x30: {  	s3 =	sld [smem:$0x3FB0]  }
0x31: {  	[smem:$0x3FB9] =	sst s10  }
0x32: {  	s10 =	sld [smem:$0x3FB7];
	_ =	sdelay $0x3  }
0x33: {  	p0 =	seq.s32 s10, $0x1;
	s10 =	sld [smem:$0x3FB9];
	_ =	sdelay $0x3  }
0x34: {  	[smem:$0x3FB9] =	sst s10  }
0x35: {  	s10 =	sld [smem:$0x3FB8];
	_ =	sdelay $0x3  }
0x36: {  	p1 =	seq.s32 s10, $0x1;
	s10 =	sld [smem:$0x3FB9];
	_ =	sdelay $0x3  }
0x37: {  	[smem:$0x3FB9] =	sst s10  }
0x38: {  	s10 =	sld [smem:$0x3FBA]  }
0x39: {  	_ = 	snop;
	(pc) =	sbr.ind lr, $3  }
0x3a: {  	_ = 	snop  }
0x3b: {  	_ = 	snop  }
0x3c: {  	p2 =	seq.s32 s10, $0x1;
	s10 =	sld [smem:$0x3FB9]  }
0x3d: {  	_ =	shalt  }
0x3e: {  	_ =	shalt  }
0x3f: {  	_ =	shalt  }
0x40: {  	_ =	shalt  }
0x41: {  	_ =	shalt  }
0x42: {  	_ =	shalt  }
0x43: {  	_ =	shalt  }
0x44: {  	_ =	shalt  }
0x45: {  	_ =	shalt  }
0x46: {  	_ =	shalt  }
0x47: {  	_ =	shalt  }
0x48: {  	_ =	shalt  }
0x49: {  	_ =	shalt  }
0x4a: {  	_ =	shalt  }
0x4b: {  	_ =	shalt  }
0x4c: {  	_ =	shalt  }
0x4d: {  	_ =	shalt  }
0x4e: {  	_ =	shalt  }
0x4f: {  	_ =	shalt  }
0x50: {  	_ =	shalt  }
0x51: {  	_ =	shalt  }
0x52: {  	_ =	shalt  }
0x53: {  	_ =	shalt  }
0x54: {  	_ =	shalt  }
0x55: {  	_ =	shalt  }
0x56: {  	_ =	shalt  }
0x57: {  	_ =	shalt  }
0x58: {  	_ =	shalt  }
0x59: {  	_ =	shalt  }
0x5a: {  	_ =	shalt  }
0x5b: {  	_ =	shalt  }
0x5c: {  	_ =	shalt  }
0x5d: {  	_ =	shalt  }
0x5e: {  	_ =	shalt  }
0x5f: {  	_ =	shalt  }
0x60: {  	_ =	shalt  }
0x61: {  	_ =	shalt  }
0x62: {  	_ =	shalt  }
0x63: {  	_ =	shalt  }
0x64: {  	_ =	shalt  }
0x65: {  	_ =	shalt  }
0x66: {  	_ =	shalt  }
0x67: {  	_ =	shalt  }
0x68: {  	_ =	shalt  }
0x69: {  	_ =	shalt  }
0x6a: {  	_ =	shalt  }
0x6b: {  	_ =	shalt  }
0x6c: {  	_ =	shalt  }
0x6d: {  	_ =	shalt  }
0x6e: {  	_ =	shalt  }
0x6f: {  	_ =	shalt  }
0x70: {  	_ =	shalt  }
0x71: {  	_ =	shalt  }
0x72: {  	_ =	shalt  }
0x73: {  	_ =	shalt  }
0x74: {  	_ =	shalt  }
0x75: {  	_ =	shalt  }
0x76: {  	_ =	shalt  }
0x77: {  	_ =	shalt  }
0x78: {  	_ =	shalt  }
0x79: {  	_ =	shalt  }
0x7a: {  	_ =	shalt  }
0x7b: {  	_ =	shalt  }
0x7c: {  	_ =	shalt  }
0x7d: {  	_ =	shalt  }
0x7e: {  	_ =	shalt  }
0x7f: {  	_ =	shalt  }
0x80: {  	_ =	shalt  }
0x81: {  	_ =	shalt  }
0x82: {  	_ =	shalt  }
0x83: {  	_ =	shalt  }
0x84: {  	_ =	shalt  }
0x85: {  	_ =	shalt  }
0x86: {  	_ =	shalt  }
0x87: {  	_ =	shalt  }
.Lfunc_end0:
.L_simem_size_0:
called_computation_lowered:
.L_overlay_start_0:
0x88: {  	s2 =	sld [smem:$0x3FD9]  }
0x89: {  	s3 =	sld [smem:$0x3FFE];
	_ =	sdelay $0x1  }
0x8a: {  	s1 =	srdreg.scid  }
0x8b: {  	s0 =	sand.u32 $0x1, s1  }
0x8c: {  	s17 =	sshll.u32 s0, $0xA;
	s2 =	sadd.s32 s3, s2  }
0x8d: {  	s2 =	sadd.s32 s2, s17  }
0x8e: {  	[smem:$0x3FC5] =	sst s2  }
0x8f: {  	_ = 	snop  }
0x90: {  	s2 =	sld [smem:$0x3FC8]  }
0x91: {  	s18 =	sld [smem:$0x3FD0];
	(tm) =	ssettm $0x1  }
0x92: {  	s4 =	sld [smem:$0x3FFB];
	_ =	sdelay $0x3  }
0x93: {  	_ =	strace s4  }
0x94: {  	s4 =	sld [smem:$0x3FFC];
	_ =	sdelay $0x3  }
0x95: {  	_ =	strace s4  }
0x96: {  	s4 =	sld [smem:$0x3FFD];
	_ =	sdelay $0x3  }
0x97: {  	_ =	strace s4  }
0x98: {  	_ =	strace $0x8FFFFFFF  }
0x99: {  	s19 =	sld [smem:$0x3FDB];
	_ =	sdelay $0x1  }
0x9a: {  	s5 =	simm.s32 $_scs_section_size  }
0x9b: {  	s6 =	simm.s32 $_size__tile_overlayer_lowered;
	s7 =	simm.s32 $_tile_overlayer_lowered  }
0x9c: {  	s22 =	simm.s32 $0x1BFF;
	s21 =	sshll.u32 s7, $0x1;
	s4 =	sadd.s32 s5, s19  }
0x9d: {  	s8 =	simm.s32 $0x0;
	s20 =	sshll.u32 s6, $0x1;
	s6 =	sadd.s32 s21, s4  }
0x9e: {  	[timem:s8], [sflag:s22] =	dma.local [hbm:s6], s20  }
0x9f: {  	_ =	swait.ge [sflag:s22], s20  }
0xa0: {  	s5 =	ssub.s32 $0x0, s20;
	[sflag:s22] =	ssyncset.done $0x0  }
0xa1: {  	[sflag:s22] =	ssyncadd.s32 s5;
	_ =	sdelay $0x1  }
0xa2: {  	s23 =	simm.s32 $0x1B8B  }
0xa3: {  	_ =	swait.ge [sflag:s23], $0x1  }
0xa4: {  	[sflag:s23] =	ssyncset.done $0x0  }
0xa5: {  	s25 =	simm.s32 $0x1B8E;
	s24 =	sld [smem:$0x3FFE];
	[sflag:s23] =	ssyncadd.s32 $0xFFFFFFFF  }
0xa6: {  	s26 =	simm.s32 $execute0_lowered;
	[smem:$0x3FD2] =	sst s25  }
0xa7: {  	s6 =	sshll.u32 s26, $0x1;
	_ =	strace $0x80000046;
	[dreg:$0x1] =	wrdreg $0xFFFFFFFF  }
0xa8: {  	s28 =	simm.s32 $_size_execute0_lowered;
	s4 =	sadd.s32 s4, s6;
	[dreg:$0x0] =	wrdreg $0x0  }
0xa9: {  	s6 =	sshll.u32 s28, $0x1;
	[dreg:$0x2] =	wrdreg s4  }
0xaa: {  	[dreg:$0x3] =	wrdreg s6  }
0xab: {  	[dreg:$0x4] =	wrdreg $0xC0  }
0xac: {  	_ =	task [dreg:s8], $0x5FFFF  }
0xad: {  	[dreg:$0x1] =	wrdreg $0xFFFFFFFF  }
0xae: {  	[dreg:$0x0] =	wrdreg $0x60  }
0xaf: {  	[dreg:$0x2] =	wrdreg s2  }
0xb0: {  	[dreg:$0x3] =	wrdreg s24  }
0xb1: {  	[dreg:$0x4] =	wrdreg s18  }
0xb2: {  	[dreg:$0x5] =	wrdreg $0x9  }
0xb3: {  	_ =	task.clear_ibuf [dreg:s8], $0x6FFFF;
	_ =	strace $0x90000046  }
0xb4: {  	s29 =	simm.s32 $0x9;
	_ =	strace $0x80000048  }
0xb5: {  	_ =	swait.ge [sflag:s29], $0x1  }
0xb6: {  	[sflag:s29] =	ssyncadd.s32 $0xFFFFFFFF  }
0xb7: {  	_ =	strace $0x90000048  }
0xb8: {  	_ =	sfence  }
0xb9: {  	s30 =	sld [smem:$0x0];
	_ =	sdelay $0x2  }
0xba: {  	s31 =	sshll.u32 s1, $0xD;
	s1 =	sshrl.u32 s1, $0x2  }
0xbb: {  	s3 =	sand.u32 $0x4000, s31;
	s1 =	sadd.s32 s1, s30  }
0xbc: {  	s0 =	sor.u32 s3, s0;
	s1 =	sshll.u32 s1, $0x11  }
0xbd: {  	s0 =	sor.u32 s1, s0  }
0xbe: {  	s0 =	sadd.s32 $0x8F2B, s0  }
0xbf: {  	[sflag:s0] =	ssyncadd.remote.s32 $0x1  }
0xc0: {  	_ =	sfence.sel $0xFFFF  }
0xc1: {  	[dreg:$0x0] =	wrdreg $0xFFFFFFFF;
	(pc) =	sbr.abs _section_cstart, $3  }
0xc2: {  	[dreg:$0x1] =	wrdreg $0xFFFFFFFF  }
0xc3: {  	_ =	task.clear_ibuf [dreg:s8], $0x2FFFF;
	_ =	strace $0x9FFFFFFF  }
0xc4: {  	(tm) =	ssettm $0x7FFFFFFF  }
0xc5: {  	_ =	shalt  }
tec
execute0_lowered:
.L_overlay_start_1:
0x0: {  	(tag) =	ssettag $0x1  }
0x1: {  	s6 =	rddreg [dreg:$0x0]  }
0x2: {  	s0 =	srdreg.scid;
	s3 =	rddreg [dreg:$0x1]  }
0x3: {  	s7 =	rddreg [dreg:$0x2];
	s1 =	stileid.u32;
	s9 =	sand.u32 $0x1, s0  }
0x4: {  	s10 =	simm.s32 $0x1;
	s5 =	simm.s32 $0x80;
	s2 =	sshll.u32 s9, $0x4  }
0x5: {  	s0 =	rddreg [dreg:$0x3];
	s4 =	sand.u32 $0x1, s1;
	s8 =	sor.u32 s1, s2  }
0x6: {  	p1 =	seq.s32 s4, $0x1;
	s2 =	simm.s32 $0x0;
	p0 =	seq.s32 s8, $0x0  }
0x7: {  	s3 =	sadd.s32 $0x800, s3;
	[smem:$0x7FF] =	sst s2;
	p0 =	por !p0, !p1  }
0x8: {  	s4 =	simm.s32 $0x1;
	_ =	strace $0x80000047;
	p0 =	por !p0, !p0  }
0x9: {  	[tilespmem:s5], [sflag:$0x1] =	stream.linear.gather [hbm4b:s3+s2], $0x80, $0x38;
	[tilespmem:$0x100] =	vst v63  }
0xa: {  	s11 =	sshrl.u32 s8, $0x1;
	s10 =	simm.s32 @!p0 $0x0;
	_ =	swait.ge [sflag:s4], $0x80  }
0xb: {  	s30 =	sshll.u32 s1, $0x7;
	s11 =	ssub.s32 s11, s10;
	[sflag:s4] =	ssyncset.done $0x0  }
0xc: {  	s12 =	sand.u32 $0x80, s30;
	s11 =	sshll.u32 s11, $0x8;
	[sflag:s4] =	ssyncadd.s32 $0xFFFFFF80  }
0xd: {  	s11 =	sor.u32 s12, s11;
	v0 =	vld [tilespmem:$0x80]  }
0xe: {  	s11 =	sshrl.u32 s11, $0x3  }
0xf: {  	s6 =	sadd.s32 s6, s11  }
0x10: {  	[tilespmem:s2], [sflag:$0x1] =	stream.linear.gather [hbm4b:s6+s2], $0x80, $0x38;
	[tilespmem:$0x100] =	vst v63  }
0x11: {  	_ =	swait.ge [sflag:s4], $0x80  }
0x12: {  	(erf) = vrcp.f32 v0;
	_ =	sdelay $0x1  }
0x13: {  	v2 =	vimm.s32 $0xDCFE98BA  }
0x14: {  	v1 =	vimm.s32 $0x67452301;
	v2 =	vunpack.c.l.s4.s8 v2;
	[sflag:s4] =	ssyncset.done $0x0  }
0x15: {  	v3 =	vimm.s32 $0x54761032;
	v1 =	vunpack.c.l.s4.s8 v1;
	v0 =	vimm.s32 $0xEFCDAB89;
	[sflag:s4] =	ssyncadd.s32 $0xFFFFFF80  }
0x16: {  	v3 =	vunpack.c.l.s4.s8 v3;
	v2 =	vunpack.c.0.s8.s32 v2;
	v0 =	vunpack.c.l.s4.s8 v0;
	v4 =	vld [tilespmem:$0x0];
	_ =	sdelay $0x1  }
0x17: {  	v1 =	vunpack.c.0.s8.s32 v1;
	v3 =	vunpack.c.0.s8.s32 v3;
	v0 =	vunpack.c.0.s8.s32 v0;
	_ =	sdelay $0x1  }
0x18: {  	v0 =	vcombine.low v1, v0;
	v1 =	vcombine.low v3, v2;
	v2 =	vpop (erf)  }
0x19: {  	v5 =	vimm.s32 $0x32107654;
	v3 =	vimm.s32 $0xBA98FEDC;
	v4 =	vmul.f32 v4, v2  }
0x1a: {  	v0 =	vand.u32 $0xF, v0;
	v2 =	vunpack.c.l.s4.s8 v3;
	v3 =	vunpack.c.l.s4.s8 v5  }
0x1b: {  	v6 =	vimm.s32 $0xFEDCBA98;
	v5 =	vperm.xlane v4, v0  }
0x1c: {  	v7 =	vimm.s32 $0x76543210;
	v2 =	vunpack.c.0.s8.s32 v2;
	v3 =	vunpack.c.0.s8.s32 v3  }
0x1d: {  	v6 =	vunpack.c.l.s4.s8 v6;
	v1 =	vand.u32 $0xF, v1;
	v5 =	vmax.f32 v4, v5  }
0x1e: {  	v2 =	vcombine.low v3, v2;
	v3 =	vunpack.c.l.s4.s8 v7;
	v7 =	vperm.xlane v5, v1  }
0x1f: {  	v6 =	vunpack.c.0.s8.s32 v6  }
0x20: {  	v2 =	vand.u32 $0xF, v2;
	v3 =	vunpack.c.0.s8.s32 v3;
	v5 =	vmax.f32 v5, v7  }
0x21: {  	v6 =	vand.u32 $0xF, v6;
	v7 =	vperm.xlane v5, v2  }
0x22: {  	v3 =	vcombine.low v6, v3  }
0x23: {  	v5 =	vmax.f32 v5, v7  }
0x24: {  	v6 =	vperm.xlane v5, v3;
	_ =	sdelay $0x1  }
0x25: {  	v5 =	vmax.f32 v5, v6  }
0x26: {  	v4 =	vsub.f32 v4, v5;
	_ =	sdelay $0x1  }
0x27: {  	v4 =	vmul.f32 $1.442695020e+00, v4;
	_ =	sdelay $0x1  }
0x28: {  	(erf) = vpow2.f32 v4;
	_ =	sdelay $0x8  }
0x29: {  	v4 =	vpop (erf)  }
0x2a: {  	v5 =	vperm.xlane v4, v0;
	_ =	sdelay $0x1  }
0x2b: {  	v5 =	vadd.f32 v4, v5;
	_ =	sdelay $0x1  }
0x2c: {  	v6 =	vperm.xlane v5, v1;
	_ =	sdelay $0x1  }
0x2d: {  	v5 =	vadd.f32 v5, v6;
	_ =	sdelay $0x1  }
0x2e: {  	v6 =	vperm.xlane v5, v2;
	_ =	sdelay $0x1  }
0x2f: {  	v5 =	vadd.f32 v5, v6;
	_ =	sdelay $0x1  }
0x30: {  	v6 =	vperm.xlane v5, v3;
	_ =	sdelay $0x1  }
0x31: {  	v5 =	vadd.f32 v5, v6;
	_ =	sdelay $0x1  }
0x32: {  	(erf) = vrcp.f32 v5;
	_ =	sdelay $0x8  }
0x33: {  	v5 =	vpop (erf)  }
0x34: {  	v5 =	vmul.f32 v5, v4;
	_ =	sdelay $0x1  }
0x35: {  	v4 =	vperm.xlane v5, v0;
	_ =	sdelay $0x1  }
0x36: {  	v4 =	vmax.f32 v5, v4  }
0x37: {  	v6 =	vperm.xlane v4, v1;
	_ =	sdelay $0x1  }
0x38: {  	v4 =	vmax.f32 v4, v6  }
0x39: {  	v6 =	vperm.xlane v4, v2;
	_ =	sdelay $0x1  }
0x3a: {  	v4 =	vmax.f32 v4, v6  }
0x3b: {  	v6 =	vperm.xlane v4, v3;
	_ =	sdelay $0x1  }
0x3c: {  	v6 =	vmax.f32 v4, v6  }
0x3d: {  	v4 =	vlaneseq.u32;
	vm0 =	veq.f32 v5, v6  }
0x3e: {  	v6 =	vnsel vm0, $0x10, v4  }
0x3f: {  	v7 =	vperm.xlane v6, v0;
	_ =	sdelay $0x1  }
0x40: {  	vm0 =	vlt.s32 v6, v7  }
0x41: {  	v6 =	vsel vm0, v6, v7  }
0x42: {  	v7 =	vperm.xlane v6, v1;
	_ =	sdelay $0x1  }
0x43: {  	vm0 =	vlt.s32 v6, v7  }
0x44: {  	v6 =	vsel vm0, v6, v7  }
0x45: {  	v7 =	vperm.xlane v6, v2;
	_ =	sdelay $0x1  }
0x46: {  	vm0 =	vlt.s32 v6, v7  }
0x47: {  	v6 =	vsel vm0, v6, v7  }
0x48: {  	v7 =	vperm.xlane v6, v3;
	_ =	sdelay $0x1  }
0x49: {  	vm0 =	vlt.s32 v6, v7  }
0x4a: {  	v6 =	vsel vm0, v6, v7  }
0x4b: {  	vm0 =	veq.s32 v6, v4  }
0x4c: {  	v6 =	vsel vm0, $0xBF800000, v5  }
0x4d: {  	v7 =	vperm.xlane v6, v0;
	_ =	sdelay $0x1  }
0x4e: {  	v7 =	vmax.f32 v6, v7  }
0x4f: {  	v8 =	vperm.xlane v7, v1;
	_ =	sdelay $0x1  }
0x50: {  	v7 =	vmax.f32 v7, v8  }
0x51: {  	v8 =	vperm.xlane v7, v2;
	_ =	sdelay $0x1  }
0x52: {  	v7 =	vmax.f32 v7, v8  }
0x53: {  	v8 =	vperm.xlane v7, v3;
	_ =	sdelay $0x1  }
0x54: {  	v7 =	vmax.f32 v7, v8  }
0x55: {  	vm1 =	veq.f32 v6, v7  }
0x56: {  	v7 =	vnsel vm1, $0x10, v4  }
0x57: {  	v60 =	vperm.xlane v7, v0;
	_ =	sdelay $0x1  }
0x58: {  	vm1 =	vlt.s32 v7, v60  }
0x59: {  	v7 =	vsel vm1, v7, v60  }
0x5a: {  	v8 =	vperm.xlane v7, v1;
	_ =	sdelay $0x1  }
0x5b: {  	vm1 =	vlt.s32 v7, v8  }
0x5c: {  	v7 =	vsel vm1, v7, v8  }
0x5d: {  	v8 =	vperm.xlane v7, v2;
	_ =	sdelay $0x1  }
0x5e: {  	vm1 =	vlt.s32 v7, v8  }
0x5f: {  	v7 =	vsel vm1, v7, v8  }
0x60: {  	v8 =	vperm.xlane v7, v3;
	_ =	sdelay $0x1  }
0x61: {  	vm1 =	vlt.s32 v7, v8  }
0x62: {  	v7 =	vsel vm1, v7, v8  }
0x63: {  	vm1 =	veq.s32 v7, v4  }
0x64: {  	v6 =	vsel vm1, $0xBF800000, v6  }
0x65: {  	v7 =	vperm.xlane v6, v0;
	_ =	sdelay $0x1  }
0x66: {  	v7 =	vmax.f32 v6, v7  }
0x67: {  	v61 =	vperm.xlane v7, v1;
	_ =	sdelay $0x1  }
0x68: {  	v7 =	vmax.f32 v7, v61  }
0x69: {  	v8 =	vperm.xlane v7, v2;
	_ =	sdelay $0x1  }
0x6a: {  	v7 =	vmax.f32 v7, v8  }
0x6b: {  	v8 =	vperm.xlane v7, v3;
	_ =	sdelay $0x1  }
0x6c: {  	v7 =	vmax.f32 v7, v8  }
0x6d: {  	vm2 =	veq.f32 v6, v7  }
0x6e: {  	v6 =	vnsel vm2, $0x10, v4  }
0x6f: {  	v7 =	vperm.xlane v6, v0;
	_ =	sdelay $0x1  }
0x70: {  	vm2 =	vlt.s32 v6, v7  }
0x71: {  	v6 =	vsel vm2, v6, v7  }
0x72: {  	v7 =	vperm.xlane v6, v1;
	_ =	sdelay $0x1  }
0x73: {  	s8 =	sshll.u32 s8, $0x7;
	vm2 =	vlt.s32 v6, v7  }
0x74: {  	s8 =	sand.u32 $0xC00, s8;
	s10 =	sand.u32 $0x380, s30;
	vm3 =	vgt.f32 v5, $1.000000050e-03;
	v6 =	vsel vm2, v6, v7  }
0x75: {  	s8 =	sor.u32 s10, s8;
	vm13 =	vmand vm3, vm0;
	v7 =	vperm.xlane v6, v2  }
0x76: {  	s8 =	sshrl.u32 s8, $0x3;
	v62 =	vnsel vm13, $0x0, v5  }
0x77: {  	s7 =	sadd.s32 s7, s8;
	[tilespmem:$0x80] =	vst v62;
	vm14 =	vlt.s32 v6, v7  }
0x78: {  	[hbm4b:s7+s2] =	stream.linear.scatter [tilespmem:s5], [sflag:$0x1], $0x80, $0x38;
	v6 =	vsel vm14, v6, v7;
	[tilespmem:$0x100] =	vst v63  }
0x79: {  	_ =	swait.ge [sflag:s4], $0x80;
	vm0 =	vmor vm0, vm1;
	v7 =	vperm.xlane v6, v3  }
0x7a: {  	s9 =	ssub.s32 $0x2, s9;
	[sflag:s4] =	ssyncset.done $0x0;
	vm1 =	vmand vm3, vm0  }
0x7b: {  	s31 =	sshrl.u32 s9, $0x1;
	[sflag:s4] =	ssyncadd.s32 $0xFFFFFF80;
	v63 =	vnsel vm1, $0x0, v5;
	vm15 =	vlt.s32 v6, v7  }
0x7c: {  	s10 =	ssub.s32 s9, s31;
	s8 =	sadd.s32 $0x200, s7;
	[tilespmem:$0x80] =	vst v63;
	v6 =	vsel vm15, v6, v7  }
0x7d: {  	[hbm4b:s8+s2] =	stream.linear.scatter [tilespmem:s5], [sflag:$0x1], $0x80, $0x38;
	vm1 =	veq.s32 v6, v4;
	[tilespmem:$0x100] =	vst v63  }
0x7e: {  	s10 =	smax.u32 s10, $0x1;
	_ =	swait.ge [sflag:s4], $0x80;
	vm0 =	vmor vm0, vm1  }
0x7f: {  	p0 =	sne.s32 s10, $0x1;
	[sflag:s4] =	ssyncset.done $0x0;
	vm0 =	vmand vm3, vm0  }
.Ltmp0:
0x80: {  	[sflag:s4] =	ssyncadd.s32 $0xFFFFFF80;
	v5 =	vnsel vm0, $0x0, v5;
	(pc) =	sbr.rel @!p0 .LBB2_2-.Ltmp0, $4  }
0x81: {  	s9 =	sadd.s32 $0x400, s7;
	[tilespmem:$0x80] =	vst v5  }
0x82: {  	[hbm4b:s9+s2] =	stream.linear.scatter [tilespmem:s5], [sflag:$0x1], $0x80, $0x38;
	[tilespmem:$0x100] =	vst v63  }
0x83: {  	_ =	swait.ge [sflag:s4], $0x80  }
0x84: {  	s10 =	sadd.s32 $0xFFFFFFFF, s10;
	[sflag:s4] =	ssyncset.done $0x0  }
.LBB2_1:
0x85: {  	p0 =	sne.s32 s10, $0x1;
	s10 =	sadd.s32 $0xFFFFFFFF, s10;
	[sflag:s4] =	ssyncadd.s32 $0xFFFFFF80  }
0x86: {  	[tilespmem:s5], [sflag:$0x1] =	stream.linear.gather [hbm4b:s3+s2], $0x80, $0x38;
	[tilespmem:$0x100] =	vst v63  }
0x87: {  	_ =	swait.ge [sflag:s4], $0x80  }
0x88: {  	[sflag:s4] =	ssyncset.done $0x0  }
0x89: {  	[sflag:s4] =	ssyncadd.s32 $0xFFFFFF80  }
0x8a: {  	v5 =	vld [tilespmem:$0x80]  }
0x8b: {  	[tilespmem:s2], [sflag:$0x1] =	stream.linear.gather [hbm4b:s6+s2], $0x80, $0x38;
	[tilespmem:$0x100] =	vst v63  }
0x8c: {  	_ =	swait.ge [sflag:s4], $0x80  }
0x8d: {  	[sflag:s4] =	ssyncset.done $0x0  }
0x8e: {  	[sflag:s4] =	ssyncadd.s32 $0xFFFFFF80  }
0x8f: {  	v6 =	vld [tilespmem:$0x0];
	(erf) = vrcp.f32 v5;
	_ =	sdelay $0x8  }
0x90: {  	v5 =	vpop (erf)  }
0x91: {  	v5 =	vmul.f32 v6, v5;
	_ =	sdelay $0x1  }
0x92: {  	v6 =	vperm.xlane v5, v0;
	_ =	sdelay $0x1  }
0x93: {  	v6 =	vmax.f32 v5, v6  }
0x94: {  	v7 =	vperm.xlane v6, v1;
	_ =	sdelay $0x1  }
0x95: {  	v6 =	vmax.f32 v6, v7  }
0x96: {  	v7 =	vperm.xlane v6, v2;
	_ =	sdelay $0x1  }
0x97: {  	v6 =	vmax.f32 v6, v7  }
0x98: {  	v7 =	vperm.xlane v6, v3;
	_ =	sdelay $0x1  }
0x99: {  	v6 =	vmax.f32 v6, v7  }
0x9a: {  	v5 =	vsub.f32 v5, v6;
	_ =	sdelay $0x1  }
0x9b: {  	v5 =	vmul.f32 $1.442695020e+00, v5;
	_ =	sdelay $0x1  }
0x9c: {  	(erf) = vpow2.f32 v5;
	_ =	sdelay $0x8  }
0x9d: {  	v5 =	vpop (erf)  }
0x9e: {  	v6 =	vperm.xlane v5, v0;
	_ =	sdelay $0x1  }
0x9f: {  	v6 =	vadd.f32 v5, v6;
	_ =	sdelay $0x1  }
0xa0: {  	v7 =	vperm.xlane v6, v1;
	_ =	sdelay $0x1  }
0xa1: {  	v6 =	vadd.f32 v6, v7;
	_ =	sdelay $0x1  }
0xa2: {  	v7 =	vperm.xlane v6, v2;
	_ =	sdelay $0x1  }
0xa3: {  	v6 =	vadd.f32 v6, v7;
	_ =	sdelay $0x1  }
0xa4: {  	v7 =	vperm.xlane v6, v3;
	_ =	sdelay $0x1  }
0xa5: {  	v6 =	vadd.f32 v6, v7;
	_ =	sdelay $0x1  }
0xa6: {  	(erf) = vrcp.f32 v6;
	_ =	sdelay $0x8  }
0xa7: {  	v6 =	vpop (erf)  }
0xa8: {  	v5 =	vmul.f32 v6, v5;
	_ =	sdelay $0x1  }
0xa9: {  	v6 =	vperm.xlane v5, v0;
	_ =	sdelay $0x1  }
0xaa: {  	v6 =	vmax.f32 v5, v6  }
0xab: {  	v7 =	vperm.xlane v6, v1;
	_ =	sdelay $0x1  }
0xac: {  	v6 =	vmax.f32 v6, v7  }
0xad: {  	v7 =	vperm.xlane v6, v2;
	_ =	sdelay $0x1  }
0xae: {  	v6 =	vmax.f32 v6, v7  }
0xaf: {  	v7 =	vperm.xlane v6, v3;
	_ =	sdelay $0x1  }
0xb0: {  	v6 =	vmax.f32 v6, v7  }
0xb1: {  	vm0 =	veq.f32 v5, v6  }
0xb2: {  	v6 =	vnsel vm0, $0x10, v4  }
0xb3: {  	v7 =	vperm.xlane v6, v0;
	_ =	sdelay $0x1  }
0xb4: {  	vm0 =	vlt.s32 v6, v7  }
0xb5: {  	v6 =	vsel vm0, v6, v7  }
0xb6: {  	v7 =	vperm.xlane v6, v1;
	_ =	sdelay $0x1  }
0xb7: {  	vm0 =	vlt.s32 v6, v7  }
0xb8: {  	v6 =	vsel vm0, v6, v7  }
0xb9: {  	v7 =	vperm.xlane v6, v2;
	_ =	sdelay $0x1  }
0xba: {  	vm0 =	vlt.s32 v6, v7  }
0xbb: {  	v6 =	vsel vm0, v6, v7  }
0xbc: {  	v7 =	vperm.xlane v6, v3;
	_ =	sdelay $0x1  }
0xbd: {  	vm0 =	vlt.s32 v6, v7  }
0xbe: {  	v6 =	vsel vm0, v6, v7  }
0xbf: {  	vm0 =	vgt.f32 v5, $1.000000050e-03;
	vm1 =	veq.s32 v6, v4  }
0xc0: {  	vm2 =	vmand vm0, vm1;
	v6 =	vsel vm1, $0xBF800000, v5  }
0xc1: {  	v7 =	vnsel vm2, $0x0, v5;
	v8 =	vperm.xlane v6, v0  }
0xc2: {  	[tilespmem:$0x80] =	vst v7  }
0xc3: {  	[hbm4b:s7+s2] =	stream.linear.scatter [tilespmem:s5], [sflag:$0x1], $0x80, $0x38;
	v7 =	vmax.f32 v6, v8;
	[tilespmem:$0x100] =	vst v63  }
0xc4: {  	_ =	swait.ge [sflag:s4], $0x80;
	v8 =	vperm.xlane v7, v1;
	_ =	sdelay $0x1  }
0xc5: {  	v7 =	vmax.f32 v7, v8  }
0xc6: {  	v8 =	vperm.xlane v7, v2;
	_ =	sdelay $0x1  }
0xc7: {  	v7 =	vmax.f32 v7, v8  }
0xc8: {  	v8 =	vperm.xlane v7, v3;
	_ =	sdelay $0x1  }
0xc9: {  	v7 =	vmax.f32 v7, v8  }
0xca: {  	vm2 =	veq.f32 v6, v7  }
0xcb: {  	v7 =	vnsel vm2, $0x10, v4  }
0xcc: {  	v8 =	vperm.xlane v7, v0;
	_ =	sdelay $0x1  }
0xcd: {  	vm2 =	vlt.s32 v7, v8  }
0xce: {  	v7 =	vsel vm2, v7, v8  }
0xcf: {  	v8 =	vperm.xlane v7, v1;
	_ =	sdelay $0x1  }
0xd0: {  	vm2 =	vlt.s32 v7, v8  }
0xd1: {  	v7 =	vsel vm2, v7, v8  }
0xd2: {  	v8 =	vperm.xlane v7, v2;
	_ =	sdelay $0x1  }
0xd3: {  	vm2 =	vlt.s32 v7, v8  }
0xd4: {  	v7 =	vsel vm2, v7, v8  }
0xd5: {  	v8 =	vperm.xlane v7, v3;
	_ =	sdelay $0x1  }
0xd6: {  	vm2 =	vlt.s32 v7, v8  }
0xd7: {  	v7 =	vsel vm2, v7, v8  }
0xd8: {  	vm2 =	veq.s32 v7, v4  }
0xd9: {  	vm1 =	vmor vm1, vm2;
	v6 =	vsel vm2, $0xBF800000, v6  }
0xda: {  	[sflag:s4] =	ssyncset.done $0x0;
	vm2 =	vmand vm0, vm1;
	v7 =	vperm.xlane v6, v0  }
0xdb: {  	[sflag:s4] =	ssyncadd.s32 $0xFFFFFF80;
	v8 =	vnsel vm2, $0x0, v5  }
0xdc: {  	[tilespmem:$0x80] =	vst v8;
	v7 =	vmax.f32 v6, v7  }
0xdd: {  	[hbm4b:s8+s2] =	stream.linear.scatter [tilespmem:s5], [sflag:$0x1], $0x80, $0x38;
	v8 =	vperm.xlane v7, v1;
	[tilespmem:$0x100] =	vst v63  }
0xde: {  	_ = 	snop  }
0xdf: {  	v7 =	vmax.f32 v7, v8  }
0xe0: {  	v8 =	vperm.xlane v7, v2;
	_ =	sdelay $0x1  }
0xe1: {  	v7 =	vmax.f32 v7, v8  }
0xe2: {  	v8 =	vperm.xlane v7, v3;
	_ =	sdelay $0x1  }
0xe3: {  	v7 =	vmax.f32 v7, v8  }
0xe4: {  	vm2 =	veq.f32 v6, v7  }
0xe5: {  	v6 =	vnsel vm2, $0x10, v4  }
0xe6: {  	v7 =	vperm.xlane v6, v0;
	_ =	sdelay $0x1  }
0xe7: {  	vm2 =	vlt.s32 v6, v7  }
0xe8: {  	v6 =	vsel vm2, v6, v7  }
0xe9: {  	v7 =	vperm.xlane v6, v1;
	_ =	sdelay $0x1  }
0xea: {  	vm2 =	vlt.s32 v6, v7  }
0xeb: {  	v6 =	vsel vm2, v6, v7  }
0xec: {  	v7 =	vperm.xlane v6, v2;
	_ =	sdelay $0x1  }
0xed: {  	vm2 =	vlt.s32 v6, v7  }
0xee: {  	v6 =	vsel vm2, v6, v7  }
0xef: {  	v7 =	vperm.xlane v6, v3;
	_ =	sdelay $0x1  }
0xf0: {  	vm2 =	vlt.s32 v6, v7  }
0xf1: {  	v6 =	vsel vm2, v6, v7  }
0xf2: {  	vm2 =	veq.s32 v6, v4  }
0xf3: {  	_ =	swait.ge [sflag:s4], $0x80;
	vm1 =	vmor vm1, vm2  }
0xf4: {  	[sflag:s4] =	ssyncset.done $0x0;
	vm0 =	vmand vm0, vm1  }
.Ltmp1:
0xf5: {  	[sflag:s4] =	ssyncadd.s32 $0xFFFFFF80;
	v5 =	vnsel vm0, $0x0, v5;
	(pc) =	sbr.rel @p0 .LBB2_1-.Ltmp1, $4  }
0xf6: {  	[tilespmem:$0x80] =	vst v5  }
0xf7: {  	[hbm4b:s9+s2] =	stream.linear.scatter [tilespmem:s5], [sflag:$0x1], $0x80, $0x38;
	[tilespmem:$0x100] =	vst v63  }
0xf8: {  	_ =	swait.ge [sflag:s4], $0x80  }
0xf9: {  	[sflag:s4] =	ssyncset.done $0x0  }
.LBB2_2:
0xfa: {  	[sflag:s4] =	ssyncadd.s32 $0xFFFFFF80  }
0xfb: {  	_ =	sfence.sel $0x180000  }
0xfc: {  	[bflag:$0x0] =	sbarrier.arrive $0xFFFF  }
0xfd: {  	p0 =	sne.s32 s1, $0x0;
	_ =	strace $0x90000047  }
0xfe: {  	s0 =	sadd.s32 @!p0 $0x100000, s0;
	[bflag:$0x2] =	sbarrier.arrive $0xFFFF  }
0xff: {  	[sflag:s0] =	ssyncadd.tile.s32 @!p0 $0x1;
	_ =	shalt  }
.Lfunc_end2:
_tile_overlayer_lowered:
.L_overlay_start_2:
0x100: {  	(tag) =	ssettag $0x2  }
0x101: {  	s0 =	rddreg [dreg:$0x0];
	s2 =	stileid.u32  }
0x102: {  	s1 =	rddreg [dreg:$0x1];
	p0 =	sne.s32 s2, $0x0  }
0x103: {  	s3 =	rddreg [dreg:$0x2];
	[bflag:$0x3] =	sbarrier.arrive $0xFFFF;
	s2 =	simm.s32 @!p0 $0x1C01  }
0x104: {  	[timem:s3], [sflag:s2] =	dma.local @!p0 [hbm:s0], s1  }
0x105: {  	s0 =	simm.s32 @!p0 $0x1  }
0x106: {  	_ =	swait.ge @!p0 [sflag:s0], s1  }
0x107: {  	s1 =	ssub.s32 @!p0 $0x0, s1;
	[sflag:s0] =	ssyncset.done @!p0 $0x0  }
0x108: {  	[sflag:s0] =	ssyncadd.s32 @!p0 s1  }
0x109: {  	[bflag:$0x3] =	sbarrier.arrive $0xFFFF  }
0x10a: {  	_ =	shalt  }

</sc_bundles>
